<compile_context>
chip_gen: v7x
topology: tpu7x:2x2x1
jax: 0.10.2.dev20260603
libtpu: 0.0.44.dev20260713+nightly
codegen_flags: <defaults>
</compile_context>

<pallas_src>
import functools

import jax
import jax.numpy as jnp
from jax import lax
from jax.experimental import pallas as pl
from jax.experimental.pallas import tpu as pltpu
from jax.experimental.pallas import tpu_sc as plsc

N = 10000
E = 160000
D = 256
L = 5
G = 64
T = 128

RB = 256
NPAD = 10240
NTEC = 16
EB = 128
NB = 79
EPAD = NTEC * NB * EB
RPT = NPAD // NTEC

@functools.cache
def _get_sc_aggregate():
    mesh = plsc.VectorSubcoreMesh(core_axis_name="c", subcore_axis_name="s")

    @functools.partial(
        pl.kernel,
        mesh=mesh,
        out_type=jax.ShapeDtypeStruct((2, NPAD, 128), jnp.float32),
        scratch_types=[
            pltpu.VMEM((EB,), jnp.int32),
            pltpu.VMEM((EB,), jnp.int32),
            pltpu.VMEM((EB, 128), jnp.float32),
            pltpu.VMEM_SHARED((NPAD, 128), jnp.float32),
            pltpu.SemaphoreType.DMA,
        ],
    )
    def sc_aggregate(h_hbm, src_hbm, dst_hbm, out_hbm,
                     sbuf, dbuf, bufa, acc, sga):
        core = lax.axis_index("c")
        s = lax.axis_index("s")
        base = s * RPT
        pltpu.sync_copy(h_hbm.at[core].at[pl.ds(base, RPT)],
                        acc.at[pl.ds(base, RPT)])
        plsc.subcore_barrier()

        def body(b, carry):
            pltpu.sync_copy(src_hbm.at[s].at[b], sbuf)
            pltpu.sync_copy(dst_hbm.at[s].at[b], dbuf)
            pltpu.async_copy(h_hbm.at[core].at[sbuf], bufa, sga).wait()
            pltpu.sync_copy(bufa, acc.at[dbuf], add=True)
            return carry

        lax.fori_loop(0, NB, body, 0)

        plsc.subcore_barrier()
        pltpu.sync_copy(acc.at[pl.ds(base, RPT)],
                        out_hbm.at[core].at[pl.ds(base, RPT)])

    return sc_aggregate


def _mlp_body(eps_ref, h_ref, hp_ref, w1_ref, b1_ref, w2_ref, b2_ref,
              out_ref, *, last):
    h = jnp.concatenate([h_ref[0], h_ref[1]], axis=-1)
    hp = jnp.concatenate([hp_ref[0], hp_ref[1]], axis=-1)
    z = hp + eps_ref[0, 0] * h
    z = jnp.maximum(
        jnp.dot(z, w1_ref[...], preferred_element_type=jnp.float32)
        + b1_ref[...], 0.0)
    hn = jnp.dot(z, w2_ref[...], preferred_element_type=jnp.float32) \
        + b2_ref[...]
    if not last:
        hn = jnp.maximum(hn, 0.0)
    out_ref[0] = hn[:, :128]
    out_ref[1] = hn[:, 128:]


def _mlp_call(eps_l, h, hp, w1, b1, w2, b2, last):
    return pl.pallas_call(
        functools.partial(_mlp_body, last=last),
        grid=(NPAD // RB,),
        in_specs=[
            pl.BlockSpec(memory_space=pltpu.SMEM),
            pl.BlockSpec((2, RB, 128), lambda i: (0, i, 0)),
            pl.BlockSpec((2, RB, 128), lambda i: (0, i, 0)),
            pl.BlockSpec((D, 2 * D), lambda i: (0, 0)),
            pl.BlockSpec((1, 2 * D), lambda i: (0, 0)),
            pl.BlockSpec((2 * D, D), lambda i: (0, 0)),
            pl.BlockSpec((1, D), lambda i: (0, 0)),
        ],
        out_specs=pl.BlockSpec((2, RB, 128), lambda i: (0, i, 0)),
        out_shape=jax.ShapeDtypeStruct((2, NPAD, 128), jnp.float32),
    )(eps_l, h, hp, w1, b1, w2, b2)


def _final_body(h_ref, b_ref, wn_ref, bn_ref, wp1_ref, bp1_ref,
                wp2_ref, bp2_ref, out_ref, seg, cnt):
    i = pl.program_id(0)

    @pl.when(i == 0)
    def _init():
        seg[...] = jnp.zeros_like(seg)
        cnt[...] = jnp.zeros_like(cnt)

    h = jnp.concatenate([h_ref[0], h_ref[1]], axis=-1)
    hn = jnp.maximum(
        jnp.dot(h, wn_ref[...], preferred_element_type=jnp.float32)
        + bn_ref[...], 0.0)
    bb = b_ref[0, 0, :].reshape(RB, 1)
    hn = jnp.where(bb < G, hn, 0.0)
    onehot = (bb == lax.broadcasted_iota(jnp.int32, (RB, G), 1)
              ).astype(jnp.float32)
    seg[...] += lax.dot_general(onehot, hn, (((0,), (0,)), ((), ())),
                                preferred_element_type=jnp.float32)
    cnt[...] += lax.dot_general(onehot, jnp.ones((RB, 1), jnp.float32),
                                (((0,), (0,)), ((), ())),
                                preferred_element_type=jnp.float32)

    @pl.when(i == NPAD // RB - 1)
    def _tail():
        g = seg[...] / jnp.maximum(cnt[...], 1.0)
        g = jnp.maximum(
            jnp.dot(g, wp1_ref[...], preferred_element_type=jnp.float32)
            + bp1_ref[...], 0.0)
        out_ref[...] = jnp.dot(g, wp2_ref[...],
                               preferred_element_type=jnp.float32) \
            + bp2_ref[...]


def _final_call(h, batch3d, wn, bn, wp1, bp1, wp2, bp2):
    return pl.pallas_call(
        _final_body,
        grid=(NPAD // RB,),
        in_specs=[
            pl.BlockSpec((2, RB, 128), lambda i: (0, i, 0)),
            pl.BlockSpec((1, 1, RB), lambda i: (i, 0, 0)),
            pl.BlockSpec((D, D), lambda i: (0, 0)),
            pl.BlockSpec((1, D), lambda i: (0, 0)),
            pl.BlockSpec((D, D), lambda i: (0, 0)),
            pl.BlockSpec((1, D), lambda i: (0, 0)),
            pl.BlockSpec((D, T), lambda i: (0, 0)),
            pl.BlockSpec((1, T), lambda i: (0, 0)),
        ],
        out_specs=pl.BlockSpec((G, T), lambda i: (0, 0)),
        out_shape=jax.ShapeDtypeStruct((G, T), jnp.float32),
        scratch_shapes=[
            pltpu.VMEM((G, D), jnp.float32),
            pltpu.VMEM((G, 1), jnp.float32),
        ],
    )(h, batch3d, wn, bn, wp1, bp1, wp2, bp2)


def kernel(x, edge_index, batch, W1, b1, W2, b2, eps, Wn, bn,
           Wp1, bp1, Wp2, bp2):
    src = edge_index[0]
    dst = edge_index[1]
    src_p = jnp.concatenate(
        [src, jnp.zeros((EPAD - E,), jnp.int32)]).reshape(NTEC, NB, EB)
    dst_p = jnp.concatenate(
        [dst, jnp.full((EPAD - E,), N, jnp.int32)]).reshape(NTEC, NB, EB)
    xp = jnp.pad(x, ((0, NPAD - N), (0, 0)))
    h = jnp.stack([xp[:, :128], xp[:, 128:]])
    batch3d = jnp.pad(batch, (0, NPAD - N), constant_values=G).reshape(
        NPAD // RB, 1, RB)

    sc_aggregate = _get_sc_aggregate()
    for l in range(L):
        hp = sc_aggregate(h, src_p, dst_p)
        h = _mlp_call(eps[l].reshape(1, 1), h, hp,
                      W1[l], b1[l].reshape(1, 2 * D),
                      W2[l], b2[l].reshape(1, D), last=(l == L - 1))

    return _final_call(h, batch3d, Wn, bn.reshape(1, D),
                       Wp1, bp1.reshape(1, D), Wp2, bp2.reshape(1, T))

# --- scband reference (transcript-rebuilt; emitter-appended) ---
"""Pipeline reference for scband-gnn-56152402428606 (READ-ONLY COPY).

The authoritative reference and input builder live on the scoring server;
editing this copy changes nothing except your own understanding.
"""

import jax, jax.numpy as jnp
import numpy as np

N = 10000
E = 160000
D = 256
L = 5
G = 64
T = 128


def setup_inputs(seed: int = 0) -> dict:
    key = jax.random.key(seed)
    ks = jax.random.split(key, 20)
    x = jax.random.normal(ks[0], (N, D), dtype=jnp.float32)
    edge_index = jax.random.randint(ks[1], (2, E), 0, N, dtype=jnp.int32)
    batch = jnp.sort(jax.random.randint(ks[2], (N,), 0, G, dtype=jnp.int32))
    s1 = 1.0 / np.sqrt(D)
    s2 = 1.0 / np.sqrt(2 * D)
    # GIN per-layer 2-layer MLPs: D -> 2D -> D, stacked over L layers
    W1 = jax.random.normal(ks[3], (L, D, 2 * D), dtype=jnp.float32) * s1
    b1 = jnp.zeros((L, 2 * D), dtype=jnp.float32)
    W2 = jax.random.normal(ks[4], (L, 2 * D, D), dtype=jnp.float32) * s2
    b2 = jnp.zeros((L, D), dtype=jnp.float32)
    eps = jnp.zeros((L,), dtype=jnp.float32)
    # node2node MLP (1 layer, tailact=True)
    Wn = jax.random.normal(ks[5], (D, D), dtype=jnp.float32) * s1
    bn = jnp.zeros((D,), dtype=jnp.float32)
    # pred_lin MLP (2 layers, tailact=False)
    Wp1 = jax.random.normal(ks[6], (D, D), dtype=jnp.float32) * s1
    bp1 = jnp.zeros((D,), dtype=jnp.float32)
    Wp2 = jax.random.normal(ks[7], (D, T), dtype=jnp.float32) * s1
    bp2 = jnp.zeros((T,), dtype=jnp.float32)
    return {"x": x, "edge_index": edge_index, "batch": batch,
            "W1": W1, "b1": b1, "W2": W2, "b2": b2, "eps": eps,
            "Wn": Wn, "bn": bn, "Wp1": Wp1, "bp1": bp1, "Wp2": Wp2, "bp2": bp2}


def reference(x, edge_index, batch, W1, b1, W2, b2, eps, Wn, bn, Wp1, bp1, Wp2, bp2):
    src = edge_index[0]
    dst = edge_index[1]
    h = x
    for l in range(L):
        # GIN message passing: sum-aggregate neighbor features (scatter-add)
        agg = jnp.zeros_like(h).at[dst].add(h[src])
        z = (1.0 + eps[l]) * h + agg
        z = jax.nn.relu(z @ W1[l] + b1[l])
        h = z @ W2[l] + b2[l]
        if l < L - 1:
            h = jax.nn.relu(h)
    # node2node MLP with tail activation
    h = jax.nn.relu(h @ Wn + bn)
    # mean pooling over graphs (segment reduce)
    seg = jax.ops.segment_sum(h, batch, num_segments=G)
    cnt = jax.ops.segment_sum(jnp.ones((N, 1), dtype=jnp.float32), batch, num_segments=G)
    g = seg / jnp.maximum(cnt, 1.0)
    # prediction head
    g = jax.nn.relu(g @ Wp1 + bp1)
    out = g @ Wp2 + bp2
    return out

if __name__ == "__main__":
    import jax
    _d = setup_inputs()
    print(jax.jit(kernel)(*tuple(_d.values())))

</pallas_src>

<mosaic_0001>
#map = affine_map<(d0, d1) -> (0, 0, 0)>
module attributes {stable_mosaic.version = 14 : i64} {
  func.func @sc_aggregate(%arg0: i32, %arg1: i32, %arg2: memref<2x10240x128xf32, #tpu.memory_space<hbm>>, %arg3: memref<16x79x128xi32, #tpu.memory_space<hbm>>, %arg4: memref<16x79x128xi32, #tpu.memory_space<hbm>>, %arg5: memref<2x10240x128xf32, #tpu.memory_space<hbm>>, %arg6: memref<128xi32, #tpu.memory_space<vmem>>, %arg7: memref<128xi32, #tpu.memory_space<vmem>>, %arg8: memref<128x128xf32, #tpu.memory_space<vmem>>, %arg9: memref<10240x128xf32, #tpu.memory_space<vmem_shared>>, %arg10: memref<!tpu.dma_semaphore, #tpu.memory_space<semaphore_mem>>) attributes {dimension_semantics = [#tpu.dimension_semantics<core_parallel>, #tpu.dimension_semantics<subcore_parallel>], iteration_bounds = array<i64: 2, 16>, scalar_prefetch = 0 : i64, scratch_operands = 5 : i64, tpu.core_type = #tpu.core_type<sc_vector_subcore>, window_params = [{transform_indices = #map}, {transform_indices = #map}, {transform_indices = #map}, {transform_indices = #map}]} {
    %mul3A = arith.constant 640 : i32
    %mul3A_0 = arith.muli %arg1, %mul3A : i32
    "tpu.region"() ({
      %run_scoped3A = tpu.sem_alloc : memref<!tpu.dma_semaphore, #tpu.memory_space<semaphore_mem>>
      %dma_start3A = arith.constant 0 : i32
      %dma_start3A_7 = tpu.memref_slice %arg9[%mul3A_0, %dma_start3A] : memref<10240x128xf32, #tpu.memory_space<vmem_shared>> -> memref<640x128xf32, #tpu.memory_space<vmem_shared>>
      %dma_start3A_8 = arith.constant 0 : i32
      %dma_start3A_9 = arith.constant 0 : i32
      %dma_start3A_10 = tpu.memref_slice %arg2[%arg0, %dma_start3A_8, %dma_start3A_9] : memref<2x10240x128xf32, #tpu.memory_space<hbm>> -> memref<1x10240x128xf32, #tpu.memory_space<hbm>>
      %dma_start3A_11 = tpu.memref_squeeze %dma_start3A_10 : memref<1x10240x128xf32, #tpu.memory_space<hbm>> -> memref<10240x128xf32, #tpu.memory_space<hbm>>
      %dma_start3A_12 = arith.constant 0 : i32
      %dma_start3A_13 = tpu.memref_slice %dma_start3A_11[%mul3A_0, %dma_start3A_12] : memref<10240x128xf32, #tpu.memory_space<hbm>> -> memref<640x128xf32, #tpu.memory_space<hbm>>
      tpu.enqueue_dma source(%dma_start3A_13 : memref<640x128xf32, #tpu.memory_space<hbm>>) target(%dma_start3A_7 : memref<640x128xf32, #tpu.memory_space<vmem_shared>>) target_semaphore(%run_scoped3A : memref<!tpu.dma_semaphore, #tpu.memory_space<semaphore_mem>>)
      %dma_wait3A = arith.constant 0 : i32
      %dma_wait3A_14 = tpu.memref_slice %arg9[%mul3A_0, %dma_wait3A] : memref<10240x128xf32, #tpu.memory_space<vmem_shared>> -> memref<640x128xf32, #tpu.memory_space<vmem_shared>>
      %dma_wait3A_15 = arith.constant 0 : i32
      %dma_wait3A_16 = arith.constant 0 : i32
      %dma_wait3A_17 = tpu.memref_slice %arg2[%arg0, %dma_wait3A_15, %dma_wait3A_16] : memref<2x10240x128xf32, #tpu.memory_space<hbm>> -> memref<1x10240x128xf32, #tpu.memory_space<hbm>>
      %dma_wait3A_18 = tpu.memref_squeeze %dma_wait3A_17 : memref<1x10240x128xf32, #tpu.memory_space<hbm>> -> memref<10240x128xf32, #tpu.memory_space<hbm>>
      %dma_wait3A_19 = arith.constant 0 : i32
      %dma_wait3A_20 = tpu.memref_slice %dma_wait3A_18[%mul3A_0, %dma_wait3A_19] : memref<10240x128xf32, #tpu.memory_space<hbm>> -> memref<640x128xf32, #tpu.memory_space<hbm>>
      tpu.wait_dma2 semaphore(%run_scoped3A : memref<!tpu.dma_semaphore, #tpu.memory_space<semaphore_mem>>) src(%dma_wait3A_20 : memref<640x128xf32, #tpu.memory_space<hbm>>) dst(%dma_wait3A_14 : memref<640x128xf32, #tpu.memory_space<vmem_shared>>)
      tpu.yield
    }) : () -> ()
    %barrier3A = arith.constant 0 : index
    tpu.barrier barrier_id(%barrier3A)
    %scan3A = arith.constant 0 : i32
    %scan3A_1 = arith.constant 0 : i32
    %scan3A_2 = arith.constant 79 : i32
    %scan3A_3 = arith.addi %scan3A_1, %scan3A_2 : i32
    %scan3A_4 = arith.constant 1 : i32
    scf.for %scan3A_7 = %scan3A_1 to %scan3A_3 step %scan3A_4  : i32 {
      "tpu.region"() ({
        %run_scoped3A = tpu.sem_alloc : memref<!tpu.dma_semaphore, #tpu.memory_space<semaphore_mem>>
        %dma_start3A_20 = arith.constant 0 : i32
        %dma_start3A_21 = arith.constant 0 : i32
        %dma_start3A_22 = tpu.memref_slice %arg3[%arg1, %dma_start3A_20, %dma_start3A_21] : memref<16x79x128xi32, #tpu.memory_space<hbm>> -> memref<1x79x128xi32, #tpu.memory_space<hbm>>
        %dma_start3A_23 = tpu.memref_squeeze %dma_start3A_22 : memref<1x79x128xi32, #tpu.memory_space<hbm>> -> memref<79x128xi32, #tpu.memory_space<hbm>>
        %dma_start3A_24 = arith.constant 0 : i32
        %dma_start3A_25 = tpu.memref_slice %dma_start3A_23[%scan3A_7, %dma_start3A_24] : memref<79x128xi32, #tpu.memory_space<hbm>> -> memref<1x128xi32, #tpu.memory_space<hbm>>
        %dma_start3A_26 = tpu.memref_squeeze %dma_start3A_25 : memref<1x128xi32, #tpu.memory_space<hbm>> -> memref<128xi32, #tpu.memory_space<hbm>>
        %dma_start3A_27 = arith.constant 0 : i32
        %dma_start3A_28 = arith.constant 0 : i32
        %dma_start3A_29 = tpu.memref_slice %arg3[%arg1, %dma_start3A_27, %dma_start3A_28] : memref<16x79x128xi32, #tpu.memory_space<hbm>> -> memref<1x79x128xi32, #tpu.memory_space<hbm>>
        %dma_start3A_30 = tpu.memref_squeeze %dma_start3A_29 : memref<1x79x128xi32, #tpu.memory_space<hbm>> -> memref<79x128xi32, #tpu.memory_space<hbm>>
        %dma_start3A_31 = arith.constant 0 : i32
        %dma_start3A_32 = tpu.memref_slice %dma_start3A_30[%scan3A_7, %dma_start3A_31] : memref<79x128xi32, #tpu.memory_space<hbm>> -> memref<1x128xi32, #tpu.memory_space<hbm>>
        %dma_start3A_33 = tpu.memref_squeeze %dma_start3A_32 : memref<1x128xi32, #tpu.memory_space<hbm>> -> memref<128xi32, #tpu.memory_space<hbm>>
        tpu.enqueue_dma source(%dma_start3A_33 : memref<128xi32, #tpu.memory_space<hbm>>) target(%arg6 : memref<128xi32, #tpu.memory_space<vmem>>) target_semaphore(%run_scoped3A : memref<!tpu.dma_semaphore, #tpu.memory_space<semaphore_mem>>)
        %dma_wait3A_34 = arith.constant 0 : i32
        %dma_wait3A_35 = arith.constant 0 : i32
        %dma_wait3A_36 = tpu.memref_slice %arg3[%arg1, %dma_wait3A_34, %dma_wait3A_35] : memref<16x79x128xi32, #tpu.memory_space<hbm>> -> memref<1x79x128xi32, #tpu.memory_space<hbm>>
        %dma_wait3A_37 = tpu.memref_squeeze %dma_wait3A_36 : memref<1x79x128xi32, #tpu.memory_space<hbm>> -> memref<79x128xi32, #tpu.memory_space<hbm>>
        %dma_wait3A_38 = arith.constant 0 : i32
        %dma_wait3A_39 = tpu.memref_slice %dma_wait3A_37[%scan3A_7, %dma_wait3A_38] : memref<79x128xi32, #tpu.memory_space<hbm>> -> memref<1x128xi32, #tpu.memory_space<hbm>>
        %dma_wait3A_40 = tpu.memref_squeeze %dma_wait3A_39 : memref<1x128xi32, #tpu.memory_space<hbm>> -> memref<128xi32, #tpu.memory_space<hbm>>
        %dma_wait3A_41 = arith.constant 0 : i32
        %dma_wait3A_42 = arith.constant 0 : i32
        %dma_wait3A_43 = tpu.memref_slice %arg3[%arg1, %dma_wait3A_41, %dma_wait3A_42] : memref<16x79x128xi32, #tpu.memory_space<hbm>> -> memref<1x79x128xi32, #tpu.memory_space<hbm>>
        %dma_wait3A_44 = tpu.memref_squeeze %dma_wait3A_43 : memref<1x79x128xi32, #tpu.memory_space<hbm>> -> memref<79x128xi32, #tpu.memory_space<hbm>>
        %dma_wait3A_45 = arith.constant 0 : i32
        %dma_wait3A_46 = tpu.memref_slice %dma_wait3A_44[%scan3A_7, %dma_wait3A_45] : memref<79x128xi32, #tpu.memory_space<hbm>> -> memref<1x128xi32, #tpu.memory_space<hbm>>
        %dma_wait3A_47 = tpu.memref_squeeze %dma_wait3A_46 : memref<1x128xi32, #tpu.memory_space<hbm>> -> memref<128xi32, #tpu.memory_space<hbm>>
        tpu.wait_dma2 semaphore(%run_scoped3A : memref<!tpu.dma_semaphore, #tpu.memory_space<semaphore_mem>>) src(%dma_wait3A_47 : memref<128xi32, #tpu.memory_space<hbm>>) dst(%arg6 : memref<128xi32, #tpu.memory_space<vmem>>)
        tpu.yield
      }) : () -> ()
      "tpu.region"() ({
        %run_scoped3A = tpu.sem_alloc : memref<!tpu.dma_semaphore, #tpu.memory_space<semaphore_mem>>
        %dma_start3A_20 = arith.constant 0 : i32
        %dma_start3A_21 = arith.constant 0 : i32
        %dma_start3A_22 = tpu.memref_slice %arg4[%arg1, %dma_start3A_20, %dma_start3A_21] : memref<16x79x128xi32, #tpu.memory_space<hbm>> -> memref<1x79x128xi32, #tpu.memory_space<hbm>>
        %dma_start3A_23 = tpu.memref_squeeze %dma_start3A_22 : memref<1x79x128xi32, #tpu.memory_space<hbm>> -> memref<79x128xi32, #tpu.memory_space<hbm>>
        %dma_start3A_24 = arith.constant 0 : i32
        %dma_start3A_25 = tpu.memref_slice %dma_start3A_23[%scan3A_7, %dma_start3A_24] : memref<79x128xi32, #tpu.memory_space<hbm>> -> memref<1x128xi32, #tpu.memory_space<hbm>>
        %dma_start3A_26 = tpu.memref_squeeze %dma_start3A_25 : memref<1x128xi32, #tpu.memory_space<hbm>> -> memref<128xi32, #tpu.memory_space<hbm>>
        %dma_start3A_27 = arith.constant 0 : i32
        %dma_start3A_28 = arith.constant 0 : i32
        %dma_start3A_29 = tpu.memref_slice %arg4[%arg1, %dma_start3A_27, %dma_start3A_28] : memref<16x79x128xi32, #tpu.memory_space<hbm>> -> memref<1x79x128xi32, #tpu.memory_space<hbm>>
        %dma_start3A_30 = tpu.memref_squeeze %dma_start3A_29 : memref<1x79x128xi32, #tpu.memory_space<hbm>> -> memref<79x128xi32, #tpu.memory_space<hbm>>
        %dma_start3A_31 = arith.constant 0 : i32
        %dma_start3A_32 = tpu.memref_slice %dma_start3A_30[%scan3A_7, %dma_start3A_31] : memref<79x128xi32, #tpu.memory_space<hbm>> -> memref<1x128xi32, #tpu.memory_space<hbm>>
        %dma_start3A_33 = tpu.memref_squeeze %dma_start3A_32 : memref<1x128xi32, #tpu.memory_space<hbm>> -> memref<128xi32, #tpu.memory_space<hbm>>
        tpu.enqueue_dma source(%dma_start3A_33 : memref<128xi32, #tpu.memory_space<hbm>>) target(%arg7 : memref<128xi32, #tpu.memory_space<vmem>>) target_semaphore(%run_scoped3A : memref<!tpu.dma_semaphore, #tpu.memory_space<semaphore_mem>>)
        %dma_wait3A_34 = arith.constant 0 : i32
        %dma_wait3A_35 = arith.constant 0 : i32
        %dma_wait3A_36 = tpu.memref_slice %arg4[%arg1, %dma_wait3A_34, %dma_wait3A_35] : memref<16x79x128xi32, #tpu.memory_space<hbm>> -> memref<1x79x128xi32, #tpu.memory_space<hbm>>
        %dma_wait3A_37 = tpu.memref_squeeze %dma_wait3A_36 : memref<1x79x128xi32, #tpu.memory_space<hbm>> -> memref<79x128xi32, #tpu.memory_space<hbm>>
        %dma_wait3A_38 = arith.constant 0 : i32
        %dma_wait3A_39 = tpu.memref_slice %dma_wait3A_37[%scan3A_7, %dma_wait3A_38] : memref<79x128xi32, #tpu.memory_space<hbm>> -> memref<1x128xi32, #tpu.memory_space<hbm>>
        %dma_wait3A_40 = tpu.memref_squeeze %dma_wait3A_39 : memref<1x128xi32, #tpu.memory_space<hbm>> -> memref<128xi32, #tpu.memory_space<hbm>>
        %dma_wait3A_41 = arith.constant 0 : i32
        %dma_wait3A_42 = arith.constant 0 : i32
        %dma_wait3A_43 = tpu.memref_slice %arg4[%arg1, %dma_wait3A_41, %dma_wait3A_42] : memref<16x79x128xi32, #tpu.memory_space<hbm>> -> memref<1x79x128xi32, #tpu.memory_space<hbm>>
        %dma_wait3A_44 = tpu.memref_squeeze %dma_wait3A_43 : memref<1x79x128xi32, #tpu.memory_space<hbm>> -> memref<79x128xi32, #tpu.memory_space<hbm>>
        %dma_wait3A_45 = arith.constant 0 : i32
        %dma_wait3A_46 = tpu.memref_slice %dma_wait3A_44[%scan3A_7, %dma_wait3A_45] : memref<79x128xi32, #tpu.memory_space<hbm>> -> memref<1x128xi32, #tpu.memory_space<hbm>>
        %dma_wait3A_47 = tpu.memref_squeeze %dma_wait3A_46 : memref<1x128xi32, #tpu.memory_space<hbm>> -> memref<128xi32, #tpu.memory_space<hbm>>
        tpu.wait_dma2 semaphore(%run_scoped3A : memref<!tpu.dma_semaphore, #tpu.memory_space<semaphore_mem>>) src(%dma_wait3A_47 : memref<128xi32, #tpu.memory_space<hbm>>) dst(%arg7 : memref<128xi32, #tpu.memory_space<vmem>>)
        tpu.yield
      }) : () -> ()
      %dma_start3A = arith.constant 0 : i32
      %dma_start3A_8 = arith.constant 0 : i32
      %dma_start3A_9 = tpu.memref_slice %arg2[%arg0, %dma_start3A, %dma_start3A_8] : memref<2x10240x128xf32, #tpu.memory_space<hbm>> -> memref<1x10240x128xf32, #tpu.memory_space<hbm>>
      %dma_start3A_10 = tpu.memref_squeeze %dma_start3A_9 : memref<1x10240x128xf32, #tpu.memory_space<hbm>> -> memref<10240x128xf32, #tpu.memory_space<hbm>>
      %dma_start3A_11 = arith.constant 0 : i32
      %dma_start3A_12 = arith.constant 0 : i32
      %dma_start3A_13 = tpu.memref_slice %dma_start3A_10[%dma_start3A_11, %dma_start3A_12] : memref<10240x128xf32, #tpu.memory_space<hbm>> -> memref<10240x128xf32, #tpu.memory_space<hbm>>
      tpu.enqueue_indirect_dma source(%dma_start3A_13 : memref<10240x128xf32, #tpu.memory_space<hbm>>) target(%arg8 : memref<128x128xf32, #tpu.memory_space<vmem>>) offsets(%arg6 : memref<128xi32, #tpu.memory_space<vmem>>) semaphore(%arg10 : memref<!tpu.dma_semaphore, #tpu.memory_space<semaphore_mem>>)
      %dma_wait3A = arith.constant 0 : i32
      %dma_wait3A_14 = arith.constant 0 : i32
      %dma_wait3A_15 = tpu.memref_slice %arg2[%arg0, %dma_wait3A, %dma_wait3A_14] : memref<2x10240x128xf32, #tpu.memory_space<hbm>> -> memref<1x10240x128xf32, #tpu.memory_space<hbm>>
      %dma_wait3A_16 = tpu.memref_squeeze %dma_wait3A_15 : memref<1x10240x128xf32, #tpu.memory_space<hbm>> -> memref<10240x128xf32, #tpu.memory_space<hbm>>
      %dma_wait3A_17 = arith.constant 0 : i32
      %dma_wait3A_18 = arith.constant 0 : i32
      %dma_wait3A_19 = tpu.memref_slice %dma_wait3A_16[%dma_wait3A_17, %dma_wait3A_18] : memref<10240x128xf32, #tpu.memory_space<hbm>> -> memref<10240x128xf32, #tpu.memory_space<hbm>>
      tpu.wait_indirect_dma semaphore(%arg10 : memref<!tpu.dma_semaphore, #tpu.memory_space<semaphore_mem>>) src(%dma_wait3A_19 : memref<10240x128xf32, #tpu.memory_space<hbm>>) dst(%arg8 : memref<128x128xf32, #tpu.memory_space<vmem>>)
      "tpu.region"() ({
        %run_scoped3A = tpu.sem_alloc : memref<!tpu.dma_semaphore, #tpu.memory_space<semaphore_mem>>
        %dma_start3A_20 = arith.constant 0 : i32
        %dma_start3A_21 = arith.constant 0 : i32
        %dma_start3A_22 = tpu.memref_slice %arg9[%dma_start3A_20, %dma_start3A_21] : memref<10240x128xf32, #tpu.memory_space<vmem_shared>> -> memref<10240x128xf32, #tpu.memory_space<vmem_shared>>
        tpu.enqueue_indirect_dma source(%arg8 : memref<128x128xf32, #tpu.memory_space<vmem>>) target(%dma_start3A_22 : memref<10240x128xf32, #tpu.memory_space<vmem_shared>>) offsets(%arg7 : memref<128xi32, #tpu.memory_space<vmem>>) semaphore(%run_scoped3A : memref<!tpu.dma_semaphore, #tpu.memory_space<semaphore_mem>>) {add = true}
        %dma_wait3A_23 = arith.constant 0 : i32
        %dma_wait3A_24 = arith.constant 0 : i32
        %dma_wait3A_25 = tpu.memref_slice %arg9[%dma_wait3A_23, %dma_wait3A_24] : memref<10240x128xf32, #tpu.memory_space<vmem_shared>> -> memref<10240x128xf32, #tpu.memory_space<vmem_shared>>
        tpu.wait_indirect_dma semaphore(%run_scoped3A : memref<!tpu.dma_semaphore, #tpu.memory_space<semaphore_mem>>) src(%arg8 : memref<128x128xf32, #tpu.memory_space<vmem>>) dst(%dma_wait3A_25 : memref<10240x128xf32, #tpu.memory_space<vmem_shared>>)
        tpu.yield
      }) : () -> ()
    }
    %scan3A_5 = arith.constant 79 : i32
    %barrier3A_6 = arith.constant 0 : index
    tpu.barrier barrier_id(%barrier3A_6)
    "tpu.region"() ({
      %run_scoped3A = tpu.sem_alloc : memref<!tpu.dma_semaphore, #tpu.memory_space<semaphore_mem>>
      %dma_start3A = arith.constant 0 : i32
      %dma_start3A_7 = arith.constant 0 : i32
      %dma_start3A_8 = tpu.memref_slice %arg5[%arg0, %dma_start3A, %dma_start3A_7] : memref<2x10240x128xf32, #tpu.memory_space<hbm>> -> memref<1x10240x128xf32, #tpu.memory_space<hbm>>
      %dma_start3A_9 = tpu.memref_squeeze %dma_start3A_8 : memref<1x10240x128xf32, #tpu.memory_space<hbm>> -> memref<10240x128xf32, #tpu.memory_space<hbm>>
      %dma_start3A_10 = arith.constant 0 : i32
      %dma_start3A_11 = tpu.memref_slice %dma_start3A_9[%mul3A_0, %dma_start3A_10] : memref<10240x128xf32, #tpu.memory_space<hbm>> -> memref<640x128xf32, #tpu.memory_space<hbm>>
      %dma_start3A_12 = arith.constant 0 : i32
      %dma_start3A_13 = tpu.memref_slice %arg9[%mul3A_0, %dma_start3A_12] : memref<10240x128xf32, #tpu.memory_space<vmem_shared>> -> memref<640x128xf32, #tpu.memory_space<vmem_shared>>
      tpu.enqueue_dma source(%dma_start3A_13 : memref<640x128xf32, #tpu.memory_space<vmem_shared>>) target(%dma_start3A_11 : memref<640x128xf32, #tpu.memory_space<hbm>>) target_semaphore(%run_scoped3A : memref<!tpu.dma_semaphore, #tpu.memory_space<semaphore_mem>>)
      %dma_wait3A = arith.constant 0 : i32
      %dma_wait3A_14 = arith.constant 0 : i32
      %dma_wait3A_15 = tpu.memref_slice %arg5[%arg0, %dma_wait3A, %dma_wait3A_14] : memref<2x10240x128xf32, #tpu.memory_space<hbm>> -> memref<1x10240x128xf32, #tpu.memory_space<hbm>>
      %dma_wait3A_16 = tpu.memref_squeeze %dma_wait3A_15 : memref<1x10240x128xf32, #tpu.memory_space<hbm>> -> memref<10240x128xf32, #tpu.memory_space<hbm>>
      %dma_wait3A_17 = arith.constant 0 : i32
      %dma_wait3A_18 = tpu.memref_slice %dma_wait3A_16[%mul3A_0, %dma_wait3A_17] : memref<10240x128xf32, #tpu.memory_space<hbm>> -> memref<640x128xf32, #tpu.memory_space<hbm>>
      %dma_wait3A_19 = arith.constant 0 : i32
      %dma_wait3A_20 = tpu.memref_slice %arg9[%mul3A_0, %dma_wait3A_19] : memref<10240x128xf32, #tpu.memory_space<vmem_shared>> -> memref<640x128xf32, #tpu.memory_space<vmem_shared>>
      tpu.wait_dma2 semaphore(%run_scoped3A : memref<!tpu.dma_semaphore, #tpu.memory_space<semaphore_mem>>) src(%dma_wait3A_20 : memref<640x128xf32, #tpu.memory_space<vmem_shared>>) dst(%dma_wait3A_18 : memref<640x128xf32, #tpu.memory_space<hbm>>)
      tpu.yield
    }) : () -> ()
    return
  }
}

#map = affine_map<(d0, d1) -> (0, 0, 0)>
module attributes {stable_mosaic.version = 14 : i64} {
  func.func @sc_aggregate(%arg0: i32, %arg1: i32, %arg2: memref<2x10240x128xf32, #tpu.memory_space<hbm>>, %arg3: memref<16x79x128xi32, #tpu.memory_space<hbm>>, %arg4: memref<16x79x128xi32, #tpu.memory_space<hbm>>, %arg5: memref<2x10240x128xf32, #tpu.memory_space<hbm>>, %arg6: memref<128xi32, #tpu.memory_space<vmem>>, %arg7: memref<128xi32, #tpu.memory_space<vmem>>, %arg8: memref<128x128xf32, #tpu.memory_space<vmem>>, %arg9: memref<10240x128xf32, #tpu.memory_space<vmem_shared>>, %arg10: memref<!tpu.dma_semaphore, #tpu.memory_space<semaphore_mem>>) attributes {dimension_semantics = [#tpu.dimension_semantics<core_parallel>, #tpu.dimension_semantics<subcore_parallel>], iteration_bounds = array<i64: 2, 16>, scalar_prefetch = 0 : i64, scratch_operands = 5 : i64, tpu.core_type = #tpu.core_type<sc_vector_subcore>, window_params = [{transform_indices = #map}, {transform_indices = #map}, {transform_indices = #map}, {transform_indices = #map}]} {
    %mul3A = arith.constant 640 : i32
    %mul3A_0 = arith.muli %arg1, %mul3A : i32
    "tpu.region"() ({
      %run_scoped3A = tpu.sem_alloc : memref<!tpu.dma_semaphore, #tpu.memory_space<semaphore_mem>>
      %dma_start3A = arith.constant 0 : i32
      %dma_start3A_7 = tpu.memref_slice %arg9[%mul3A_0, %dma_start3A] : memref<10240x128xf32, #tpu.memory_space<vmem_shared>> -> memref<640x128xf32, #tpu.memory_space<vmem_shared>>
      %dma_start3A_8 = arith.constant 0 : i32
      %dma_start3A_9 = arith.constant 0 : i32
      %dma_start3A_10 = tpu.memref_slice %arg2[%arg0, %dma_start3A_8, %dma_start3A_9] : memref<2x10240x128xf32, #tpu.memory_space<hbm>> -> memref<1x10240x128xf32, #tpu.memory_space<hbm>>
      %dma_start3A_11 = tpu.memref_squeeze %dma_start3A_10 : memref<1x10240x128xf32, #tpu.memory_space<hbm>> -> memref<10240x128xf32, #tpu.memory_space<hbm>>
      %dma_start3A_12 = arith.constant 0 : i32
      %dma_start3A_13 = tpu.memref_slice %dma_start3A_11[%mul3A_0, %dma_start3A_12] : memref<10240x128xf32, #tpu.memory_space<hbm>> -> memref<640x128xf32, #tpu.memory_space<hbm>>
      tpu.enqueue_dma source(%dma_start3A_13 : memref<640x128xf32, #tpu.memory_space<hbm>>) target(%dma_start3A_7 : memref<640x128xf32, #tpu.memory_space<vmem_shared>>) target_semaphore(%run_scoped3A : memref<!tpu.dma_semaphore, #tpu.memory_space<semaphore_mem>>)
      %dma_wait3A = arith.constant 0 : i32
      %dma_wait3A_14 = tpu.memref_slice %arg9[%mul3A_0, %dma_wait3A] : memref<10240x128xf32, #tpu.memory_space<vmem_shared>> -> memref<640x128xf32, #tpu.memory_space<vmem_shared>>
      %dma_wait3A_15 = arith.constant 0 : i32
      %dma_wait3A_16 = arith.constant 0 : i32
      %dma_wait3A_17 = tpu.memref_slice %arg2[%arg0, %dma_wait3A_15, %dma_wait3A_16] : memref<2x10240x128xf32, #tpu.memory_space<hbm>> -> memref<1x10240x128xf32, #tpu.memory_space<hbm>>
      %dma_wait3A_18 = tpu.memref_squeeze %dma_wait3A_17 : memref<1x10240x128xf32, #tpu.memory_space<hbm>> -> memref<10240x128xf32, #tpu.memory_space<hbm>>
      %dma_wait3A_19 = arith.constant 0 : i32
      %dma_wait3A_20 = tpu.memref_slice %dma_wait3A_18[%mul3A_0, %dma_wait3A_19] : memref<10240x128xf32, #tpu.memory_space<hbm>> -> memref<640x128xf32, #tpu.memory_space<hbm>>
      tpu.wait_dma2 semaphore(%run_scoped3A : memref<!tpu.dma_semaphore, #tpu.memory_space<semaphore_mem>>) src(%dma_wait3A_20 : memref<640x128xf32, #tpu.memory_space<hbm>>) dst(%dma_wait3A_14 : memref<640x128xf32, #tpu.memory_space<vmem_shared>>)
      tpu.yield
    }) : () -> ()
    %barrier3A = arith.constant 0 : index
    tpu.barrier barrier_id(%barrier3A)
    %scan3A = arith.constant 0 : i32
    %scan3A_1 = arith.constant 0 : i32
    %scan3A_2 = arith.constant 79 : i32
    %scan3A_3 = arith.addi %scan3A_1, %scan3A_2 : i32
    %scan3A_4 = arith.constant 1 : i32
    scf.for %scan3A_7 = %scan3A_1 to %scan3A_3 step %scan3A_4  : i32 {
      "tpu.region"() ({
        %run_scoped3A = tpu.sem_alloc : memref<!tpu.dma_semaphore, #tpu.memory_space<semaphore_mem>>
        %dma_start3A_20 = arith.constant 0 : i32
        %dma_start3A_21 = arith.constant 0 : i32
        %dma_start3A_22 = tpu.memref_slice %arg3[%arg1, %dma_start3A_20, %dma_start3A_21] : memref<16x79x128xi32, #tpu.memory_space<hbm>> -> memref<1x79x128xi32, #tpu.memory_space<hbm>>
        %dma_start3A_23 = tpu.memref_squeeze %dma_start3A_22 : memref<1x79x128xi32, #tpu.memory_space<hbm>> -> memref<79x128xi32, #tpu.memory_space<hbm>>
        %dma_start3A_24 = arith.constant 0 : i32
        %dma_start3A_25 = tpu.memref_slice %dma_start3A_23[%scan3A_7, %dma_start3A_24] : memref<79x128xi32, #tpu.memory_space<hbm>> -> memref<1x128xi32, #tpu.memory_space<hbm>>
        %dma_start3A_26 = tpu.memref_squeeze %dma_start3A_25 : memref<1x128xi32, #tpu.memory_space<hbm>> -> memref<128xi32, #tpu.memory_space<hbm>>
        %dma_start3A_27 = arith.constant 0 : i32
        %dma_start3A_28 = arith.constant 0 : i32
        %dma_start3A_29 = tpu.memref_slice %arg3[%arg1, %dma_start3A_27, %dma_start3A_28] : memref<16x79x128xi32, #tpu.memory_space<hbm>> -> memref<1x79x128xi32, #tpu.memory_space<hbm>>
        %dma_start3A_30 = tpu.memref_squeeze %dma_start3A_29 : memref<1x79x128xi32, #tpu.memory_space<hbm>> -> memref<79x128xi32, #tpu.memory_space<hbm>>
        %dma_start3A_31 = arith.constant 0 : i32
        %dma_start3A_32 = tpu.memref_slice %dma_start3A_30[%scan3A_7, %dma_start3A_31] : memref<79x128xi32, #tpu.memory_space<hbm>> -> memref<1x128xi32, #tpu.memory_space<hbm>>
        %dma_start3A_33 = tpu.memref_squeeze %dma_start3A_32 : memref<1x128xi32, #tpu.memory_space<hbm>> -> memref<128xi32, #tpu.memory_space<hbm>>
        tpu.enqueue_dma source(%dma_start3A_33 : memref<128xi32, #tpu.memory_space<hbm>>) target(%arg6 : memref<128xi32, #tpu.memory_space<vmem>>) target_semaphore(%run_scoped3A : memref<!tpu.dma_semaphore, #tpu.memory_space<semaphore_mem>>)
        %dma_wait3A_34 = arith.constant 0 : i32
        %dma_wait3A_35 = arith.constant 0 : i32
        %dma_wait3A_36 = tpu.memref_slice %arg3[%arg1, %dma_wait3A_34, %dma_wait3A_35] : memref<16x79x128xi32, #tpu.memory_space<hbm>> -> memref<1x79x128xi32, #tpu.memory_space<hbm>>
        %dma_wait3A_37 = tpu.memref_squeeze %dma_wait3A_36 : memref<1x79x128xi32, #tpu.memory_space<hbm>> -> memref<79x128xi32, #tpu.memory_space<hbm>>
        %dma_wait3A_38 = arith.constant 0 : i32
        %dma_wait3A_39 = tpu.memref_slice %dma_wait3A_37[%scan3A_7, %dma_wait3A_38] : memref<79x128xi32, #tpu.memory_space<hbm>> -> memref<1x128xi32, #tpu.memory_space<hbm>>
        %dma_wait3A_40 = tpu.memref_squeeze %dma_wait3A_39 : memref<1x128xi32, #tpu.memory_space<hbm>> -> memref<128xi32, #tpu.memory_space<hbm>>
        %dma_wait3A_41 = arith.constant 0 : i32
        %dma_wait3A_42 = arith.constant 0 : i32
        %dma_wait3A_43 = tpu.memref_slice %arg3[%arg1, %dma_wait3A_41, %dma_wait3A_42] : memref<16x79x128xi32, #tpu.memory_space<hbm>> -> memref<1x79x128xi32, #tpu.memory_space<hbm>>
        %dma_wait3A_44 = tpu.memref_squeeze %dma_wait3A_43 : memref<1x79x128xi32, #tpu.memory_space<hbm>> -> memref<79x128xi32, #tpu.memory_space<hbm>>
        %dma_wait3A_45 = arith.constant 0 : i32
        %dma_wait3A_46 = tpu.memref_slice %dma_wait3A_44[%scan3A_7, %dma_wait3A_45] : memref<79x128xi32, #tpu.memory_space<hbm>> -> memref<1x128xi32, #tpu.memory_space<hbm>>
        %dma_wait3A_47 = tpu.memref_squeeze %dma_wait3A_46 : memref<1x128xi32, #tpu.memory_space<hbm>> -> memref<128xi32, #tpu.memory_space<hbm>>
        tpu.wait_dma2 semaphore(%run_scoped3A : memref<!tpu.dma_semaphore, #tpu.memory_space<semaphore_mem>>) src(%dma_wait3A_47 : memref<128xi32, #tpu.memory_space<hbm>>) dst(%arg6 : memref<128xi32, #tpu.memory_space<vmem>>)
        tpu.yield
      }) : () -> ()
      "tpu.region"() ({
        %run_scoped3A = tpu.sem_alloc : memref<!tpu.dma_semaphore, #tpu.memory_space<semaphore_mem>>
        %dma_start3A_20 = arith.constant 0 : i32
        %dma_start3A_21 = arith.constant 0 : i32
        %dma_start3A_22 = tpu.memref_slice %arg4[%arg1, %dma_start3A_20, %dma_start3A_21] : memref<16x79x128xi32, #tpu.memory_space<hbm>> -> memref<1x79x128xi32, #tpu.memory_space<hbm>>
        %dma_start3A_23 = tpu.memref_squeeze %dma_start3A_22 : memref<1x79x128xi32, #tpu.memory_space<hbm>> -> memref<79x128xi32, #tpu.memory_space<hbm>>
        %dma_start3A_24 = arith.constant 0 : i32
        %dma_start3A_25 = tpu.memref_slice %dma_start3A_23[%scan3A_7, %dma_start3A_24] : memref<79x128xi32, #tpu.memory_space<hbm>> -> memref<1x128xi32, #tpu.memory_space<hbm>>
        %dma_start3A_26 = tpu.memref_squeeze %dma_start3A_25 : memref<1x128xi32, #tpu.memory_space<hbm>> -> memref<128xi32, #tpu.memory_space<hbm>>
        %dma_start3A_27 = arith.constant 0 : i32
        %dma_start3A_28 = arith.constant 0 : i32
        %dma_start3A_29 = tpu.memref_slice %arg4[%arg1, %dma_start3A_27, %dma_start3A_28] : memref<16x79x128xi32, #tpu.memory_space<hbm>> -> memref<1x79x128xi32, #tpu.memory_space<hbm>>
        %dma_start3A_30 = tpu.memref_squeeze %dma_start3A_29 : memref<1x79x128xi32, #tpu.memory_space<hbm>> -> memref<79x128xi32, #tpu.memory_space<hbm>>
        %dma_start3A_31 = arith.constant 0 : i32
        %dma_start3A_32 = tpu.memref_slice %dma_start3A_30[%scan3A_7, %dma_start3A_31] : memref<79x128xi32, #tpu.memory_space<hbm>> -> memref<1x128xi32, #tpu.memory_space<hbm>>
        %dma_start3A_33 = tpu.memref_squeeze %dma_start3A_32 : memref<1x128xi32, #tpu.memory_space<hbm>> -> memref<128xi32, #tpu.memory_space<hbm>>
        tpu.enqueue_dma source(%dma_start3A_33 : memref<128xi32, #tpu.memory_space<hbm>>) target(%arg7 : memref<128xi32, #tpu.memory_space<vmem>>) target_semaphore(%run_scoped3A : memref<!tpu.dma_semaphore, #tpu.memory_space<semaphore_mem>>)
        %dma_wait3A_34 = arith.constant 0 : i32
        %dma_wait3A_35 = arith.constant 0 : i32
        %dma_wait3A_36 = tpu.memref_slice %arg4[%arg1, %dma_wait3A_34, %dma_wait3A_35] : memref<16x79x128xi32, #tpu.memory_space<hbm>> -> memref<1x79x128xi32, #tpu.memory_space<hbm>>
        %dma_wait3A_37 = tpu.memref_squeeze %dma_wait3A_36 : memref<1x79x128xi32, #tpu.memory_space<hbm>> -> memref<79x128xi32, #tpu.memory_space<hbm>>
        %dma_wait3A_38 = arith.constant 0 : i32
        %dma_wait3A_39 = tpu.memref_slice %dma_wait3A_37[%scan3A_7, %dma_wait3A_38] : memref<79x128xi32, #tpu.memory_space<hbm>> -> memref<1x128xi32, #tpu.memory_space<hbm>>
        %dma_wait3A_40 = tpu.memref_squeeze %dma_wait3A_39 : memref<1x128xi32, #tpu.memory_space<hbm>> -> memref<128xi32, #tpu.memory_space<hbm>>
        %dma_wait3A_41 = arith.constant 0 : i32
        %dma_wait3A_42 = arith.constant 0 : i32
        %dma_wait3A_43 = tpu.memref_slice %arg4[%arg1, %dma_wait3A_41, %dma_wait3A_42] : memref<16x79x128xi32, #tpu.memory_space<hbm>> -> memref<1x79x128xi32, #tpu.memory_space<hbm>>
        %dma_wait3A_44 = tpu.memref_squeeze %dma_wait3A_43 : memref<1x79x128xi32, #tpu.memory_space<hbm>> -> memref<79x128xi32, #tpu.memory_space<hbm>>
        %dma_wait3A_45 = arith.constant 0 : i32
        %dma_wait3A_46 = tpu.memref_slice %dma_wait3A_44[%scan3A_7, %dma_wait3A_45] : memref<79x128xi32, #tpu.memory_space<hbm>> -> memref<1x128xi32, #tpu.memory_space<hbm>>
        %dma_wait3A_47 = tpu.memref_squeeze %dma_wait3A_46 : memref<1x128xi32, #tpu.memory_space<hbm>> -> memref<128xi32, #tpu.memory_space<hbm>>
        tpu.wait_dma2 semaphore(%run_scoped3A : memref<!tpu.dma_semaphore, #tpu.memory_space<semaphore_mem>>) src(%dma_wait3A_47 : memref<128xi32, #tpu.memory_space<hbm>>) dst(%arg7 : memref<128xi32, #tpu.memory_space<vmem>>)
        tpu.yield
      }) : () -> ()
      %dma_start3A = arith.constant 0 : i32
      %dma_start3A_8 = arith.constant 0 : i32
      %dma_start3A_9 = tpu.memref_slice %arg2[%arg0, %dma_start3A, %dma_start3A_8] : memref<2x10240x128xf32, #tpu.memory_space<hbm>> -> memref<1x10240x128xf32, #tpu.memory_space<hbm>>
      %dma_start3A_10 = tpu.memref_squeeze %dma_start3A_9 : memref<1x10240x128xf32, #tpu.memory_space<hbm>> -> memref<10240x128xf32, #tpu.memory_space<hbm>>
      %dma_start3A_11 = arith.constant 0 : i32
      %dma_start3A_12 = arith.constant 0 : i32
      %dma_start3A_13 = tpu.memref_slice %dma_start3A_10[%dma_start3A_11, %dma_start3A_12] : memref<10240x128xf32, #tpu.memory_space<hbm>> -> memref<10240x128xf32, #tpu.memory_space<hbm>>
      tpu.enqueue_indirect_dma source(%dma_start3A_13 : memref<10240x128xf32, #tpu.memory_space<hbm>>) target(%arg8 : memref<128x128xf32, #tpu.memory_space<vmem>>) offsets(%arg6 : memref<128xi32, #tpu.memory_space<vmem>>) semaphore(%arg10 : memref<!tpu.dma_semaphore, #tpu.memory_space<semaphore_mem>>)
      %dma_wait3A = arith.constant 0 : i32
      %dma_wait3A_14 = arith.constant 0 : i32
      %dma_wait3A_15 = tpu.memref_slice %arg2[%arg0, %dma_wait3A, %dma_wait3A_14] : memref<2x10240x128xf32, #tpu.memory_space<hbm>> -> memref<1x10240x128xf32, #tpu.memory_space<hbm>>
      %dma_wait3A_16 = tpu.memref_squeeze %dma_wait3A_15 : memref<1x10240x128xf32, #tpu.memory_space<hbm>> -> memref<10240x128xf32, #tpu.memory_space<hbm>>
      %dma_wait3A_17 = arith.constant 0 : i32
      %dma_wait3A_18 = arith.constant 0 : i32
      %dma_wait3A_19 = tpu.memref_slice %dma_wait3A_16[%dma_wait3A_17, %dma_wait3A_18] : memref<10240x128xf32, #tpu.memory_space<hbm>> -> memref<10240x128xf32, #tpu.memory_space<hbm>>
      tpu.wait_indirect_dma semaphore(%arg10 : memref<!tpu.dma_semaphore, #tpu.memory_space<semaphore_mem>>) src(%dma_wait3A_19 : memref<10240x128xf32, #tpu.memory_space<hbm>>) dst(%arg8 : memref<128x128xf32, #tpu.memory_space<vmem>>)
      "tpu.region"() ({
        %run_scoped3A = tpu.sem_alloc : memref<!tpu.dma_semaphore, #tpu.memory_space<semaphore_mem>>
        %dma_start3A_20 = arith.constant 0 : i32
        %dma_start3A_21 = arith.constant 0 : i32
        %dma_start3A_22 = tpu.memref_slice %arg9[%dma_start3A_20, %dma_start3A_21] : memref<10240x128xf32, #tpu.memory_space<vmem_shared>> -> memref<10240x128xf32, #tpu.memory_space<vmem_shared>>
        tpu.enqueue_indirect_dma source(%arg8 : memref<128x128xf32, #tpu.memory_space<vmem>>) target(%dma_start3A_22 : memref<10240x128xf32, #tpu.memory_space<vmem_shared>>) offsets(%arg7 : memref<128xi32, #tpu.memory_space<vmem>>) semaphore(%run_scoped3A : memref<!tpu.dma_semaphore, #tpu.memory_space<semaphore_mem>>) {add = true}
        %dma_wait3A_23 = arith.constant 0 : i32
        %dma_wait3A_24 = arith.constant 0 : i32
        %dma_wait3A_25 = tpu.memref_slice %arg9[%dma_wait3A_23, %dma_wait3A_24] : memref<10240x128xf32, #tpu.memory_space<vmem_shared>> -> memref<10240x128xf32, #tpu.memory_space<vmem_shared>>
        tpu.wait_indirect_dma semaphore(%run_scoped3A : memref<!tpu.dma_semaphore, #tpu.memory_space<semaphore_mem>>) src(%arg8 : memref<128x128xf32, #tpu.memory_space<vmem>>) dst(%dma_wait3A_25 : memref<10240x128xf32, #tpu.memory_space<vmem_shared>>)
        tpu.yield
      }) : () -> ()
    }
    %scan3A_5 = arith.constant 79 : i32
    %barrier3A_6 = arith.constant 0 : index
    tpu.barrier barrier_id(%barrier3A_6)
    "tpu.region"() ({
      %run_scoped3A = tpu.sem_alloc : memref<!tpu.dma_semaphore, #tpu.memory_space<semaphore_mem>>
      %dma_start3A = arith.constant 0 : i32
      %dma_start3A_7 = arith.constant 0 : i32
      %dma_start3A_8 = tpu.memref_slice %arg5[%arg0, %dma_start3A, %dma_start3A_7] : memref<2x10240x128xf32, #tpu.memory_space<hbm>> -> memref<1x10240x128xf32, #tpu.memory_space<hbm>>
      %dma_start3A_9 = tpu.memref_squeeze %dma_start3A_8 : memref<1x10240x128xf32, #tpu.memory_space<hbm>> -> memref<10240x128xf32, #tpu.memory_space<hbm>>
      %dma_start3A_10 = arith.constant 0 : i32
      %dma_start3A_11 = tpu.memref_slice %dma_start3A_9[%mul3A_0, %dma_start3A_10] : memref<10240x128xf32, #tpu.memory_space<hbm>> -> memref<640x128xf32, #tpu.memory_space<hbm>>
      %dma_start3A_12 = arith.constant 0 : i32
      %dma_start3A_13 = tpu.memref_slice %arg9[%mul3A_0, %dma_start3A_12] : memref<10240x128xf32, #tpu.memory_space<vmem_shared>> -> memref<640x128xf32, #tpu.memory_space<vmem_shared>>
      tpu.enqueue_dma source(%dma_start3A_13 : memref<640x128xf32, #tpu.memory_space<vmem_shared>>) target(%dma_start3A_11 : memref<640x128xf32, #tpu.memory_space<hbm>>) target_semaphore(%run_scoped3A : memref<!tpu.dma_semaphore, #tpu.memory_space<semaphore_mem>>)
      %dma_wait3A = arith.constant 0 : i32
      %dma_wait3A_14 = arith.constant 0 : i32
      %dma_wait3A_15 = tpu.memref_slice %arg5[%arg0, %dma_wait3A, %dma_wait3A_14] : memref<2x10240x128xf32, #tpu.memory_space<hbm>> -> memref<1x10240x128xf32, #tpu.memory_space<hbm>>
      %dma_wait3A_16 = tpu.memref_squeeze %dma_wait3A_15 : memref<1x10240x128xf32, #tpu.memory_space<hbm>> -> memref<10240x128xf32, #tpu.memory_space<hbm>>
      %dma_wait3A_17 = arith.constant 0 : i32
      %dma_wait3A_18 = tpu.memref_slice %dma_wait3A_16[%mul3A_0, %dma_wait3A_17] : memref<10240x128xf32, #tpu.memory_space<hbm>> -> memref<640x128xf32, #tpu.memory_space<hbm>>
      %dma_wait3A_19 = arith.constant 0 : i32
      %dma_wait3A_20 = tpu.memref_slice %arg9[%mul3A_0, %dma_wait3A_19] : memref<10240x128xf32, #tpu.memory_space<vmem_shared>> -> memref<640x128xf32, #tpu.memory_space<vmem_shared>>
      tpu.wait_dma2 semaphore(%run_scoped3A : memref<!tpu.dma_semaphore, #tpu.memory_space<semaphore_mem>>) src(%dma_wait3A_20 : memref<640x128xf32, #tpu.memory_space<vmem_shared>>) dst(%dma_wait3A_18 : memref<640x128xf32, #tpu.memory_space<hbm>>)
      tpu.yield
    }) : () -> ()
    return
  }
}

#map = affine_map<(d0, d1) -> (0, 0, 0)>
module attributes {stable_mosaic.version = 14 : i64} {
  func.func @sc_aggregate(%arg0: i32, %arg1: i32, %arg2: memref<2x10240x128xf32, #tpu.memory_space<hbm>>, %arg3: memref<16x79x128xi32, #tpu.memory_space<hbm>>, %arg4: memref<16x79x128xi32, #tpu.memory_space<hbm>>, %arg5: memref<2x10240x128xf32, #tpu.memory_space<hbm>>, %arg6: memref<128xi32, #tpu.memory_space<vmem>>, %arg7: memref<128xi32, #tpu.memory_space<vmem>>, %arg8: memref<128x128xf32, #tpu.memory_space<vmem>>, %arg9: memref<10240x128xf32, #tpu.memory_space<vmem_shared>>, %arg10: memref<!tpu.dma_semaphore, #tpu.memory_space<semaphore_mem>>) attributes {dimension_semantics = [#tpu.dimension_semantics<core_parallel>, #tpu.dimension_semantics<subcore_parallel>], iteration_bounds = array<i64: 2, 16>, scalar_prefetch = 0 : i64, scratch_operands = 5 : i64, tpu.core_type = #tpu.core_type<sc_vector_subcore>, window_params = [{transform_indices = #map}, {transform_indices = #map}, {transform_indices = #map}, {transform_indices = #map}]} {
    %mul3A = arith.constant 640 : i32
    %mul3A_0 = arith.muli %arg1, %mul3A : i32
    "tpu.region"() ({
      %run_scoped3A = tpu.sem_alloc : memref<!tpu.dma_semaphore, #tpu.memory_space<semaphore_mem>>
      %dma_start3A = arith.constant 0 : i32
      %dma_start3A_7 = tpu.memref_slice %arg9[%mul3A_0, %dma_start3A] : memref<10240x128xf32, #tpu.memory_space<vmem_shared>> -> memref<640x128xf32, #tpu.memory_space<vmem_shared>>
      %dma_start3A_8 = arith.constant 0 : i32
      %dma_start3A_9 = arith.constant 0 : i32
      %dma_start3A_10 = tpu.memref_slice %arg2[%arg0, %dma_start3A_8, %dma_start3A_9] : memref<2x10240x128xf32, #tpu.memory_space<hbm>> -> memref<1x10240x128xf32, #tpu.memory_space<hbm>>
      %dma_start3A_11 = tpu.memref_squeeze %dma_start3A_10 : memref<1x10240x128xf32, #tpu.memory_space<hbm>> -> memref<10240x128xf32, #tpu.memory_space<hbm>>
      %dma_start3A_12 = arith.constant 0 : i32
      %dma_start3A_13 = tpu.memref_slice %dma_start3A_11[%mul3A_0, %dma_start3A_12] : memref<10240x128xf32, #tpu.memory_space<hbm>> -> memref<640x128xf32, #tpu.memory_space<hbm>>
      tpu.enqueue_dma source(%dma_start3A_13 : memref<640x128xf32, #tpu.memory_space<hbm>>) target(%dma_start3A_7 : memref<640x128xf32, #tpu.memory_space<vmem_shared>>) target_semaphore(%run_scoped3A : memref<!tpu.dma_semaphore, #tpu.memory_space<semaphore_mem>>)
      %dma_wait3A = arith.constant 0 : i32
      %dma_wait3A_14 = tpu.memref_slice %arg9[%mul3A_0, %dma_wait3A] : memref<10240x128xf32, #tpu.memory_space<vmem_shared>> -> memref<640x128xf32, #tpu.memory_space<vmem_shared>>
      %dma_wait3A_15 = arith.constant 0 : i32
      %dma_wait3A_16 = arith.constant 0 : i32
      %dma_wait3A_17 = tpu.memref_slice %arg2[%arg0, %dma_wait3A_15, %dma_wait3A_16] : memref<2x10240x128xf32, #tpu.memory_space<hbm>> -> memref<1x10240x128xf32, #tpu.memory_space<hbm>>
      %dma_wait3A_18 = tpu.memref_squeeze %dma_wait3A_17 : memref<1x10240x128xf32, #tpu.memory_space<hbm>> -> memref<10240x128xf32, #tpu.memory_space<hbm>>
      %dma_wait3A_19 = arith.constant 0 : i32
      %dma_wait3A_20 = tpu.memref_slice %dma_wait3A_18[%mul3A_0, %dma_wait3A_19] : memref<10240x128xf32, #tpu.memory_space<hbm>> -> memref<640x128xf32, #tpu.memory_space<hbm>>
      tpu.wait_dma2 semaphore(%run_scoped3A : memref<!tpu.dma_semaphore, #tpu.memory_space<semaphore_mem>>) src(%dma_wait3A_20 : memref<640x128xf32, #tpu.memory_space<hbm>>) dst(%dma_wait3A_14 : memref<640x128xf32, #tpu.memory_space<vmem_shared>>)
      tpu.yield
    }) : () -> ()
    %barrier3A = arith.constant 0 : index
    tpu.barrier barrier_id(%barrier3A)
    %scan3A = arith.constant 0 : i32
    %scan3A_1 = arith.constant 0 : i32
    %scan3A_2 = arith.constant 79 : i32
    %scan3A_3 = arith.addi %scan3A_1, %scan3A_2 : i32
    %scan3A_4 = arith.constant 1 : i32
    scf.for %scan3A_7 = %scan3A_1 to %scan3A_3 step %scan3A_4  : i32 {
      "tpu.region"() ({
        %run_scoped3A = tpu.sem_alloc : memref<!tpu.dma_semaphore, #tpu.memory_space<semaphore_mem>>
        %dma_start3A_20 = arith.constant 0 : i32
        %dma_start3A_21 = arith.constant 0 : i32
        %dma_start3A_22 = tpu.memref_slice %arg3[%arg1, %dma_start3A_20, %dma_start3A_21] : memref<16x79x128xi32, #tpu.memory_space<hbm>> -> memref<1x79x128xi32, #tpu.memory_space<hbm>>
        %dma_start3A_23 = tpu.memref_squeeze %dma_start3A_22 : memref<1x79x128xi32, #tpu.memory_space<hbm>> -> memref<79x128xi32, #tpu.memory_space<hbm>>
        %dma_start3A_24 = arith.constant 0 : i32
        %dma_start3A_25 = tpu.memref_slice %dma_start3A_23[%scan3A_7, %dma_start3A_24] : memref<79x128xi32, #tpu.memory_space<hbm>> -> memref<1x128xi32, #tpu.memory_space<hbm>>
        %dma_start3A_26 = tpu.memref_squeeze %dma_start3A_25 : memref<1x128xi32, #tpu.memory_space<hbm>> -> memref<128xi32, #tpu.memory_space<hbm>>
        %dma_start3A_27 = arith.constant 0 : i32
        %dma_start3A_28 = arith.constant 0 : i32
        %dma_start3A_29 = tpu.memref_slice %arg3[%arg1, %dma_start3A_27, %dma_start3A_28] : memref<16x79x128xi32, #tpu.memory_space<hbm>> -> memref<1x79x128xi32, #tpu.memory_space<hbm>>
        %dma_start3A_30 = tpu.memref_squeeze %dma_start3A_29 : memref<1x79x128xi32, #tpu.memory_space<hbm>> -> memref<79x128xi32, #tpu.memory_space<hbm>>
        %dma_start3A_31 = arith.constant 0 : i32
        %dma_start3A_32 = tpu.memref_slice %dma_start3A_30[%scan3A_7, %dma_start3A_31] : memref<79x128xi32, #tpu.memory_space<hbm>> -> memref<1x128xi32, #tpu.memory_space<hbm>>
        %dma_start3A_33 = tpu.memref_squeeze %dma_start3A_32 : memref<1x128xi32, #tpu.memory_space<hbm>> -> memref<128xi32, #tpu.memory_space<hbm>>
        tpu.enqueue_dma source(%dma_start3A_33 : memref<128xi32, #tpu.memory_space<hbm>>) target(%arg6 : memref<128xi32, #tpu.memory_space<vmem>>) target_semaphore(%run_scoped3A : memref<!tpu.dma_semaphore, #tpu.memory_space<semaphore_mem>>)
        %dma_wait3A_34 = arith.constant 0 : i32
        %dma_wait3A_35 = arith.constant 0 : i32
        %dma_wait3A_36 = tpu.memref_slice %arg3[%arg1, %dma_wait3A_34, %dma_wait3A_35] : memref<16x79x128xi32, #tpu.memory_space<hbm>> -> memref<1x79x128xi32, #tpu.memory_space<hbm>>
        %dma_wait3A_37 = tpu.memref_squeeze %dma_wait3A_36 : memref<1x79x128xi32, #tpu.memory_space<hbm>> -> memref<79x128xi32, #tpu.memory_space<hbm>>
        %dma_wait3A_38 = arith.constant 0 : i32
        %dma_wait3A_39 = tpu.memref_slice %dma_wait3A_37[%scan3A_7, %dma_wait3A_38] : memref<79x128xi32, #tpu.memory_space<hbm>> -> memref<1x128xi32, #tpu.memory_space<hbm>>
        %dma_wait3A_40 = tpu.memref_squeeze %dma_wait3A_39 : memref<1x128xi32, #tpu.memory_space<hbm>> -> memref<128xi32, #tpu.memory_space<hbm>>
        %dma_wait3A_41 = arith.constant 0 : i32
        %dma_wait3A_42 = arith.constant 0 : i32
        %dma_wait3A_43 = tpu.memref_slice %arg3[%arg1, %dma_wait3A_41, %dma_wait3A_42] : memref<16x79x128xi32, #tpu.memory_space<hbm>> -> memref<1x79x128xi32, #tpu.memory_space<hbm>>
        %dma_wait3A_44 = tpu.memref_squeeze %dma_wait3A_43 : memref<1x79x128xi32, #tpu.memory_space<hbm>> -> memref<79x128xi32, #tpu.memory_space<hbm>>
        %dma_wait3A_45 = arith.constant 0 : i32
        %dma_wait3A_46 = tpu.memref_slice %dma_wait3A_44[%scan3A_7, %dma_wait3A_45] : memref<79x128xi32, #tpu.memory_space<hbm>> -> memref<1x128xi32, #tpu.memory_space<hbm>>
        %dma_wait3A_47 = tpu.memref_squeeze %dma_wait3A_46 : memref<1x128xi32, #tpu.memory_space<hbm>> -> memref<128xi32, #tpu.memory_space<hbm>>
        tpu.wait_dma2 semaphore(%run_scoped3A : memref<!tpu.dma_semaphore, #tpu.memory_space<semaphore_mem>>) src(%dma_wait3A_47 : memref<128xi32, #tpu.memory_space<hbm>>) dst(%arg6 : memref<128xi32, #tpu.memory_space<vmem>>)
        tpu.yield
      }) : () -> ()
      "tpu.region"() ({
        %run_scoped3A = tpu.sem_alloc : memref<!tpu.dma_semaphore, #tpu.memory_space<semaphore_mem>>
        %dma_start3A_20 = arith.constant 0 : i32
        %dma_start3A_21 = arith.constant 0 : i32
        %dma_start3A_22 = tpu.memref_slice %arg4[%arg1, %dma_start3A_20, %dma_start3A_21] : memref<16x79x128xi32, #tpu.memory_space<hbm>> -> memref<1x79x128xi32, #tpu.memory_space<hbm>>
        %dma_start3A_23 = tpu.memref_squeeze %dma_start3A_22 : memref<1x79x128xi32, #tpu.memory_space<hbm>> -> memref<79x128xi32, #tpu.memory_space<hbm>>
        %dma_start3A_24 = arith.constant 0 : i32
        %dma_start3A_25 = tpu.memref_slice %dma_start3A_23[%scan3A_7, %dma_start3A_24] : memref<79x128xi32, #tpu.memory_space<hbm>> -> memref<1x128xi32, #tpu.memory_space<hbm>>
        %dma_start3A_26 = tpu.memref_squeeze %dma_start3A_25 : memref<1x128xi32, #tpu.memory_space<hbm>> -> memref<128xi32, #tpu.memory_space<hbm>>
        %dma_start3A_27 = arith.constant 0 : i32
        %dma_start3A_28 = arith.constant 0 : i32
        %dma_start3A_29 = tpu.memref_slice %arg4[%arg1, %dma_start3A_27, %dma_start3A_28] : memref<16x79x128xi32, #tpu.memory_space<hbm>> -> memref<1x79x128xi32, #tpu.memory_space<hbm>>
        %dma_start3A_30 = tpu.memref_squeeze %dma_start3A_29 : memref<1x79x128xi32, #tpu.memory_space<hbm>> -> memref<79x128xi32, #tpu.memory_space<hbm>>
        %dma_start3A_31 = arith.constant 0 : i32
        %dma_start3A_32 = tpu.memref_slice %dma_start3A_30[%scan3A_7, %dma_start3A_31] : memref<79x128xi32, #tpu.memory_space<hbm>> -> memref<1x128xi32, #tpu.memory_space<hbm>>
        %dma_start3A_33 = tpu.memref_squeeze %dma_start3A_32 : memref<1x128xi32, #tpu.memory_space<hbm>> -> memref<128xi32, #tpu.memory_space<hbm>>
        tpu.enqueue_dma source(%dma_start3A_33 : memref<128xi32, #tpu.memory_space<hbm>>) target(%arg7 : memref<128xi32, #tpu.memory_space<vmem>>) target_semaphore(%run_scoped3A : memref<!tpu.dma_semaphore, #tpu.memory_space<semaphore_mem>>)
        %dma_wait3A_34 = arith.constant 0 : i32
        %dma_wait3A_35 = arith.constant 0 : i32
        %dma_wait3A_36 = tpu.memref_slice %arg4[%arg1, %dma_wait3A_34, %dma_wait3A_35] : memref<16x79x128xi32, #tpu.memory_space<hbm>> -> memref<1x79x128xi32, #tpu.memory_space<hbm>>
        %dma_wait3A_37 = tpu.memref_squeeze %dma_wait3A_36 : memref<1x79x128xi32, #tpu.memory_space<hbm>> -> memref<79x128xi32, #tpu.memory_space<hbm>>
        %dma_wait3A_38 = arith.constant 0 : i32
        %dma_wait3A_39 = tpu.memref_slice %dma_wait3A_37[%scan3A_7, %dma_wait3A_38] : memref<79x128xi32, #tpu.memory_space<hbm>> -> memref<1x128xi32, #tpu.memory_space<hbm>>
        %dma_wait3A_40 = tpu.memref_squeeze %dma_wait3A_39 : memref<1x128xi32, #tpu.memory_space<hbm>> -> memref<128xi32, #tpu.memory_space<hbm>>
        %dma_wait3A_41 = arith.constant 0 : i32
        %dma_wait3A_42 = arith.constant 0 : i32
        %dma_wait3A_43 = tpu.memref_slice %arg4[%arg1, %dma_wait3A_41, %dma_wait3A_42] : memref<16x79x128xi32, #tpu.memory_space<hbm>> -> memref<1x79x128xi32, #tpu.memory_space<hbm>>
        %dma_wait3A_44 = tpu.memref_squeeze %dma_wait3A_43 : memref<1x79x128xi32, #tpu.memory_space<hbm>> -> memref<79x128xi32, #tpu.memory_space<hbm>>
        %dma_wait3A_45 = arith.constant 0 : i32
        %dma_wait3A_46 = tpu.memref_slice %dma_wait3A_44[%scan3A_7, %dma_wait3A_45] : memref<79x128xi32, #tpu.memory_space<hbm>> -> memref<1x128xi32, #tpu.memory_space<hbm>>
        %dma_wait3A_47 = tpu.memref_squeeze %dma_wait3A_46 : memref<1x128xi32, #tpu.memory_space<hbm>> -> memref<128xi32, #tpu.memory_space<hbm>>
        tpu.wait_dma2 semaphore(%run_scoped3A : memref<!tpu.dma_semaphore, #tpu.memory_space<semaphore_mem>>) src(%dma_wait3A_47 : memref<128xi32, #tpu.memory_space<hbm>>) dst(%arg7 : memref<128xi32, #tpu.memory_space<vmem>>)
        tpu.yield
      }) : () -> ()
      %dma_start3A = arith.constant 0 : i32
      %dma_start3A_8 = arith.constant 0 : i32
      %dma_start3A_9 = tpu.memref_slice %arg2[%arg0, %dma_start3A, %dma_start3A_8] : memref<2x10240x128xf32, #tpu.memory_space<hbm>> -> memref<1x10240x128xf32, #tpu.memory_space<hbm>>
      %dma_start3A_10 = tpu.memref_squeeze %dma_start3A_9 : memref<1x10240x128xf32, #tpu.memory_space<hbm>> -> memref<10240x128xf32, #tpu.memory_space<hbm>>
      %dma_start3A_11 = arith.constant 0 : i32
      %dma_start3A_12 = arith.constant 0 : i32
      %dma_start3A_13 = tpu.memref_slice %dma_start3A_10[%dma_start3A_11, %dma_start3A_12] : memref<10240x128xf32, #tpu.memory_space<hbm>> -> memref<10240x128xf32, #tpu.memory_space<hbm>>
      tpu.enqueue_indirect_dma source(%dma_start3A_13 : memref<10240x128xf32, #tpu.memory_space<hbm>>) target(%arg8 : memref<128x128xf32, #tpu.memory_space<vmem>>) offsets(%arg6 : memref<128xi32, #tpu.memory_space<vmem>>) semaphore(%arg10 : memref<!tpu.dma_semaphore, #tpu.memory_space<semaphore_mem>>)
      %dma_wait3A = arith.constant 0 : i32
      %dma_wait3A_14 = arith.constant 0 : i32
      %dma_wait3A_15 = tpu.memref_slice %arg2[%arg0, %dma_wait3A, %dma_wait3A_14] : memref<2x10240x128xf32, #tpu.memory_space<hbm>> -> memref<1x10240x128xf32, #tpu.memory_space<hbm>>
      %dma_wait3A_16 = tpu.memref_squeeze %dma_wait3A_15 : memref<1x10240x128xf32, #tpu.memory_space<hbm>> -> memref<10240x128xf32, #tpu.memory_space<hbm>>
      %dma_wait3A_17 = arith.constant 0 : i32
      %dma_wait3A_18 = arith.constant 0 : i32
      %dma_wait3A_19 = tpu.memref_slice %dma_wait3A_16[%dma_wait3A_17, %dma_wait3A_18] : memref<10240x128xf32, #tpu.memory_space<hbm>> -> memref<10240x128xf32, #tpu.memory_space<hbm>>
      tpu.wait_indirect_dma semaphore(%arg10 : memref<!tpu.dma_semaphore, #tpu.memory_space<semaphore_mem>>) src(%dma_wait3A_19 : memref<10240x128xf32, #tpu.memory_space<hbm>>) dst(%arg8 : memref<128x128xf32, #tpu.memory_space<vmem>>)
      "tpu.region"() ({
        %run_scoped3A = tpu.sem_alloc : memref<!tpu.dma_semaphore, #tpu.memory_space<semaphore_mem>>
        %dma_start3A_20 = arith.constant 0 : i32
        %dma_start3A_21 = arith.constant 0 : i32
        %dma_start3A_22 = tpu.memref_slice %arg9[%dma_start3A_20, %dma_start3A_21] : memref<10240x128xf32, #tpu.memory_space<vmem_shared>> -> memref<10240x128xf32, #tpu.memory_space<vmem_shared>>
        tpu.enqueue_indirect_dma source(%arg8 : memref<128x128xf32, #tpu.memory_space<vmem>>) target(%dma_start3A_22 : memref<10240x128xf32, #tpu.memory_space<vmem_shared>>) offsets(%arg7 : memref<128xi32, #tpu.memory_space<vmem>>) semaphore(%run_scoped3A : memref<!tpu.dma_semaphore, #tpu.memory_space<semaphore_mem>>) {add = true}
        %dma_wait3A_23 = arith.constant 0 : i32
        %dma_wait3A_24 = arith.constant 0 : i32
        %dma_wait3A_25 = tpu.memref_slice %arg9[%dma_wait3A_23, %dma_wait3A_24] : memref<10240x128xf32, #tpu.memory_space<vmem_shared>> -> memref<10240x128xf32, #tpu.memory_space<vmem_shared>>
        tpu.wait_indirect_dma semaphore(%run_scoped3A : memref<!tpu.dma_semaphore, #tpu.memory_space<semaphore_mem>>) src(%arg8 : memref<128x128xf32, #tpu.memory_space<vmem>>) dst(%dma_wait3A_25 : memref<10240x128xf32, #tpu.memory_space<vmem_shared>>)
        tpu.yield
      }) : () -> ()
    }
    %scan3A_5 = arith.constant 79 : i32
    %barrier3A_6 = arith.constant 0 : index
    tpu.barrier barrier_id(%barrier3A_6)
    "tpu.region"() ({
      %run_scoped3A = tpu.sem_alloc : memref<!tpu.dma_semaphore, #tpu.memory_space<semaphore_mem>>
      %dma_start3A = arith.constant 0 : i32
      %dma_start3A_7 = arith.constant 0 : i32
      %dma_start3A_8 = tpu.memref_slice %arg5[%arg0, %dma_start3A, %dma_start3A_7] : memref<2x10240x128xf32, #tpu.memory_space<hbm>> -> memref<1x10240x128xf32, #tpu.memory_space<hbm>>
      %dma_start3A_9 = tpu.memref_squeeze %dma_start3A_8 : memref<1x10240x128xf32, #tpu.memory_space<hbm>> -> memref<10240x128xf32, #tpu.memory_space<hbm>>
      %dma_start3A_10 = arith.constant 0 : i32
      %dma_start3A_11 = tpu.memref_slice %dma_start3A_9[%mul3A_0, %dma_start3A_10] : memref<10240x128xf32, #tpu.memory_space<hbm>> -> memref<640x128xf32, #tpu.memory_space<hbm>>
      %dma_start3A_12 = arith.constant 0 : i32
      %dma_start3A_13 = tpu.memref_slice %arg9[%mul3A_0, %dma_start3A_12] : memref<10240x128xf32, #tpu.memory_space<vmem_shared>> -> memref<640x128xf32, #tpu.memory_space<vmem_shared>>
      tpu.enqueue_dma source(%dma_start3A_13 : memref<640x128xf32, #tpu.memory_space<vmem_shared>>) target(%dma_start3A_11 : memref<640x128xf32, #tpu.memory_space<hbm>>) target_semaphore(%run_scoped3A : memref<!tpu.dma_semaphore, #tpu.memory_space<semaphore_mem>>)
      %dma_wait3A = arith.constant 0 : i32
      %dma_wait3A_14 = arith.constant 0 : i32
      %dma_wait3A_15 = tpu.memref_slice %arg5[%arg0, %dma_wait3A, %dma_wait3A_14] : memref<2x10240x128xf32, #tpu.memory_space<hbm>> -> memref<1x10240x128xf32, #tpu.memory_space<hbm>>
      %dma_wait3A_16 = tpu.memref_squeeze %dma_wait3A_15 : memref<1x10240x128xf32, #tpu.memory_space<hbm>> -> memref<10240x128xf32, #tpu.memory_space<hbm>>
      %dma_wait3A_17 = arith.constant 0 : i32
      %dma_wait3A_18 = tpu.memref_slice %dma_wait3A_16[%mul3A_0, %dma_wait3A_17] : memref<10240x128xf32, #tpu.memory_space<hbm>> -> memref<640x128xf32, #tpu.memory_space<hbm>>
      %dma_wait3A_19 = arith.constant 0 : i32
      %dma_wait3A_20 = tpu.memref_slice %arg9[%mul3A_0, %dma_wait3A_19] : memref<10240x128xf32, #tpu.memory_space<vmem_shared>> -> memref<640x128xf32, #tpu.memory_space<vmem_shared>>
      tpu.wait_dma2 semaphore(%run_scoped3A : memref<!tpu.dma_semaphore, #tpu.memory_space<semaphore_mem>>) src(%dma_wait3A_20 : memref<640x128xf32, #tpu.memory_space<vmem_shared>>) dst(%dma_wait3A_18 : memref<640x128xf32, #tpu.memory_space<hbm>>)
      tpu.yield
    }) : () -> ()
    return
  }
}

#map = affine_map<(d0, d1) -> (0, 0, 0)>
module attributes {stable_mosaic.version = 14 : i64} {
  func.func @sc_aggregate(%arg0: i32, %arg1: i32, %arg2: memref<2x10240x128xf32, #tpu.memory_space<hbm>>, %arg3: memref<16x79x128xi32, #tpu.memory_space<hbm>>, %arg4: memref<16x79x128xi32, #tpu.memory_space<hbm>>, %arg5: memref<2x10240x128xf32, #tpu.memory_space<hbm>>, %arg6: memref<128xi32, #tpu.memory_space<vmem>>, %arg7: memref<128xi32, #tpu.memory_space<vmem>>, %arg8: memref<128x128xf32, #tpu.memory_space<vmem>>, %arg9: memref<10240x128xf32, #tpu.memory_space<vmem_shared>>, %arg10: memref<!tpu.dma_semaphore, #tpu.memory_space<semaphore_mem>>) attributes {dimension_semantics = [#tpu.dimension_semantics<core_parallel>, #tpu.dimension_semantics<subcore_parallel>], iteration_bounds = array<i64: 2, 16>, scalar_prefetch = 0 : i64, scratch_operands = 5 : i64, tpu.core_type = #tpu.core_type<sc_vector_subcore>, window_params = [{transform_indices = #map}, {transform_indices = #map}, {transform_indices = #map}, {transform_indices = #map}]} {
    %mul3A = arith.constant 640 : i32
    %mul3A_0 = arith.muli %arg1, %mul3A : i32
    "tpu.region"() ({
      %run_scoped3A = tpu.sem_alloc : memref<!tpu.dma_semaphore, #tpu.memory_space<semaphore_mem>>
      %dma_start3A = arith.constant 0 : i32
      %dma_start3A_7 = tpu.memref_slice %arg9[%mul3A_0, %dma_start3A] : memref<10240x128xf32, #tpu.memory_space<vmem_shared>> -> memref<640x128xf32, #tpu.memory_space<vmem_shared>>
      %dma_start3A_8 = arith.constant 0 : i32
      %dma_start3A_9 = arith.constant 0 : i32
      %dma_start3A_10 = tpu.memref_slice %arg2[%arg0, %dma_start3A_8, %dma_start3A_9] : memref<2x10240x128xf32, #tpu.memory_space<hbm>> -> memref<1x10240x128xf32, #tpu.memory_space<hbm>>
      %dma_start3A_11 = tpu.memref_squeeze %dma_start3A_10 : memref<1x10240x128xf32, #tpu.memory_space<hbm>> -> memref<10240x128xf32, #tpu.memory_space<hbm>>
      %dma_start3A_12 = arith.constant 0 : i32
      %dma_start3A_13 = tpu.memref_slice %dma_start3A_11[%mul3A_0, %dma_start3A_12] : memref<10240x128xf32, #tpu.memory_space<hbm>> -> memref<640x128xf32, #tpu.memory_space<hbm>>
      tpu.enqueue_dma source(%dma_start3A_13 : memref<640x128xf32, #tpu.memory_space<hbm>>) target(%dma_start3A_7 : memref<640x128xf32, #tpu.memory_space<vmem_shared>>) target_semaphore(%run_scoped3A : memref<!tpu.dma_semaphore, #tpu.memory_space<semaphore_mem>>)
      %dma_wait3A = arith.constant 0 : i32
      %dma_wait3A_14 = tpu.memref_slice %arg9[%mul3A_0, %dma_wait3A] : memref<10240x128xf32, #tpu.memory_space<vmem_shared>> -> memref<640x128xf32, #tpu.memory_space<vmem_shared>>
      %dma_wait3A_15 = arith.constant 0 : i32
      %dma_wait3A_16 = arith.constant 0 : i32
      %dma_wait3A_17 = tpu.memref_slice %arg2[%arg0, %dma_wait3A_15, %dma_wait3A_16] : memref<2x10240x128xf32, #tpu.memory_space<hbm>> -> memref<1x10240x128xf32, #tpu.memory_space<hbm>>
      %dma_wait3A_18 = tpu.memref_squeeze %dma_wait3A_17 : memref<1x10240x128xf32, #tpu.memory_space<hbm>> -> memref<10240x128xf32, #tpu.memory_space<hbm>>
      %dma_wait3A_19 = arith.constant 0 : i32
      %dma_wait3A_20 = tpu.memref_slice %dma_wait3A_18[%mul3A_0, %dma_wait3A_19] : memref<10240x128xf32, #tpu.memory_space<hbm>> -> memref<640x128xf32, #tpu.memory_space<hbm>>
      tpu.wait_dma2 semaphore(%run_scoped3A : memref<!tpu.dma_semaphore, #tpu.memory_space<semaphore_mem>>) src(%dma_wait3A_20 : memref<640x128xf32, #tpu.memory_space<hbm>>) dst(%dma_wait3A_14 : memref<640x128xf32, #tpu.memory_space<vmem_shared>>)
      tpu.yield
    }) : () -> ()
    %barrier3A = arith.constant 0 : index
    tpu.barrier barrier_id(%barrier3A)
    %scan3A = arith.constant 0 : i32
    %scan3A_1 = arith.constant 0 : i32
    %scan3A_2 = arith.constant 79 : i32
    %scan3A_3 = arith.addi %scan3A_1, %scan3A_2 : i32
    %scan3A_4 = arith.constant 1 : i32
    scf.for %scan3A_7 = %scan3A_1 to %scan3A_3 step %scan3A_4  : i32 {
      "tpu.region"() ({
        %run_scoped3A = tpu.sem_alloc : memref<!tpu.dma_semaphore, #tpu.memory_space<semaphore_mem>>
        %dma_start3A_20 = arith.constant 0 : i32
        %dma_start3A_21 = arith.constant 0 : i32
        %dma_start3A_22 = tpu.memref_slice %arg3[%arg1, %dma_start3A_20, %dma_start3A_21] : memref<16x79x128xi32, #tpu.memory_space<hbm>> -> memref<1x79x128xi32, #tpu.memory_space<hbm>>
        %dma_start3A_23 = tpu.memref_squeeze %dma_start3A_22 : memref<1x79x128xi32, #tpu.memory_space<hbm>> -> memref<79x128xi32, #tpu.memory_space<hbm>>
        %dma_start3A_24 = arith.constant 0 : i32
        %dma_start3A_25 = tpu.memref_slice %dma_start3A_23[%scan3A_7, %dma_start3A_24] : memref<79x128xi32, #tpu.memory_space<hbm>> -> memref<1x128xi32, #tpu.memory_space<hbm>>
        %dma_start3A_26 = tpu.memref_squeeze %dma_start3A_25 : memref<1x128xi32, #tpu.memory_space<hbm>> -> memref<128xi32, #tpu.memory_space<hbm>>
        %dma_start3A_27 = arith.constant 0 : i32
        %dma_start3A_28 = arith.constant 0 : i32
        %dma_start3A_29 = tpu.memref_slice %arg3[%arg1, %dma_start3A_27, %dma_start3A_28] : memref<16x79x128xi32, #tpu.memory_space<hbm>> -> memref<1x79x128xi32, #tpu.memory_space<hbm>>
        %dma_start3A_30 = tpu.memref_squeeze %dma_start3A_29 : memref<1x79x128xi32, #tpu.memory_space<hbm>> -> memref<79x128xi32, #tpu.memory_space<hbm>>
        %dma_start3A_31 = arith.constant 0 : i32
        %dma_start3A_32 = tpu.memref_slice %dma_start3A_30[%scan3A_7, %dma_start3A_31] : memref<79x128xi32, #tpu.memory_space<hbm>> -> memref<1x128xi32, #tpu.memory_space<hbm>>
        %dma_start3A_33 = tpu.memref_squeeze %dma_start3A_32 : memref<1x128xi32, #tpu.memory_space<hbm>> -> memref<128xi32, #tpu.memory_space<hbm>>
        tpu.enqueue_dma source(%dma_start3A_33 : memref<128xi32, #tpu.memory_space<hbm>>) target(%arg6 : memref<128xi32, #tpu.memory_space<vmem>>) target_semaphore(%run_scoped3A : memref<!tpu.dma_semaphore, #tpu.memory_space<semaphore_mem>>)
        %dma_wait3A_34 = arith.constant 0 : i32
        %dma_wait3A_35 = arith.constant 0 : i32
        %dma_wait3A_36 = tpu.memref_slice %arg3[%arg1, %dma_wait3A_34, %dma_wait3A_35] : memref<16x79x128xi32, #tpu.memory_space<hbm>> -> memref<1x79x128xi32, #tpu.memory_space<hbm>>
        %dma_wait3A_37 = tpu.memref_squeeze %dma_wait3A_36 : memref<1x79x128xi32, #tpu.memory_space<hbm>> -> memref<79x128xi32, #tpu.memory_space<hbm>>
        %dma_wait3A_38 = arith.constant 0 : i32
        %dma_wait3A_39 = tpu.memref_slice %dma_wait3A_37[%scan3A_7, %dma_wait3A_38] : memref<79x128xi32, #tpu.memory_space<hbm>> -> memref<1x128xi32, #tpu.memory_space<hbm>>
        %dma_wait3A_40 = tpu.memref_squeeze %dma_wait3A_39 : memref<1x128xi32, #tpu.memory_space<hbm>> -> memref<128xi32, #tpu.memory_space<hbm>>
        %dma_wait3A_41 = arith.constant 0 : i32
        %dma_wait3A_42 = arith.constant 0 : i32
        %dma_wait3A_43 = tpu.memref_slice %arg3[%arg1, %dma_wait3A_41, %dma_wait3A_42] : memref<16x79x128xi32, #tpu.memory_space<hbm>> -> memref<1x79x128xi32, #tpu.memory_space<hbm>>
        %dma_wait3A_44 = tpu.memref_squeeze %dma_wait3A_43 : memref<1x79x128xi32, #tpu.memory_space<hbm>> -> memref<79x128xi32, #tpu.memory_space<hbm>>
        %dma_wait3A_45 = arith.constant 0 : i32
        %dma_wait3A_46 = tpu.memref_slice %dma_wait3A_44[%scan3A_7, %dma_wait3A_45] : memref<79x128xi32, #tpu.memory_space<hbm>> -> memref<1x128xi32, #tpu.memory_space<hbm>>
        %dma_wait3A_47 = tpu.memref_squeeze %dma_wait3A_46 : memref<1x128xi32, #tpu.memory_space<hbm>> -> memref<128xi32, #tpu.memory_space<hbm>>
        tpu.wait_dma2 semaphore(%run_scoped3A : memref<!tpu.dma_semaphore, #tpu.memory_space<semaphore_mem>>) src(%dma_wait3A_47 : memref<128xi32, #tpu.memory_space<hbm>>) dst(%arg6 : memref<128xi32, #tpu.memory_space<vmem>>)
        tpu.yield
      }) : () -> ()
      "tpu.region"() ({
        %run_scoped3A = tpu.sem_alloc : memref<!tpu.dma_semaphore, #tpu.memory_space<semaphore_mem>>
        %dma_start3A_20 = arith.constant 0 : i32
        %dma_start3A_21 = arith.constant 0 : i32
        %dma_start3A_22 = tpu.memref_slice %arg4[%arg1, %dma_start3A_20, %dma_start3A_21] : memref<16x79x128xi32, #tpu.memory_space<hbm>> -> memref<1x79x128xi32, #tpu.memory_space<hbm>>
        %dma_start3A_23 = tpu.memref_squeeze %dma_start3A_22 : memref<1x79x128xi32, #tpu.memory_space<hbm>> -> memref<79x128xi32, #tpu.memory_space<hbm>>
        %dma_start3A_24 = arith.constant 0 : i32
        %dma_start3A_25 = tpu.memref_slice %dma_start3A_23[%scan3A_7, %dma_start3A_24] : memref<79x128xi32, #tpu.memory_space<hbm>> -> memref<1x128xi32, #tpu.memory_space<hbm>>
        %dma_start3A_26 = tpu.memref_squeeze %dma_start3A_25 : memref<1x128xi32, #tpu.memory_space<hbm>> -> memref<128xi32, #tpu.memory_space<hbm>>
        %dma_start3A_27 = arith.constant 0 : i32
        %dma_start3A_28 = arith.constant 0 : i32
        %dma_start3A_29 = tpu.memref_slice %arg4[%arg1, %dma_start3A_27, %dma_start3A_28] : memref<16x79x128xi32, #tpu.memory_space<hbm>> -> memref<1x79x128xi32, #tpu.memory_space<hbm>>
        %dma_start3A_30 = tpu.memref_squeeze %dma_start3A_29 : memref<1x79x128xi32, #tpu.memory_space<hbm>> -> memref<79x128xi32, #tpu.memory_space<hbm>>
        %dma_start3A_31 = arith.constant 0 : i32
        %dma_start3A_32 = tpu.memref_slice %dma_start3A_30[%scan3A_7, %dma_start3A_31] : memref<79x128xi32, #tpu.memory_space<hbm>> -> memref<1x128xi32, #tpu.memory_space<hbm>>
        %dma_start3A_33 = tpu.memref_squeeze %dma_start3A_32 : memref<1x128xi32, #tpu.memory_space<hbm>> -> memref<128xi32, #tpu.memory_space<hbm>>
        tpu.enqueue_dma source(%dma_start3A_33 : memref<128xi32, #tpu.memory_space<hbm>>) target(%arg7 : memref<128xi32, #tpu.memory_space<vmem>>) target_semaphore(%run_scoped3A : memref<!tpu.dma_semaphore, #tpu.memory_space<semaphore_mem>>)
        %dma_wait3A_34 = arith.constant 0 : i32
        %dma_wait3A_35 = arith.constant 0 : i32
        %dma_wait3A_36 = tpu.memref_slice %arg4[%arg1, %dma_wait3A_34, %dma_wait3A_35] : memref<16x79x128xi32, #tpu.memory_space<hbm>> -> memref<1x79x128xi32, #tpu.memory_space<hbm>>
        %dma_wait3A_37 = tpu.memref_squeeze %dma_wait3A_36 : memref<1x79x128xi32, #tpu.memory_space<hbm>> -> memref<79x128xi32, #tpu.memory_space<hbm>>
        %dma_wait3A_38 = arith.constant 0 : i32
        %dma_wait3A_39 = tpu.memref_slice %dma_wait3A_37[%scan3A_7, %dma_wait3A_38] : memref<79x128xi32, #tpu.memory_space<hbm>> -> memref<1x128xi32, #tpu.memory_space<hbm>>
        %dma_wait3A_40 = tpu.memref_squeeze %dma_wait3A_39 : memref<1x128xi32, #tpu.memory_space<hbm>> -> memref<128xi32, #tpu.memory_space<hbm>>
        %dma_wait3A_41 = arith.constant 0 : i32
        %dma_wait3A_42 = arith.constant 0 : i32
        %dma_wait3A_43 = tpu.memref_slice %arg4[%arg1, %dma_wait3A_41, %dma_wait3A_42] : memref<16x79x128xi32, #tpu.memory_space<hbm>> -> memref<1x79x128xi32, #tpu.memory_space<hbm>>
        %dma_wait3A_44 = tpu.memref_squeeze %dma_wait3A_43 : memref<1x79x128xi32, #tpu.memory_space<hbm>> -> memref<79x128xi32, #tpu.memory_space<hbm>>
        %dma_wait3A_45 = arith.constant 0 : i32
        %dma_wait3A_46 = tpu.memref_slice %dma_wait3A_44[%scan3A_7, %dma_wait3A_45] : memref<79x128xi32, #tpu.memory_space<hbm>> -> memref<1x128xi32, #tpu.memory_space<hbm>>
        %dma_wait3A_47 = tpu.memref_squeeze %dma_wait3A_46 : memref<1x128xi32, #tpu.memory_space<hbm>> -> memref<128xi32, #tpu.memory_space<hbm>>
        tpu.wait_dma2 semaphore(%run_scoped3A : memref<!tpu.dma_semaphore, #tpu.memory_space<semaphore_mem>>) src(%dma_wait3A_47 : memref<128xi32, #tpu.memory_space<hbm>>) dst(%arg7 : memref<128xi32, #tpu.memory_space<vmem>>)
        tpu.yield
      }) : () -> ()
      %dma_start3A = arith.constant 0 : i32
      %dma_start3A_8 = arith.constant 0 : i32
      %dma_start3A_9 = tpu.memref_slice %arg2[%arg0, %dma_start3A, %dma_start3A_8] : memref<2x10240x128xf32, #tpu.memory_space<hbm>> -> memref<1x10240x128xf32, #tpu.memory_space<hbm>>
      %dma_start3A_10 = tpu.memref_squeeze %dma_start3A_9 : memref<1x10240x128xf32, #tpu.memory_space<hbm>> -> memref<10240x128xf32, #tpu.memory_space<hbm>>
      %dma_start3A_11 = arith.constant 0 : i32
      %dma_start3A_12 = arith.constant 0 : i32
      %dma_start3A_13 = tpu.memref_slice %dma_start3A_10[%dma_start3A_11, %dma_start3A_12] : memref<10240x128xf32, #tpu.memory_space<hbm>> -> memref<10240x128xf32, #tpu.memory_space<hbm>>
      tpu.enqueue_indirect_dma source(%dma_start3A_13 : memref<10240x128xf32, #tpu.memory_space<hbm>>) target(%arg8 : memref<128x128xf32, #tpu.memory_space<vmem>>) offsets(%arg6 : memref<128xi32, #tpu.memory_space<vmem>>) semaphore(%arg10 : memref<!tpu.dma_semaphore, #tpu.memory_space<semaphore_mem>>)
      %dma_wait3A = arith.constant 0 : i32
      %dma_wait3A_14 = arith.constant 0 : i32
      %dma_wait3A_15 = tpu.memref_slice %arg2[%arg0, %dma_wait3A, %dma_wait3A_14] : memref<2x10240x128xf32, #tpu.memory_space<hbm>> -> memref<1x10240x128xf32, #tpu.memory_space<hbm>>
      %dma_wait3A_16 = tpu.memref_squeeze %dma_wait3A_15 : memref<1x10240x128xf32, #tpu.memory_space<hbm>> -> memref<10240x128xf32, #tpu.memory_space<hbm>>
      %dma_wait3A_17 = arith.constant 0 : i32
      %dma_wait3A_18 = arith.constant 0 : i32
      %dma_wait3A_19 = tpu.memref_slice %dma_wait3A_16[%dma_wait3A_17, %dma_wait3A_18] : memref<10240x128xf32, #tpu.memory_space<hbm>> -> memref<10240x128xf32, #tpu.memory_space<hbm>>
      tpu.wait_indirect_dma semaphore(%arg10 : memref<!tpu.dma_semaphore, #tpu.memory_space<semaphore_mem>>) src(%dma_wait3A_19 : memref<10240x128xf32, #tpu.memory_space<hbm>>) dst(%arg8 : memref<128x128xf32, #tpu.memory_space<vmem>>)
      "tpu.region"() ({
        %run_scoped3A = tpu.sem_alloc : memref<!tpu.dma_semaphore, #tpu.memory_space<semaphore_mem>>
        %dma_start3A_20 = arith.constant 0 : i32
        %dma_start3A_21 = arith.constant 0 : i32
        %dma_start3A_22 = tpu.memref_slice %arg9[%dma_start3A_20, %dma_start3A_21] : memref<10240x128xf32, #tpu.memory_space<vmem_shared>> -> memref<10240x128xf32, #tpu.memory_space<vmem_shared>>
        tpu.enqueue_indirect_dma source(%arg8 : memref<128x128xf32, #tpu.memory_space<vmem>>) target(%dma_start3A_22 : memref<10240x128xf32, #tpu.memory_space<vmem_shared>>) offsets(%arg7 : memref<128xi32, #tpu.memory_space<vmem>>) semaphore(%run_scoped3A : memref<!tpu.dma_semaphore, #tpu.memory_space<semaphore_mem>>) {add = true}
        %dma_wait3A_23 = arith.constant 0 : i32
        %dma_wait3A_24 = arith.constant 0 : i32
        %dma_wait3A_25 = tpu.memref_slice %arg9[%dma_wait3A_23, %dma_wait3A_24] : memref<10240x128xf32, #tpu.memory_space<vmem_shared>> -> memref<10240x128xf32, #tpu.memory_space<vmem_shared>>
        tpu.wait_indirect_dma semaphore(%run_scoped3A : memref<!tpu.dma_semaphore, #tpu.memory_space<semaphore_mem>>) src(%arg8 : memref<128x128xf32, #tpu.memory_space<vmem>>) dst(%dma_wait3A_25 : memref<10240x128xf32, #tpu.memory_space<vmem_shared>>)
        tpu.yield
      }) : () -> ()
    }
    %scan3A_5 = arith.constant 79 : i32
    %barrier3A_6 = arith.constant 0 : index
    tpu.barrier barrier_id(%barrier3A_6)
    "tpu.region"() ({
      %run_scoped3A = tpu.sem_alloc : memref<!tpu.dma_semaphore, #tpu.memory_space<semaphore_mem>>
      %dma_start3A = arith.constant 0 : i32
      %dma_start3A_7 = arith.constant 0 : i32
      %dma_start3A_8 = tpu.memref_slice %arg5[%arg0, %dma_start3A, %dma_start3A_7] : memref<2x10240x128xf32, #tpu.memory_space<hbm>> -> memref<1x10240x128xf32, #tpu.memory_space<hbm>>
      %dma_start3A_9 = tpu.memref_squeeze %dma_start3A_8 : memref<1x10240x128xf32, #tpu.memory_space<hbm>> -> memref<10240x128xf32, #tpu.memory_space<hbm>>
      %dma_start3A_10 = arith.constant 0 : i32
      %dma_start3A_11 = tpu.memref_slice %dma_start3A_9[%mul3A_0, %dma_start3A_10] : memref<10240x128xf32, #tpu.memory_space<hbm>> -> memref<640x128xf32, #tpu.memory_space<hbm>>
      %dma_start3A_12 = arith.constant 0 : i32
      %dma_start3A_13 = tpu.memref_slice %arg9[%mul3A_0, %dma_start3A_12] : memref<10240x128xf32, #tpu.memory_space<vmem_shared>> -> memref<640x128xf32, #tpu.memory_space<vmem_shared>>
      tpu.enqueue_dma source(%dma_start3A_13 : memref<640x128xf32, #tpu.memory_space<vmem_shared>>) target(%dma_start3A_11 : memref<640x128xf32, #tpu.memory_space<hbm>>) target_semaphore(%run_scoped3A : memref<!tpu.dma_semaphore, #tpu.memory_space<semaphore_mem>>)
      %dma_wait3A = arith.constant 0 : i32
      %dma_wait3A_14 = arith.constant 0 : i32
      %dma_wait3A_15 = tpu.memref_slice %arg5[%arg0, %dma_wait3A, %dma_wait3A_14] : memref<2x10240x128xf32, #tpu.memory_space<hbm>> -> memref<1x10240x128xf32, #tpu.memory_space<hbm>>
      %dma_wait3A_16 = tpu.memref_squeeze %dma_wait3A_15 : memref<1x10240x128xf32, #tpu.memory_space<hbm>> -> memref<10240x128xf32, #tpu.memory_space<hbm>>
      %dma_wait3A_17 = arith.constant 0 : i32
      %dma_wait3A_18 = tpu.memref_slice %dma_wait3A_16[%mul3A_0, %dma_wait3A_17] : memref<10240x128xf32, #tpu.memory_space<hbm>> -> memref<640x128xf32, #tpu.memory_space<hbm>>
      %dma_wait3A_19 = arith.constant 0 : i32
      %dma_wait3A_20 = tpu.memref_slice %arg9[%mul3A_0, %dma_wait3A_19] : memref<10240x128xf32, #tpu.memory_space<vmem_shared>> -> memref<640x128xf32, #tpu.memory_space<vmem_shared>>
      tpu.wait_dma2 semaphore(%run_scoped3A : memref<!tpu.dma_semaphore, #tpu.memory_space<semaphore_mem>>) src(%dma_wait3A_20 : memref<640x128xf32, #tpu.memory_space<vmem_shared>>) dst(%dma_wait3A_18 : memref<640x128xf32, #tpu.memory_space<hbm>>)
      tpu.yield
    }) : () -> ()
    return
  }
}

#map = affine_map<(d0, d1) -> (0, 0, 0)>
module attributes {stable_mosaic.version = 14 : i64} {
  func.func @sc_aggregate(%arg0: i32, %arg1: i32, %arg2: memref<2x10240x128xf32, #tpu.memory_space<hbm>>, %arg3: memref<16x79x128xi32, #tpu.memory_space<hbm>>, %arg4: memref<16x79x128xi32, #tpu.memory_space<hbm>>, %arg5: memref<2x10240x128xf32, #tpu.memory_space<hbm>>, %arg6: memref<128xi32, #tpu.memory_space<vmem>>, %arg7: memref<128xi32, #tpu.memory_space<vmem>>, %arg8: memref<128x128xf32, #tpu.memory_space<vmem>>, %arg9: memref<10240x128xf32, #tpu.memory_space<vmem_shared>>, %arg10: memref<!tpu.dma_semaphore, #tpu.memory_space<semaphore_mem>>) attributes {dimension_semantics = [#tpu.dimension_semantics<core_parallel>, #tpu.dimension_semantics<subcore_parallel>], iteration_bounds = array<i64: 2, 16>, scalar_prefetch = 0 : i64, scratch_operands = 5 : i64, tpu.core_type = #tpu.core_type<sc_vector_subcore>, window_params = [{transform_indices = #map}, {transform_indices = #map}, {transform_indices = #map}, {transform_indices = #map}]} {
    %mul3A = arith.constant 640 : i32
    %mul3A_0 = arith.muli %arg1, %mul3A : i32
    "tpu.region"() ({
      %run_scoped3A = tpu.sem_alloc : memref<!tpu.dma_semaphore, #tpu.memory_space<semaphore_mem>>
      %dma_start3A = arith.constant 0 : i32
      %dma_start3A_7 = tpu.memref_slice %arg9[%mul3A_0, %dma_start3A] : memref<10240x128xf32, #tpu.memory_space<vmem_shared>> -> memref<640x128xf32, #tpu.memory_space<vmem_shared>>
      %dma_start3A_8 = arith.constant 0 : i32
      %dma_start3A_9 = arith.constant 0 : i32
      %dma_start3A_10 = tpu.memref_slice %arg2[%arg0, %dma_start3A_8, %dma_start3A_9] : memref<2x10240x128xf32, #tpu.memory_space<hbm>> -> memref<1x10240x128xf32, #tpu.memory_space<hbm>>
      %dma_start3A_11 = tpu.memref_squeeze %dma_start3A_10 : memref<1x10240x128xf32, #tpu.memory_space<hbm>> -> memref<10240x128xf32, #tpu.memory_space<hbm>>
      %dma_start3A_12 = arith.constant 0 : i32
      %dma_start3A_13 = tpu.memref_slice %dma_start3A_11[%mul3A_0, %dma_start3A_12] : memref<10240x128xf32, #tpu.memory_space<hbm>> -> memref<640x128xf32, #tpu.memory_space<hbm>>
      tpu.enqueue_dma source(%dma_start3A_13 : memref<640x128xf32, #tpu.memory_space<hbm>>) target(%dma_start3A_7 : memref<640x128xf32, #tpu.memory_space<vmem_shared>>) target_semaphore(%run_scoped3A : memref<!tpu.dma_semaphore, #tpu.memory_space<semaphore_mem>>)
      %dma_wait3A = arith.constant 0 : i32
      %dma_wait3A_14 = tpu.memref_slice %arg9[%mul3A_0, %dma_wait3A] : memref<10240x128xf32, #tpu.memory_space<vmem_shared>> -> memref<640x128xf32, #tpu.memory_space<vmem_shared>>
      %dma_wait3A_15 = arith.constant 0 : i32
      %dma_wait3A_16 = arith.constant 0 : i32
      %dma_wait3A_17 = tpu.memref_slice %arg2[%arg0, %dma_wait3A_15, %dma_wait3A_16] : memref<2x10240x128xf32, #tpu.memory_space<hbm>> -> memref<1x10240x128xf32, #tpu.memory_space<hbm>>
      %dma_wait3A_18 = tpu.memref_squeeze %dma_wait3A_17 : memref<1x10240x128xf32, #tpu.memory_space<hbm>> -> memref<10240x128xf32, #tpu.memory_space<hbm>>
      %dma_wait3A_19 = arith.constant 0 : i32
      %dma_wait3A_20 = tpu.memref_slice %dma_wait3A_18[%mul3A_0, %dma_wait3A_19] : memref<10240x128xf32, #tpu.memory_space<hbm>> -> memref<640x128xf32, #tpu.memory_space<hbm>>
      tpu.wait_dma2 semaphore(%run_scoped3A : memref<!tpu.dma_semaphore, #tpu.memory_space<semaphore_mem>>) src(%dma_wait3A_20 : memref<640x128xf32, #tpu.memory_space<hbm>>) dst(%dma_wait3A_14 : memref<640x128xf32, #tpu.memory_space<vmem_shared>>)
      tpu.yield
    }) : () -> ()
    %barrier3A = arith.constant 0 : index
    tpu.barrier barrier_id(%barrier3A)
    %scan3A = arith.constant 0 : i32
    %scan3A_1 = arith.constant 0 : i32
    %scan3A_2 = arith.constant 79 : i32
    %scan3A_3 = arith.addi %scan3A_1, %scan3A_2 : i32
    %scan3A_4 = arith.constant 1 : i32
    scf.for %scan3A_7 = %scan3A_1 to %scan3A_3 step %scan3A_4  : i32 {
      "tpu.region"() ({
        %run_scoped3A = tpu.sem_alloc : memref<!tpu.dma_semaphore, #tpu.memory_space<semaphore_mem>>
        %dma_start3A_20 = arith.constant 0 : i32
        %dma_start3A_21 = arith.constant 0 : i32
        %dma_start3A_22 = tpu.memref_slice %arg3[%arg1, %dma_start3A_20, %dma_start3A_21] : memref<16x79x128xi32, #tpu.memory_space<hbm>> -> memref<1x79x128xi32, #tpu.memory_space<hbm>>
        %dma_start3A_23 = tpu.memref_squeeze %dma_start3A_22 : memref<1x79x128xi32, #tpu.memory_space<hbm>> -> memref<79x128xi32, #tpu.memory_space<hbm>>
        %dma_start3A_24 = arith.constant 0 : i32
        %dma_start3A_25 = tpu.memref_slice %dma_start3A_23[%scan3A_7, %dma_start3A_24] : memref<79x128xi32, #tpu.memory_space<hbm>> -> memref<1x128xi32, #tpu.memory_space<hbm>>
        %dma_start3A_26 = tpu.memref_squeeze %dma_start3A_25 : memref<1x128xi32, #tpu.memory_space<hbm>> -> memref<128xi32, #tpu.memory_space<hbm>>
        %dma_start3A_27 = arith.constant 0 : i32
        %dma_start3A_28 = arith.constant 0 : i32
        %dma_start3A_29 = tpu.memref_slice %arg3[%arg1, %dma_start3A_27, %dma_start3A_28] : memref<16x79x128xi32, #tpu.memory_space<hbm>> -> memref<1x79x128xi32, #tpu.memory_space<hbm>>
        %dma_start3A_30 = tpu.memref_squeeze %dma_start3A_29 : memref<1x79x128xi32, #tpu.memory_space<hbm>> -> memref<79x128xi32, #tpu.memory_space<hbm>>
        %dma_start3A_31 = arith.constant 0 : i32
        %dma_start3A_32 = tpu.memref_slice %dma_start3A_30[%scan3A_7, %dma_start3A_31] : memref<79x128xi32, #tpu.memory_space<hbm>> -> memref<1x128xi32, #tpu.memory_space<hbm>>
        %dma_start3A_33 = tpu.memref_squeeze %dma_start3A_32 : memref<1x128xi32, #tpu.memory_space<hbm>> -> memref<128xi32, #tpu.memory_space<hbm>>
        tpu.enqueue_dma source(%dma_start3A_33 : memref<128xi32, #tpu.memory_space<hbm>>) target(%arg6 : memref<128xi32, #tpu.memory_space<vmem>>) target_semaphore(%run_scoped3A : memref<!tpu.dma_semaphore, #tpu.memory_space<semaphore_mem>>)
        %dma_wait3A_34 = arith.constant 0 : i32
        %dma_wait3A_35 = arith.constant 0 : i32
        %dma_wait3A_36 = tpu.memref_slice %arg3[%arg1, %dma_wait3A_34, %dma_wait3A_35] : memref<16x79x128xi32, #tpu.memory_space<hbm>> -> memref<1x79x128xi32, #tpu.memory_space<hbm>>
        %dma_wait3A_37 = tpu.memref_squeeze %dma_wait3A_36 : memref<1x79x128xi32, #tpu.memory_space<hbm>> -> memref<79x128xi32, #tpu.memory_space<hbm>>
        %dma_wait3A_38 = arith.constant 0 : i32
        %dma_wait3A_39 = tpu.memref_slice %dma_wait3A_37[%scan3A_7, %dma_wait3A_38] : memref<79x128xi32, #tpu.memory_space<hbm>> -> memref<1x128xi32, #tpu.memory_space<hbm>>
        %dma_wait3A_40 = tpu.memref_squeeze %dma_wait3A_39 : memref<1x128xi32, #tpu.memory_space<hbm>> -> memref<128xi32, #tpu.memory_space<hbm>>
        %dma_wait3A_41 = arith.constant 0 : i32
        %dma_wait3A_42 = arith.constant 0 : i32
        %dma_wait3A_43 = tpu.memref_slice %arg3[%arg1, %dma_wait3A_41, %dma_wait3A_42] : memref<16x79x128xi32, #tpu.memory_space<hbm>> -> memref<1x79x128xi32, #tpu.memory_space<hbm>>
        %dma_wait3A_44 = tpu.memref_squeeze %dma_wait3A_43 : memref<1x79x128xi32, #tpu.memory_space<hbm>> -> memref<79x128xi32, #tpu.memory_space<hbm>>
        %dma_wait3A_45 = arith.constant 0 : i32
        %dma_wait3A_46 = tpu.memref_slice %dma_wait3A_44[%scan3A_7, %dma_wait3A_45] : memref<79x128xi32, #tpu.memory_space<hbm>> -> memref<1x128xi32, #tpu.memory_space<hbm>>
        %dma_wait3A_47 = tpu.memref_squeeze %dma_wait3A_46 : memref<1x128xi32, #tpu.memory_space<hbm>> -> memref<128xi32, #tpu.memory_space<hbm>>
        tpu.wait_dma2 semaphore(%run_scoped3A : memref<!tpu.dma_semaphore, #tpu.memory_space<semaphore_mem>>) src(%dma_wait3A_47 : memref<128xi32, #tpu.memory_space<hbm>>) dst(%arg6 : memref<128xi32, #tpu.memory_space<vmem>>)
        tpu.yield
      }) : () -> ()
      "tpu.region"() ({
        %run_scoped3A = tpu.sem_alloc : memref<!tpu.dma_semaphore, #tpu.memory_space<semaphore_mem>>
        %dma_start3A_20 = arith.constant 0 : i32
        %dma_start3A_21 = arith.constant 0 : i32
        %dma_start3A_22 = tpu.memref_slice %arg4[%arg1, %dma_start3A_20, %dma_start3A_21] : memref<16x79x128xi32, #tpu.memory_space<hbm>> -> memref<1x79x128xi32, #tpu.memory_space<hbm>>
        %dma_start3A_23 = tpu.memref_squeeze %dma_start3A_22 : memref<1x79x128xi32, #tpu.memory_space<hbm>> -> memref<79x128xi32, #tpu.memory_space<hbm>>
        %dma_start3A_24 = arith.constant 0 : i32
        %dma_start3A_25 = tpu.memref_slice %dma_start3A_23[%scan3A_7, %dma_start3A_24] : memref<79x128xi32, #tpu.memory_space<hbm>> -> memref<1x128xi32, #tpu.memory_space<hbm>>
        %dma_start3A_26 = tpu.memref_squeeze %dma_start3A_25 : memref<1x128xi32, #tpu.memory_space<hbm>> -> memref<128xi32, #tpu.memory_space<hbm>>
        %dma_start3A_27 = arith.constant 0 : i32
        %dma_start3A_28 = arith.constant 0 : i32
        %dma_start3A_29 = tpu.memref_slice %arg4[%arg1, %dma_start3A_27, %dma_start3A_28] : memref<16x79x128xi32, #tpu.memory_space<hbm>> -> memref<1x79x128xi32, #tpu.memory_space<hbm>>
        %dma_start3A_30 = tpu.memref_squeeze %dma_start3A_29 : memref<1x79x128xi32, #tpu.memory_space<hbm>> -> memref<79x128xi32, #tpu.memory_space<hbm>>
        %dma_start3A_31 = arith.constant 0 : i32
        %dma_start3A_32 = tpu.memref_slice %dma_start3A_30[%scan3A_7, %dma_start3A_31] : memref<79x128xi32, #tpu.memory_space<hbm>> -> memref<1x128xi32, #tpu.memory_space<hbm>>
        %dma_start3A_33 = tpu.memref_squeeze %dma_start3A_32 : memref<1x128xi32, #tpu.memory_space<hbm>> -> memref<128xi32, #tpu.memory_space<hbm>>
        tpu.enqueue_dma source(%dma_start3A_33 : memref<128xi32, #tpu.memory_space<hbm>>) target(%arg7 : memref<128xi32, #tpu.memory_space<vmem>>) target_semaphore(%run_scoped3A : memref<!tpu.dma_semaphore, #tpu.memory_space<semaphore_mem>>)
        %dma_wait3A_34 = arith.constant 0 : i32
        %dma_wait3A_35 = arith.constant 0 : i32
        %dma_wait3A_36 = tpu.memref_slice %arg4[%arg1, %dma_wait3A_34, %dma_wait3A_35] : memref<16x79x128xi32, #tpu.memory_space<hbm>> -> memref<1x79x128xi32, #tpu.memory_space<hbm>>
        %dma_wait3A_37 = tpu.memref_squeeze %dma_wait3A_36 : memref<1x79x128xi32, #tpu.memory_space<hbm>> -> memref<79x128xi32, #tpu.memory_space<hbm>>
        %dma_wait3A_38 = arith.constant 0 : i32
        %dma_wait3A_39 = tpu.memref_slice %dma_wait3A_37[%scan3A_7, %dma_wait3A_38] : memref<79x128xi32, #tpu.memory_space<hbm>> -> memref<1x128xi32, #tpu.memory_space<hbm>>
        %dma_wait3A_40 = tpu.memref_squeeze %dma_wait3A_39 : memref<1x128xi32, #tpu.memory_space<hbm>> -> memref<128xi32, #tpu.memory_space<hbm>>
        %dma_wait3A_41 = arith.constant 0 : i32
        %dma_wait3A_42 = arith.constant 0 : i32
        %dma_wait3A_43 = tpu.memref_slice %arg4[%arg1, %dma_wait3A_41, %dma_wait3A_42] : memref<16x79x128xi32, #tpu.memory_space<hbm>> -> memref<1x79x128xi32, #tpu.memory_space<hbm>>
        %dma_wait3A_44 = tpu.memref_squeeze %dma_wait3A_43 : memref<1x79x128xi32, #tpu.memory_space<hbm>> -> memref<79x128xi32, #tpu.memory_space<hbm>>
        %dma_wait3A_45 = arith.constant 0 : i32
        %dma_wait3A_46 = tpu.memref_slice %dma_wait3A_44[%scan3A_7, %dma_wait3A_45] : memref<79x128xi32, #tpu.memory_space<hbm>> -> memref<1x128xi32, #tpu.memory_space<hbm>>
        %dma_wait3A_47 = tpu.memref_squeeze %dma_wait3A_46 : memref<1x128xi32, #tpu.memory_space<hbm>> -> memref<128xi32, #tpu.memory_space<hbm>>
        tpu.wait_dma2 semaphore(%run_scoped3A : memref<!tpu.dma_semaphore, #tpu.memory_space<semaphore_mem>>) src(%dma_wait3A_47 : memref<128xi32, #tpu.memory_space<hbm>>) dst(%arg7 : memref<128xi32, #tpu.memory_space<vmem>>)
        tpu.yield
      }) : () -> ()
      %dma_start3A = arith.constant 0 : i32
      %dma_start3A_8 = arith.constant 0 : i32
      %dma_start3A_9 = tpu.memref_slice %arg2[%arg0, %dma_start3A, %dma_start3A_8] : memref<2x10240x128xf32, #tpu.memory_space<hbm>> -> memref<1x10240x128xf32, #tpu.memory_space<hbm>>
      %dma_start3A_10 = tpu.memref_squeeze %dma_start3A_9 : memref<1x10240x128xf32, #tpu.memory_space<hbm>> -> memref<10240x128xf32, #tpu.memory_space<hbm>>
      %dma_start3A_11 = arith.constant 0 : i32
      %dma_start3A_12 = arith.constant 0 : i32
      %dma_start3A_13 = tpu.memref_slice %dma_start3A_10[%dma_start3A_11, %dma_start3A_12] : memref<10240x128xf32, #tpu.memory_space<hbm>> -> memref<10240x128xf32, #tpu.memory_space<hbm>>
      tpu.enqueue_indirect_dma source(%dma_start3A_13 : memref<10240x128xf32, #tpu.memory_space<hbm>>) target(%arg8 : memref<128x128xf32, #tpu.memory_space<vmem>>) offsets(%arg6 : memref<128xi32, #tpu.memory_space<vmem>>) semaphore(%arg10 : memref<!tpu.dma_semaphore, #tpu.memory_space<semaphore_mem>>)
      %dma_wait3A = arith.constant 0 : i32
      %dma_wait3A_14 = arith.constant 0 : i32
      %dma_wait3A_15 = tpu.memref_slice %arg2[%arg0, %dma_wait3A, %dma_wait3A_14] : memref<2x10240x128xf32, #tpu.memory_space<hbm>> -> memref<1x10240x128xf32, #tpu.memory_space<hbm>>
      %dma_wait3A_16 = tpu.memref_squeeze %dma_wait3A_15 : memref<1x10240x128xf32, #tpu.memory_space<hbm>> -> memref<10240x128xf32, #tpu.memory_space<hbm>>
      %dma_wait3A_17 = arith.constant 0 : i32
      %dma_wait3A_18 = arith.constant 0 : i32
      %dma_wait3A_19 = tpu.memref_slice %dma_wait3A_16[%dma_wait3A_17, %dma_wait3A_18] : memref<10240x128xf32, #tpu.memory_space<hbm>> -> memref<10240x128xf32, #tpu.memory_space<hbm>>
      tpu.wait_indirect_dma semaphore(%arg10 : memref<!tpu.dma_semaphore, #tpu.memory_space<semaphore_mem>>) src(%dma_wait3A_19 : memref<10240x128xf32, #tpu.memory_space<hbm>>) dst(%arg8 : memref<128x128xf32, #tpu.memory_space<vmem>>)
      "tpu.region"() ({
        %run_scoped3A = tpu.sem_alloc : memref<!tpu.dma_semaphore, #tpu.memory_space<semaphore_mem>>
        %dma_start3A_20 = arith.constant 0 : i32
        %dma_start3A_21 = arith.constant 0 : i32
        %dma_start3A_22 = tpu.memref_slice %arg9[%dma_start3A_20, %dma_start3A_21] : memref<10240x128xf32, #tpu.memory_space<vmem_shared>> -> memref<10240x128xf32, #tpu.memory_space<vmem_shared>>
        tpu.enqueue_indirect_dma source(%arg8 : memref<128x128xf32, #tpu.memory_space<vmem>>) target(%dma_start3A_22 : memref<10240x128xf32, #tpu.memory_space<vmem_shared>>) offsets(%arg7 : memref<128xi32, #tpu.memory_space<vmem>>) semaphore(%run_scoped3A : memref<!tpu.dma_semaphore, #tpu.memory_space<semaphore_mem>>) {add = true}
        %dma_wait3A_23 = arith.constant 0 : i32
        %dma_wait3A_24 = arith.constant 0 : i32
        %dma_wait3A_25 = tpu.memref_slice %arg9[%dma_wait3A_23, %dma_wait3A_24] : memref<10240x128xf32, #tpu.memory_space<vmem_shared>> -> memref<10240x128xf32, #tpu.memory_space<vmem_shared>>
        tpu.wait_indirect_dma semaphore(%run_scoped3A : memref<!tpu.dma_semaphore, #tpu.memory_space<semaphore_mem>>) src(%arg8 : memref<128x128xf32, #tpu.memory_space<vmem>>) dst(%dma_wait3A_25 : memref<10240x128xf32, #tpu.memory_space<vmem_shared>>)
        tpu.yield
      }) : () -> ()
    }
    %scan3A_5 = arith.constant 79 : i32
    %barrier3A_6 = arith.constant 0 : index
    tpu.barrier barrier_id(%barrier3A_6)
    "tpu.region"() ({
      %run_scoped3A = tpu.sem_alloc : memref<!tpu.dma_semaphore, #tpu.memory_space<semaphore_mem>>
      %dma_start3A = arith.constant 0 : i32
      %dma_start3A_7 = arith.constant 0 : i32
      %dma_start3A_8 = tpu.memref_slice %arg5[%arg0, %dma_start3A, %dma_start3A_7] : memref<2x10240x128xf32, #tpu.memory_space<hbm>> -> memref<1x10240x128xf32, #tpu.memory_space<hbm>>
      %dma_start3A_9 = tpu.memref_squeeze %dma_start3A_8 : memref<1x10240x128xf32, #tpu.memory_space<hbm>> -> memref<10240x128xf32, #tpu.memory_space<hbm>>
      %dma_start3A_10 = arith.constant 0 : i32
      %dma_start3A_11 = tpu.memref_slice %dma_start3A_9[%mul3A_0, %dma_start3A_10] : memref<10240x128xf32, #tpu.memory_space<hbm>> -> memref<640x128xf32, #tpu.memory_space<hbm>>
      %dma_start3A_12 = arith.constant 0 : i32
      %dma_start3A_13 = tpu.memref_slice %arg9[%mul3A_0, %dma_start3A_12] : memref<10240x128xf32, #tpu.memory_space<vmem_shared>> -> memref<640x128xf32, #tpu.memory_space<vmem_shared>>
      tpu.enqueue_dma source(%dma_start3A_13 : memref<640x128xf32, #tpu.memory_space<vmem_shared>>) target(%dma_start3A_11 : memref<640x128xf32, #tpu.memory_space<hbm>>) target_semaphore(%run_scoped3A : memref<!tpu.dma_semaphore, #tpu.memory_space<semaphore_mem>>)
      %dma_wait3A = arith.constant 0 : i32
      %dma_wait3A_14 = arith.constant 0 : i32
      %dma_wait3A_15 = tpu.memref_slice %arg5[%arg0, %dma_wait3A, %dma_wait3A_14] : memref<2x10240x128xf32, #tpu.memory_space<hbm>> -> memref<1x10240x128xf32, #tpu.memory_space<hbm>>
      %dma_wait3A_16 = tpu.memref_squeeze %dma_wait3A_15 : memref<1x10240x128xf32, #tpu.memory_space<hbm>> -> memref<10240x128xf32, #tpu.memory_space<hbm>>
      %dma_wait3A_17 = arith.constant 0 : i32
      %dma_wait3A_18 = tpu.memref_slice %dma_wait3A_16[%mul3A_0, %dma_wait3A_17] : memref<10240x128xf32, #tpu.memory_space<hbm>> -> memref<640x128xf32, #tpu.memory_space<hbm>>
      %dma_wait3A_19 = arith.constant 0 : i32
      %dma_wait3A_20 = tpu.memref_slice %arg9[%mul3A_0, %dma_wait3A_19] : memref<10240x128xf32, #tpu.memory_space<vmem_shared>> -> memref<640x128xf32, #tpu.memory_space<vmem_shared>>
      tpu.wait_dma2 semaphore(%run_scoped3A : memref<!tpu.dma_semaphore, #tpu.memory_space<semaphore_mem>>) src(%dma_wait3A_20 : memref<640x128xf32, #tpu.memory_space<vmem_shared>>) dst(%dma_wait3A_18 : memref<640x128xf32, #tpu.memory_space<hbm>>)
      tpu.yield
    }) : () -> ()
    return
  }
}

module attributes {stable_mosaic.version = 14 : i64} {
  func.func @_mlp_body(%arg0: i32, %arg1: memref<1x1xf32, #tpu.memory_space<smem>>, %arg2: memref<2x256x128xf32, #tpu.memory_space<vmem>>, %arg3: memref<2x256x128xf32, #tpu.memory_space<vmem>>, %arg4: memref<256x512xf32, #tpu.memory_space<vmem>>, %arg5: memref<1x512xf32, #tpu.memory_space<vmem>>, %arg6: memref<512x256xf32, #tpu.memory_space<vmem>>, %arg7: memref<1x256xf32, #tpu.memory_space<vmem>>, %arg8: memref<2x256x128xf32, #tpu.memory_space<vmem>>) attributes {dimension_semantics = [#tpu.dimension_semantics<arbitrary>], iteration_bounds = array<i64: 40>, scalar_prefetch = 0 : i64, scratch_operands = 0 : i64, tpu.core_type = #tpu.core_type<tc>, window_params = [{transform_indices = @transform_0, window_bounds = array<i64: 1, 1>}, {transform_indices = @transform_1, window_bounds = array<i64: 2, 256, 128>}, {transform_indices = @transform_2, window_bounds = array<i64: 2, 256, 128>}, {pipeline_mode = #tpu.pipeline_mode<synchronous>, transform_indices = @transform_3, window_bounds = array<i64: 256, 512>}, {pipeline_mode = #tpu.pipeline_mode<synchronous>, transform_indices = @transform_4, window_bounds = array<i64: 1, 512>}, {pipeline_mode = #tpu.pipeline_mode<synchronous>, transform_indices = @transform_5, window_bounds = array<i64: 512, 256>}, {pipeline_mode = #tpu.pipeline_mode<synchronous>, transform_indices = @transform_6, window_bounds = array<i64: 1, 256>}, {transform_indices = @transform_7, window_bounds = array<i64: 2, 256, 128>}]} {
    %get3A = arith.constant 0 : index
    %get3A_0 = arith.constant 0 : index
    %get3A_1 = arith.constant 0 : index
    %get3A_2 = vector.load %arg2[%get3A, %get3A_0, %get3A_1] : memref<2x256x128xf32, #tpu.memory_space<vmem>>, vector<1x256x128xf32>
    %get3A_3 = vector.shape_cast %get3A_2 : vector<1x256x128xf32> to vector<256x128xf32>
    %get3A_4 = arith.constant 1 : index
    %get3A_5 = arith.constant 0 : index
    %get3A_6 = arith.constant 0 : index
    %get3A_7 = vector.load %arg2[%get3A_4, %get3A_5, %get3A_6] : memref<2x256x128xf32, #tpu.memory_space<vmem>>, vector<1x256x128xf32>
    %get3A_8 = vector.shape_cast %get3A_7 : vector<1x256x128xf32> to vector<256x128xf32>
    %concatenate3A = tpu.concatenate %get3A_3, %get3A_8 in 1 : vector<256x128xf32>, vector<256x128xf32> -> vector<256x256xf32>
    %get3A_9 = arith.constant 0 : index
    %get3A_10 = arith.constant 0 : index
    %get3A_11 = arith.constant 0 : index
    %get3A_12 = vector.load %arg3[%get3A_9, %get3A_10, %get3A_11] : memref<2x256x128xf32, #tpu.memory_space<vmem>>, vector<1x256x128xf32>
    %get3A_13 = vector.shape_cast %get3A_12 : vector<1x256x128xf32> to vector<256x128xf32>
    %get3A_14 = arith.constant 1 : index
    %get3A_15 = arith.constant 0 : index
    %get3A_16 = arith.constant 0 : index
    %get3A_17 = vector.load %arg3[%get3A_14, %get3A_15, %get3A_16] : memref<2x256x128xf32, #tpu.memory_space<vmem>>, vector<1x256x128xf32>
    %get3A_18 = vector.shape_cast %get3A_17 : vector<1x256x128xf32> to vector<256x128xf32>
    %concatenate3A_19 = tpu.concatenate %get3A_13, %get3A_18 in 1 : vector<256x128xf32>, vector<256x128xf32> -> vector<256x256xf32>
    %get3A_20 = arith.constant 0 : index
    %get3A_21 = arith.constant 0 : index
    %get3A_22 = memref.load %arg1[%get3A_20, %get3A_21] : memref<1x1xf32, #tpu.memory_space<smem>>
    %mul3A = vector.broadcast %get3A_22 : f32 to vector<256x256xf32>
    %mul3A_23 = arith.mulf %mul3A, %concatenate3A : vector<256x256xf32>
    %add3A = arith.addf %concatenate3A_19, %mul3A_23 : vector<256x256xf32>
    %get3A_24 = arith.constant 0 : index
    %get3A_25 = arith.constant 0 : index
    %get3A_26 = vector.load %arg4[%get3A_24, %get3A_25] : memref<256x512xf32, #tpu.memory_space<vmem>>, vector<256x512xf32>
    %dot_general3A = arith.constant dense<0.000000e+00> : vector<256x512xf32>
    %dot_general3A_27 = tpu.matmul %add3A, %get3A_26, %dot_general3A {dimension_numbers = #tpu.dot_dimension_numbers<[1], [0], [0], [1], [0, 0, 1, 1], [], []>, transpose_lhs_hint = false} : vector<256x256xf32>, vector<256x512xf32>, vector<256x512xf32> -> vector<256x512xf32>
    %get3A_28 = arith.constant 0 : index
    %get3A_29 = arith.constant 0 : index
    %get3A_30 = vector.load %arg5[%get3A_28, %get3A_29] : memref<1x512xf32, #tpu.memory_space<vmem>>, vector<1x512xf32>
    %add3A_31 = vector.broadcast %get3A_30 : vector<1x512xf32> to vector<256x512xf32>
    %add3A_32 = arith.addf %dot_general3A_27, %add3A_31 : vector<256x512xf32>
    %max3A = arith.constant 0.000000e+00 : f32
    %max3A_33 = vector.broadcast %max3A : f32 to vector<256x512xf32>
    %max3A_34 = arith.maximumf %add3A_32, %max3A_33 : vector<256x512xf32>
    %get3A_35 = arith.constant 0 : index
    %get3A_36 = arith.constant 0 : index
    %get3A_37 = vector.load %arg6[%get3A_35, %get3A_36] : memref<512x256xf32, #tpu.memory_space<vmem>>, vector<512x256xf32>
    %dot_general3A_38 = arith.constant dense<0.000000e+00> : vector<256x256xf32>
    %dot_general3A_39 = tpu.matmul %max3A_34, %get3A_37, %dot_general3A_38 {dimension_numbers = #tpu.dot_dimension_numbers<[1], [0], [0], [1], [0, 0, 1, 1], [], []>, transpose_lhs_hint = false} : vector<256x512xf32>, vector<512x256xf32>, vector<256x256xf32> -> vector<256x256xf32>
    %get3A_40 = arith.constant 0 : index
    %get3A_41 = arith.constant 0 : index
    %get3A_42 = vector.load %arg7[%get3A_40, %get3A_41] : memref<1x256xf32, #tpu.memory_space<vmem>>, vector<1x256xf32>
    %add3A_43 = vector.broadcast %get3A_42 : vector<1x256xf32> to vector<256x256xf32>
    %add3A_44 = arith.addf %dot_general3A_39, %add3A_43 : vector<256x256xf32>
    %max3A_45 = arith.constant 0.000000e+00 : f32
    %max3A_46 = vector.broadcast %max3A_45 : f32 to vector<256x256xf32>
    %max3A_47 = arith.maximumf %add3A_44, %max3A_46 : vector<256x256xf32>
    %slice3A = vector.extract_strided_slice %max3A_47 {offsets = [0, 0], sizes = [256, 128], strides = [1, 1]} : vector<256x256xf32> to vector<256x128xf32>
    %swap3A = arith.constant 0 : index
    %swap3A_48 = arith.constant 0 : index
    %swap3A_49 = arith.constant 0 : index
    %swap3A_50 = vector.load %arg8[%swap3A, %swap3A_48, %swap3A_49] : memref<2x256x128xf32, #tpu.memory_space<vmem>>, vector<1x256x128xf32>
    %swap3A_51 = vector.shape_cast %swap3A_50 : vector<1x256x128xf32> to vector<256x128xf32>
    %swap3A_52 = vector.shape_cast %slice3A : vector<256x128xf32> to vector<1x256x128xf32>
    tpu.vector_store %arg8[%swap3A, %swap3A_48, %swap3A_49], %swap3A_52 {strides = array<i32>} : memref<2x256x128xf32, #tpu.memory_space<vmem>>, vector<1x256x128xf32>,
    %slice3A_53 = vector.extract_strided_slice %max3A_47 {offsets = [0, 128], sizes = [256, 128], strides = [1, 1]} : vector<256x256xf32> to vector<256x128xf32>
    %swap3A_54 = arith.constant 1 : index
    %swap3A_55 = arith.constant 0 : index
    %swap3A_56 = arith.constant 0 : index
    %swap3A_57 = vector.load %arg8[%swap3A_54, %swap3A_55, %swap3A_56] : memref<2x256x128xf32, #tpu.memory_space<vmem>>, vector<1x256x128xf32>
    %swap3A_58 = vector.shape_cast %swap3A_57 : vector<1x256x128xf32> to vector<256x128xf32>
    %swap3A_59 = vector.shape_cast %slice3A_53 : vector<256x128xf32> to vector<1x256x128xf32>
    tpu.vector_store %arg8[%swap3A_54, %swap3A_55, %swap3A_56], %swap3A_59 {strides = array<i32>} : memref<2x256x128xf32, #tpu.memory_space<vmem>>, vector<1x256x128xf32>,
    return
  }
  func.func @transform_0(%arg0: i32) -> (i32, i32) {
    %c0_i32 = arith.constant 0 : i32
    %c0_i32_0 = arith.constant 0 : i32
    %c0_i32_1 = arith.constant 0 : i32
    return %c0_i32, %c0_i32_0 : i32, i32
  }
  func.func @transform_1(%arg0: i32) -> (i32, i32, i32) {
    %c0_i32 = arith.constant 0 : i32
    %c0_i32_0 = arith.constant 0 : i32
    %c0_i32_1 = arith.constant 0 : i32
    return %c0_i32, %arg0, %c0_i32_0 : i32, i32, i32
  }
  func.func @transform_2(%arg0: i32) -> (i32, i32, i32) {
    %c0_i32 = arith.constant 0 : i32
    %c0_i32_0 = arith.constant 0 : i32
    %c0_i32_1 = arith.constant 0 : i32
    return %c0_i32, %arg0, %c0_i32_0 : i32, i32, i32
  }
  func.func @transform_3(%arg0: i32) -> (i32, i32) {
    %c0_i32 = arith.constant 0 : i32
    %c0_i32_0 = arith.constant 0 : i32
    %c0_i32_1 = arith.constant 0 : i32
    return %c0_i32, %c0_i32_0 : i32, i32
  }
  func.func @transform_4(%arg0: i32) -> (i32, i32) {
    %c0_i32 = arith.constant 0 : i32
    %c0_i32_0 = arith.constant 0 : i32
    %c0_i32_1 = arith.constant 0 : i32
    return %c0_i32, %c0_i32_0 : i32, i32
  }
  func.func @transform_5(%arg0: i32) -> (i32, i32) {
    %c0_i32 = arith.constant 0 : i32
    %c0_i32_0 = arith.constant 0 : i32
    %c0_i32_1 = arith.constant 0 : i32
    return %c0_i32, %c0_i32_0 : i32, i32
  }
  func.func @transform_6(%arg0: i32) -> (i32, i32) {
    %c0_i32 = arith.constant 0 : i32
    %c0_i32_0 = arith.constant 0 : i32
    %c0_i32_1 = arith.constant 0 : i32
    return %c0_i32, %c0_i32_0 : i32, i32
  }
  func.func @transform_7(%arg0: i32) -> (i32, i32, i32) {
    %c0_i32 = arith.constant 0 : i32
    %c0_i32_0 = arith.constant 0 : i32
    %c0_i32_1 = arith.constant 0 : i32
    return %c0_i32, %arg0, %c0_i32_0 : i32, i32, i32
  }
}

module attributes {stable_mosaic.version = 14 : i64} {
  func.func @_mlp_body(%arg0: i32, %arg1: memref<1x1xf32, #tpu.memory_space<smem>>, %arg2: memref<2x256x128xf32, #tpu.memory_space<vmem>>, %arg3: memref<2x256x128xf32, #tpu.memory_space<vmem>>, %arg4: memref<256x512xf32, #tpu.memory_space<vmem>>, %arg5: memref<1x512xf32, #tpu.memory_space<vmem>>, %arg6: memref<512x256xf32, #tpu.memory_space<vmem>>, %arg7: memref<1x256xf32, #tpu.memory_space<vmem>>, %arg8: memref<2x256x128xf32, #tpu.memory_space<vmem>>) attributes {dimension_semantics = [#tpu.dimension_semantics<arbitrary>], iteration_bounds = array<i64: 40>, scalar_prefetch = 0 : i64, scratch_operands = 0 : i64, tpu.core_type = #tpu.core_type<tc>, window_params = [{transform_indices = @transform_0, window_bounds = array<i64: 1, 1>}, {transform_indices = @transform_1, window_bounds = array<i64: 2, 256, 128>}, {transform_indices = @transform_2, window_bounds = array<i64: 2, 256, 128>}, {pipeline_mode = #tpu.pipeline_mode<synchronous>, transform_indices = @transform_3, window_bounds = array<i64: 256, 512>}, {pipeline_mode = #tpu.pipeline_mode<synchronous>, transform_indices = @transform_4, window_bounds = array<i64: 1, 512>}, {pipeline_mode = #tpu.pipeline_mode<synchronous>, transform_indices = @transform_5, window_bounds = array<i64: 512, 256>}, {pipeline_mode = #tpu.pipeline_mode<synchronous>, transform_indices = @transform_6, window_bounds = array<i64: 1, 256>}, {transform_indices = @transform_7, window_bounds = array<i64: 2, 256, 128>}]} {
    %get3A = arith.constant 0 : index
    %get3A_0 = arith.constant 0 : index
    %get3A_1 = arith.constant 0 : index
    %get3A_2 = vector.load %arg2[%get3A, %get3A_0, %get3A_1] : memref<2x256x128xf32, #tpu.memory_space<vmem>>, vector<1x256x128xf32>
    %get3A_3 = vector.shape_cast %get3A_2 : vector<1x256x128xf32> to vector<256x128xf32>
    %get3A_4 = arith.constant 1 : index
    %get3A_5 = arith.constant 0 : index
    %get3A_6 = arith.constant 0 : index
    %get3A_7 = vector.load %arg2[%get3A_4, %get3A_5, %get3A_6] : memref<2x256x128xf32, #tpu.memory_space<vmem>>, vector<1x256x128xf32>
    %get3A_8 = vector.shape_cast %get3A_7 : vector<1x256x128xf32> to vector<256x128xf32>
    %concatenate3A = tpu.concatenate %get3A_3, %get3A_8 in 1 : vector<256x128xf32>, vector<256x128xf32> -> vector<256x256xf32>
    %get3A_9 = arith.constant 0 : index
    %get3A_10 = arith.constant 0 : index
    %get3A_11 = arith.constant 0 : index
    %get3A_12 = vector.load %arg3[%get3A_9, %get3A_10, %get3A_11] : memref<2x256x128xf32, #tpu.memory_space<vmem>>, vector<1x256x128xf32>
    %get3A_13 = vector.shape_cast %get3A_12 : vector<1x256x128xf32> to vector<256x128xf32>
    %get3A_14 = arith.constant 1 : index
    %get3A_15 = arith.constant 0 : index
    %get3A_16 = arith.constant 0 : index
    %get3A_17 = vector.load %arg3[%get3A_14, %get3A_15, %get3A_16] : memref<2x256x128xf32, #tpu.memory_space<vmem>>, vector<1x256x128xf32>
    %get3A_18 = vector.shape_cast %get3A_17 : vector<1x256x128xf32> to vector<256x128xf32>
    %concatenate3A_19 = tpu.concatenate %get3A_13, %get3A_18 in 1 : vector<256x128xf32>, vector<256x128xf32> -> vector<256x256xf32>
    %get3A_20 = arith.constant 0 : index
    %get3A_21 = arith.constant 0 : index
    %get3A_22 = memref.load %arg1[%get3A_20, %get3A_21] : memref<1x1xf32, #tpu.memory_space<smem>>
    %mul3A = vector.broadcast %get3A_22 : f32 to vector<256x256xf32>
    %mul3A_23 = arith.mulf %mul3A, %concatenate3A : vector<256x256xf32>
    %add3A = arith.addf %concatenate3A_19, %mul3A_23 : vector<256x256xf32>
    %get3A_24 = arith.constant 0 : index
    %get3A_25 = arith.constant 0 : index
    %get3A_26 = vector.load %arg4[%get3A_24, %get3A_25] : memref<256x512xf32, #tpu.memory_space<vmem>>, vector<256x512xf32>
    %dot_general3A = arith.constant dense<0.000000e+00> : vector<256x512xf32>
    %dot_general3A_27 = tpu.matmul %add3A, %get3A_26, %dot_general3A {dimension_numbers = #tpu.dot_dimension_numbers<[1], [0], [0], [1], [0, 0, 1, 1], [], []>, transpose_lhs_hint = false} : vector<256x256xf32>, vector<256x512xf32>, vector<256x512xf32> -> vector<256x512xf32>
    %get3A_28 = arith.constant 0 : index
    %get3A_29 = arith.constant 0 : index
    %get3A_30 = vector.load %arg5[%get3A_28, %get3A_29] : memref<1x512xf32, #tpu.memory_space<vmem>>, vector<1x512xf32>
    %add3A_31 = vector.broadcast %get3A_30 : vector<1x512xf32> to vector<256x512xf32>
    %add3A_32 = arith.addf %dot_general3A_27, %add3A_31 : vector<256x512xf32>
    %max3A = arith.constant 0.000000e+00 : f32
    %max3A_33 = vector.broadcast %max3A : f32 to vector<256x512xf32>
    %max3A_34 = arith.maximumf %add3A_32, %max3A_33 : vector<256x512xf32>
    %get3A_35 = arith.constant 0 : index
    %get3A_36 = arith.constant 0 : index
    %get3A_37 = vector.load %arg6[%get3A_35, %get3A_36] : memref<512x256xf32, #tpu.memory_space<vmem>>, vector<512x256xf32>
    %dot_general3A_38 = arith.constant dense<0.000000e+00> : vector<256x256xf32>
    %dot_general3A_39 = tpu.matmul %max3A_34, %get3A_37, %dot_general3A_38 {dimension_numbers = #tpu.dot_dimension_numbers<[1], [0], [0], [1], [0, 0, 1, 1], [], []>, transpose_lhs_hint = false} : vector<256x512xf32>, vector<512x256xf32>, vector<256x256xf32> -> vector<256x256xf32>
    %get3A_40 = arith.constant 0 : index
    %get3A_41 = arith.constant 0 : index
    %get3A_42 = vector.load %arg7[%get3A_40, %get3A_41] : memref<1x256xf32, #tpu.memory_space<vmem>>, vector<1x256xf32>
    %add3A_43 = vector.broadcast %get3A_42 : vector<1x256xf32> to vector<256x256xf32>
    %add3A_44 = arith.addf %dot_general3A_39, %add3A_43 : vector<256x256xf32>
    %slice3A = vector.extract_strided_slice %add3A_44 {offsets = [0, 0], sizes = [256, 128], strides = [1, 1]} : vector<256x256xf32> to vector<256x128xf32>
    %swap3A = arith.constant 0 : index
    %swap3A_45 = arith.constant 0 : index
    %swap3A_46 = arith.constant 0 : index
    %swap3A_47 = vector.load %arg8[%swap3A, %swap3A_45, %swap3A_46] : memref<2x256x128xf32, #tpu.memory_space<vmem>>, vector<1x256x128xf32>
    %swap3A_48 = vector.shape_cast %swap3A_47 : vector<1x256x128xf32> to vector<256x128xf32>
    %swap3A_49 = vector.shape_cast %slice3A : vector<256x128xf32> to vector<1x256x128xf32>
    tpu.vector_store %arg8[%swap3A, %swap3A_45, %swap3A_46], %swap3A_49 {strides = array<i32>} : memref<2x256x128xf32, #tpu.memory_space<vmem>>, vector<1x256x128xf32>,
    %slice3A_50 = vector.extract_strided_slice %add3A_44 {offsets = [0, 128], sizes = [256, 128], strides = [1, 1]} : vector<256x256xf32> to vector<256x128xf32>
    %swap3A_51 = arith.constant 1 : index
    %swap3A_52 = arith.constant 0 : index
    %swap3A_53 = arith.constant 0 : index
    %swap3A_54 = vector.load %arg8[%swap3A_51, %swap3A_52, %swap3A_53] : memref<2x256x128xf32, #tpu.memory_space<vmem>>, vector<1x256x128xf32>
    %swap3A_55 = vector.shape_cast %swap3A_54 : vector<1x256x128xf32> to vector<256x128xf32>
    %swap3A_56 = vector.shape_cast %slice3A_50 : vector<256x128xf32> to vector<1x256x128xf32>
    tpu.vector_store %arg8[%swap3A_51, %swap3A_52, %swap3A_53], %swap3A_56 {strides = array<i32>} : memref<2x256x128xf32, #tpu.memory_space<vmem>>, vector<1x256x128xf32>,
    return
  }
  func.func @transform_0(%arg0: i32) -> (i32, i32) {
    %c0_i32 = arith.constant 0 : i32
    %c0_i32_0 = arith.constant 0 : i32
    %c0_i32_1 = arith.constant 0 : i32
    return %c0_i32, %c0_i32_0 : i32, i32
  }
  func.func @transform_1(%arg0: i32) -> (i32, i32, i32) {
    %c0_i32 = arith.constant 0 : i32
    %c0_i32_0 = arith.constant 0 : i32
    %c0_i32_1 = arith.constant 0 : i32
    return %c0_i32, %arg0, %c0_i32_0 : i32, i32, i32
  }
  func.func @transform_2(%arg0: i32) -> (i32, i32, i32) {
    %c0_i32 = arith.constant 0 : i32
    %c0_i32_0 = arith.constant 0 : i32
    %c0_i32_1 = arith.constant 0 : i32
    return %c0_i32, %arg0, %c0_i32_0 : i32, i32, i32
  }
  func.func @transform_3(%arg0: i32) -> (i32, i32) {
    %c0_i32 = arith.constant 0 : i32
    %c0_i32_0 = arith.constant 0 : i32
    %c0_i32_1 = arith.constant 0 : i32
    return %c0_i32, %c0_i32_0 : i32, i32
  }
  func.func @transform_4(%arg0: i32) -> (i32, i32) {
    %c0_i32 = arith.constant 0 : i32
    %c0_i32_0 = arith.constant 0 : i32
    %c0_i32_1 = arith.constant 0 : i32
    return %c0_i32, %c0_i32_0 : i32, i32
  }
  func.func @transform_5(%arg0: i32) -> (i32, i32) {
    %c0_i32 = arith.constant 0 : i32
    %c0_i32_0 = arith.constant 0 : i32
    %c0_i32_1 = arith.constant 0 : i32
    return %c0_i32, %c0_i32_0 : i32, i32
  }
  func.func @transform_6(%arg0: i32) -> (i32, i32) {
    %c0_i32 = arith.constant 0 : i32
    %c0_i32_0 = arith.constant 0 : i32
    %c0_i32_1 = arith.constant 0 : i32
    return %c0_i32, %c0_i32_0 : i32, i32
  }
  func.func @transform_7(%arg0: i32) -> (i32, i32, i32) {
    %c0_i32 = arith.constant 0 : i32
    %c0_i32_0 = arith.constant 0 : i32
    %c0_i32_1 = arith.constant 0 : i32
    return %c0_i32, %arg0, %c0_i32_0 : i32, i32, i32
  }
}

module attributes {stable_mosaic.version = 14 : i64} {
  func.func @_final_body(%arg0: i32, %arg1: memref<2x256x128xf32, #tpu.memory_space<vmem>>, %arg2: memref<1x1x256xi32, #tpu.memory_space<vmem>>, %arg3: memref<256x256xf32, #tpu.memory_space<vmem>>, %arg4: memref<1x256xf32, #tpu.memory_space<vmem>>, %arg5: memref<256x256xf32, #tpu.memory_space<vmem>>, %arg6: memref<1x256xf32, #tpu.memory_space<vmem>>, %arg7: memref<256x128xf32, #tpu.memory_space<vmem>>, %arg8: memref<1x128xf32, #tpu.memory_space<vmem>>, %arg9: memref<64x128xf32, #tpu.memory_space<vmem>>, %arg10: memref<64x256xf32, #tpu.memory_space<vmem>>, %arg11: memref<64x1xf32, #tpu.memory_space<vmem>>) attributes {dimension_semantics = [#tpu.dimension_semantics<arbitrary>], iteration_bounds = array<i64: 40>, scalar_prefetch = 0 : i64, scratch_operands = 2 : i64, tpu.core_type = #tpu.core_type<tc>, window_params = [{transform_indices = @transform_0, window_bounds = array<i64: 2, 256, 128>}, {transform_indices = @transform_1, window_bounds = array<i64: 1, 1, 256>}, {pipeline_mode = #tpu.pipeline_mode<synchronous>, transform_indices = @transform_2, window_bounds = array<i64: 256, 256>}, {pipeline_mode = #tpu.pipeline_mode<synchronous>, transform_indices = @transform_3, window_bounds = array<i64: 1, 256>}, {pipeline_mode = #tpu.pipeline_mode<synchronous>, transform_indices = @transform_4, window_bounds = array<i64: 256, 256>}, {pipeline_mode = #tpu.pipeline_mode<synchronous>, transform_indices = @transform_5, window_bounds = array<i64: 1, 256>}, {pipeline_mode = #tpu.pipeline_mode<synchronous>, transform_indices = @transform_6, window_bounds = array<i64: 256, 128>}, {pipeline_mode = #tpu.pipeline_mode<synchronous>, transform_indices = @transform_7, window_bounds = array<i64: 1, 128>}, {pipeline_mode = #tpu.pipeline_mode<synchronous>, transform_indices = @transform_8, window_bounds = array<i64: 64, 128>}]} {
    %eq3A = arith.constant 0 : i32
    %eq3A_0 = arith.cmpi eq, %arg0, %eq3A : i32
    %convert_element_type3A = arith.extui %eq3A_0 : i1 to i32
    %cond3A = arith.constant 0 : i32
    %cond3A_1 = arith.cmpi ne, %convert_element_type3A, %cond3A : i32
    scf.if %cond3A_1 {
      %broadcast_in_dim3A_58 = arith.constant 0.000000e+00 : f32
      %broadcast_in_dim3A_59 = vector.broadcast %broadcast_in_dim3A_58 : f32 to vector<64x256xf32>
      %swap3A_60 = arith.constant 0 : index
      %swap3A_61 = arith.constant 0 : index
      %swap3A_62 = vector.load %arg10[%swap3A_60, %swap3A_61] : memref<64x256xf32, #tpu.memory_space<vmem>>, vector<64x256xf32>
      tpu.vector_store %arg10[%swap3A_60, %swap3A_61], %broadcast_in_dim3A_59 {strides = array<i32>} : memref<64x256xf32, #tpu.memory_space<vmem>>, vector<64x256xf32>,
      %broadcast_in_dim3A_63 = arith.constant 0.000000e+00 : f32
      %broadcast_in_dim3A_64 = vector.broadcast %broadcast_in_dim3A_63 : f32 to vector<64x1xf32>
      %swap3A_65 = arith.constant 0 : index
      %swap3A_66 = arith.constant 0 : index
      %swap3A_67 = vector.load %arg11[%swap3A_65, %swap3A_66] : memref<64x1xf32, #tpu.memory_space<vmem>>, vector<64x1xf32>
      tpu.vector_store %arg11[%swap3A_65, %swap3A_66], %broadcast_in_dim3A_64 {strides = array<i32>} : memref<64x1xf32, #tpu.memory_space<vmem>>, vector<64x1xf32>,
    } else {
    }
    %get3A = arith.constant 0 : index
    %get3A_2 = arith.constant 0 : index
    %get3A_3 = arith.constant 0 : index
    %get3A_4 = vector.load %arg1[%get3A, %get3A_2, %get3A_3] : memref<2x256x128xf32, #tpu.memory_space<vmem>>, vector<1x256x128xf32>
    %get3A_5 = vector.shape_cast %get3A_4 : vector<1x256x128xf32> to vector<256x128xf32>
    %get3A_6 = arith.constant 1 : index
    %get3A_7 = arith.constant 0 : index
    %get3A_8 = arith.constant 0 : index
    %get3A_9 = vector.load %arg1[%get3A_6, %get3A_7, %get3A_8] : memref<2x256x128xf32, #tpu.memory_space<vmem>>, vector<1x256x128xf32>
    %get3A_10 = vector.shape_cast %get3A_9 : vector<1x256x128xf32> to vector<256x128xf32>
    %concatenate3A = tpu.concatenate %get3A_5, %get3A_10 in 1 : vector<256x128xf32>, vector<256x128xf32> -> vector<256x256xf32>
    %get3A_11 = arith.constant 0 : index
    %get3A_12 = arith.constant 0 : index
    %get3A_13 = vector.load %arg3[%get3A_11, %get3A_12] : memref<256x256xf32, #tpu.memory_space<vmem>>, vector<256x256xf32>
    %dot_general3A = arith.constant dense<0.000000e+00> : vector<256x256xf32>
    %dot_general3A_14 = tpu.matmul %concatenate3A, %get3A_13, %dot_general3A {dimension_numbers = #tpu.dot_dimension_numbers<[1], [0], [0], [1], [0, 0, 1, 1], [], []>, transpose_lhs_hint = false} : vector<256x256xf32>, vector<256x256xf32>, vector<256x256xf32> -> vector<256x256xf32>
    %get3A_15 = arith.constant 0 : index
    %get3A_16 = arith.constant 0 : index
    %get3A_17 = vector.load %arg4[%get3A_15, %get3A_16] : memref<1x256xf32, #tpu.memory_space<vmem>>, vector<1x256xf32>
    %add3A = vector.broadcast %get3A_17 : vector<1x256xf32> to vector<256x256xf32>
    %add3A_18 = arith.addf %dot_general3A_14, %add3A : vector<256x256xf32>
    %max3A = arith.constant 0.000000e+00 : f32
    %max3A_19 = vector.broadcast %max3A : f32 to vector<256x256xf32>
    %max3A_20 = arith.maximumf %add3A_18, %max3A_19 : vector<256x256xf32>
    %get3A_21 = arith.constant 0 : index
    %get3A_22 = arith.constant 0 : index
    %get3A_23 = arith.constant 0 : index
    %get3A_24 = vector.load %arg2[%get3A_21, %get3A_22, %get3A_23] : memref<1x1x256xi32, #tpu.memory_space<vmem>>, vector<1x1x256xi32>
    %get3A_25 = vector.shape_cast %get3A_24 : vector<1x1x256xi32> to vector<256xi32>
    %reshape3A = vector.shape_cast %get3A_25 : vector<256xi32> to vector<256x1xi32>
    %lt3A = arith.constant 64 : i32
    %lt3A_26 = vector.broadcast %lt3A : i32 to vector<256x1xi32>
    %lt3A_27 = arith.cmpi slt, %reshape3A, %lt3A_26 : vector<256x1xi32>
    %jit3A = arith.constant 0.000000e+00 : f32
    %broadcast_in_dim3A = vector.shape_cast %lt3A_27 : vector<256x1xi1> to vector<256x1xi1>
    %broadcast_in_dim3A_28 = vector.broadcast %broadcast_in_dim3A : vector<256x1xi1> to vector<256x256xi1>
    %broadcast_in_dim3A_29 = vector.broadcast %jit3A : f32 to vector<256x256xf32>
    %select_n3A = arith.select %broadcast_in_dim3A_28, %max3A_20, %broadcast_in_dim3A_29 : vector<256x256xi1>, vector<256x256xf32>
    %iota3A = tpu.iota {dimensions = array<i32: 1>} : vector<256x64xi32>
    %eq3A_30 = vector.broadcast %reshape3A : vector<256x1xi32> to vector<256x64xi32>
    %eq3A_31 = arith.cmpi eq, %eq3A_30, %iota3A : vector<256x64xi32>
    %convert_element_type3A_32 = arith.extui %eq3A_31 : vector<256x64xi1> to vector<256x64xi32>
    %convert_element_type3A_33 = arith.sitofp %convert_element_type3A_32 : vector<256x64xi32> to vector<256x64xf32>
    %get3A_34 = arith.constant 0 : index
    %get3A_35 = arith.constant 0 : index
    %get3A_36 = vector.load %arg10[%get3A_34, %get3A_35] : memref<64x256xf32, #tpu.memory_space<vmem>>, vector<64x256xf32>
    %dot_general3A_37 = arith.constant dense<0.000000e+00> : vector<64x256xf32>
    %dot_general3A_38 = tpu.matmul %convert_element_type3A_33, %select_n3A, %dot_general3A_37 {dimension_numbers = #tpu.dot_dimension_numbers<[0], [0], [1], [1], [0, 1, 1, 1], [], []>, transpose_lhs_hint = false} : vector<256x64xf32>, vector<256x256xf32>, vector<64x256xf32> -> vector<64x256xf32>
    %add3A_39 = arith.addf %get3A_36, %dot_general3A_38 : vector<64x256xf32>
    %swap3A = arith.constant 0 : index
    %swap3A_40 = arith.constant 0 : index
    %swap3A_41 = vector.load %arg10[%swap3A, %swap3A_40] : memref<64x256xf32, #tpu.memory_space<vmem>>, vector<64x256xf32>
    tpu.vector_store %arg10[%swap3A, %swap3A_40], %add3A_39 {strides = array<i32>} : memref<64x256xf32, #tpu.memory_space<vmem>>, vector<64x256xf32>,
    %get3A_42 = arith.constant 0 : index
    %get3A_43 = arith.constant 0 : index
    %get3A_44 = vector.load %arg11[%get3A_42, %get3A_43] : memref<64x1xf32, #tpu.memory_space<vmem>>, vector<64x1xf32>
    %broadcast_in_dim3A_45 = arith.constant 1.000000e+00 : f32
    %broadcast_in_dim3A_46 = vector.broadcast %broadcast_in_dim3A_45 : f32 to vector<256x1xf32>
    %dot_general3A_47 = arith.constant dense<0.000000e+00> : vector<64x1xf32>
    %dot_general3A_48 = tpu.matmul %convert_element_type3A_33, %broadcast_in_dim3A_46, %dot_general3A_47 {dimension_numbers = #tpu.dot_dimension_numbers<[0], [0], [1], [1], [0, 1, 1, 1], [], []>, transpose_lhs_hint = false} : vector<256x64xf32>, vector<256x1xf32>, vector<64x1xf32> -> vector<64x1xf32>
    %add3A_49 = arith.addf %get3A_44, %dot_general3A_48 : vector<64x1xf32>
    %swap3A_50 = arith.constant 0 : index
    %swap3A_51 = arith.constant 0 : index
    %swap3A_52 = vector.load %arg11[%swap3A_50, %swap3A_51] : memref<64x1xf32, #tpu.memory_space<vmem>>, vector<64x1xf32>
    tpu.vector_store %arg11[%swap3A_50, %swap3A_51], %add3A_49 {strides = array<i32>} : memref<64x1xf32, #tpu.memory_space<vmem>>, vector<64x1xf32>,
    %eq3A_53 = arith.constant 39 : i32
    %eq3A_54 = arith.cmpi eq, %arg0, %eq3A_53 : i32
    %convert_element_type3A_55 = arith.extui %eq3A_54 : i1 to i32
    %cond3A_56 = arith.constant 0 : i32
    %cond3A_57 = arith.cmpi ne, %convert_element_type3A_55, %cond3A_56 : i32
    scf.if %cond3A_57 {
      %get3A_58 = arith.constant 0 : index
      %get3A_59 = arith.constant 0 : index
      %get3A_60 = vector.load %arg10[%get3A_58, %get3A_59] : memref<64x256xf32, #tpu.memory_space<vmem>>, vector<64x256xf32>
      %get3A_61 = arith.constant 0 : index
      %get3A_62 = arith.constant 0 : index
      %get3A_63 = vector.load %arg11[%get3A_61, %get3A_62] : memref<64x1xf32, #tpu.memory_space<vmem>>, vector<64x1xf32>
      %max3A_64 = arith.constant 1.000000e+00 : f32
      %max3A_65 = vector.broadcast %max3A_64 : f32 to vector<64x1xf32>
      %max3A_66 = arith.maximumf %get3A_63, %max3A_65 : vector<64x1xf32>
      %div3A = vector.broadcast %max3A_66 : vector<64x1xf32> to vector<64x256xf32>
      %div3A_67 = arith.divf %get3A_60, %div3A : vector<64x256xf32>
      %get3A_68 = arith.constant 0 : index
      %get3A_69 = arith.constant 0 : index
      %get3A_70 = vector.load %arg5[%get3A_68, %get3A_69] : memref<256x256xf32, #tpu.memory_space<vmem>>, vector<256x256xf32>
      %dot_general3A_71 = arith.constant dense<0.000000e+00> : vector<64x256xf32>
      %dot_general3A_72 = tpu.matmul %div3A_67, %get3A_70, %dot_general3A_71 {dimension_numbers = #tpu.dot_dimension_numbers<[1], [0], [0], [1], [0, 0, 1, 1], [], []>, transpose_lhs_hint = false} : vector<64x256xf32>, vector<256x256xf32>, vector<64x256xf32> -> vector<64x256xf32>
      %get3A_73 = arith.constant 0 : index
      %get3A_74 = arith.constant 0 : index
      %get3A_75 = vector.load %arg6[%get3A_73, %get3A_74] : memref<1x256xf32, #tpu.memory_space<vmem>>, vector<1x256xf32>
      %add3A_76 = vector.broadcast %get3A_75 : vector<1x256xf32> to vector<64x256xf32>
      %add3A_77 = arith.addf %dot_general3A_72, %add3A_76 : vector<64x256xf32>
      %max3A_78 = arith.constant 0.000000e+00 : f32
      %max3A_79 = vector.broadcast %max3A_78 : f32 to vector<64x256xf32>
      %max3A_80 = arith.maximumf %add3A_77, %max3A_79 : vector<64x256xf32>
      %get3A_81 = arith.constant 0 : index
      %get3A_82 = arith.constant 0 : index
      %get3A_83 = vector.load %arg7[%get3A_81, %get3A_82] : memref<256x128xf32, #tpu.memory_space<vmem>>, vector<256x128xf32>
      %dot_general3A_84 = arith.constant dense<0.000000e+00> : vector<64x128xf32>
      %dot_general3A_85 = tpu.matmul %max3A_80, %get3A_83, %dot_general3A_84 {dimension_numbers = #tpu.dot_dimension_numbers<[1], [0], [0], [1], [0, 0, 1, 1], [], []>, transpose_lhs_hint = false} : vector<64x256xf32>, vector<256x128xf32>, vector<64x128xf32> -> vector<64x128xf32>
      %get3A_86 = arith.constant 0 : index
      %get3A_87 = arith.constant 0 : index
      %get3A_88 = vector.load %arg8[%get3A_86, %get3A_87] : memref<1x128xf32, #tpu.memory_space<vmem>>, vector<1x128xf32>
      %add3A_89 = vector.broadcast %get3A_88 : vector<1x128xf32> to vector<64x128xf32>
      %add3A_90 = arith.addf %dot_general3A_85, %add3A_89 : vector<64x128xf32>
      %swap3A_91 = arith.constant 0 : index
      %swap3A_92 = arith.constant 0 : index
      %swap3A_93 = vector.load %arg9[%swap3A_91, %swap3A_92] : memref<64x128xf32, #tpu.memory_space<vmem>>, vector<64x128xf32>
      tpu.vector_store %arg9[%swap3A_91, %swap3A_92], %add3A_90 {strides = array<i32>} : memref<64x128xf32, #tpu.memory_space<vmem>>, vector<64x128xf32>,
    } else {
    }
    return
  }
  func.func @transform_0(%arg0: i32) -> (i32, i32, i32) {
    %c0_i32 = arith.constant 0 : i32
    %c0_i32_0 = arith.constant 0 : i32
    %c0_i32_1 = arith.constant 0 : i32
    return %c0_i32, %arg0, %c0_i32_0 : i32, i32, i32
  }
  func.func @transform_1(%arg0: i32) -> (i32, i32, i32) {
    %c0_i32 = arith.constant 0 : i32
    %c0_i32_0 = arith.constant 0 : i32
    %c0_i32_1 = arith.constant 0 : i32
    return %arg0, %c0_i32, %c0_i32_0 : i32, i32, i32
  }
  func.func @transform_2(%arg0: i32) -> (i32, i32) {
    %c0_i32 = arith.constant 0 : i32
    %c0_i32_0 = arith.constant 0 : i32
    %c0_i32_1 = arith.constant 0 : i32
    return %c0_i32, %c0_i32_0 : i32, i32
  }
  func.func @transform_3(%arg0: i32) -> (i32, i32) {
    %c0_i32 = arith.constant 0 : i32
    %c0_i32_0 = arith.constant 0 : i32
    %c0_i32_1 = arith.constant 0 : i32
    return %c0_i32, %c0_i32_0 : i32, i32
  }
  func.func @transform_4(%arg0: i32) -> (i32, i32) {
    %c0_i32 = arith.constant 0 : i32
    %c0_i32_0 = arith.constant 0 : i32
    %c0_i32_1 = arith.constant 0 : i32
    return %c0_i32, %c0_i32_0 : i32, i32
  }
  func.func @transform_5(%arg0: i32) -> (i32, i32) {
    %c0_i32 = arith.constant 0 : i32
    %c0_i32_0 = arith.constant 0 : i32
    %c0_i32_1 = arith.constant 0 : i32
    return %c0_i32, %c0_i32_0 : i32, i32
  }
  func.func @transform_6(%arg0: i32) -> (i32, i32) {
    %c0_i32 = arith.constant 0 : i32
    %c0_i32_0 = arith.constant 0 : i32
    %c0_i32_1 = arith.constant 0 : i32
    return %c0_i32, %c0_i32_0 : i32, i32
  }
  func.func @transform_7(%arg0: i32) -> (i32, i32) {
    %c0_i32 = arith.constant 0 : i32
    %c0_i32_0 = arith.constant 0 : i32
    %c0_i32_1 = arith.constant 0 : i32
    return %c0_i32, %c0_i32_0 : i32, i32
  }
  func.func @transform_8(%arg0: i32) -> (i32, i32) {
    %c0_i32 = arith.constant 0 : i32
    %c0_i32_0 = arith.constant 0 : i32
    %c0_i32_1 = arith.constant 0 : i32
    return %c0_i32, %c0_i32_0 : i32, i32
  }
}

</mosaic_0001>

<sc_bundles>
// kernel: kernel.13.cloned.1.call-start
scs
__scs_entry_jumppad:
0x0: {  	(pc) =	sbr.rel $0x88, $3  }
0x1: {  	(tag) =	ssettag $0x0;
	lr =	simm.s32 $0x1  }
0x2: {  	[smem:$0x3F93] =	sst lr;
	_ =	strace $0xD0000000  }
0x3: {  	_ = 	snop  }
0x4: {  	_ = 	snop  }
0x5: {  	_ = 	snop  }
0x6: {  	_ = 	snop  }
0x7: {  	_ = 	snop  }
__scs_overlays_trampoline_lowered:
0x8: {  	[smem:$0x3FA2] =	sst s0  }
0x9: {  	[smem:$0x3FA3] =	sst s1  }
0xa: {  	[smem:$0x3FA4] =	sst s2  }
0xb: {  	[smem:$0x3FA5] =	sst s3  }
0xc: {  	[smem:$0x3FA6] =	sst s4  }
0xd: {  	[smem:$0x3FA7] =	sst s5  }
0xe: {  	[smem:$0x3FA8] =	sst s6  }
0xf: {  	[smem:$0x3FA9] =	sst s7  }
0x10: {  	[smem:$0x3FAA] =	sst s8  }
0x11: {  	[smem:$0x3FAB] =	sst s9;
	s0 =	simm.s32 @!p0 $0x0  }
0x12: {  	s1 =	sld [smem:$0x3F91];
	s0 =	simm.s32 @p0 $0x1  }
0x13: {  	[smem:$0x3FAC] =	sst s0;
	s0 =	simm.s32 @!p1 $0x0  }
0x14: {  	s2 =	sld [smem:$0x3F90];
	s0 =	simm.s32 @p1 $0x1  }
0x15: {  	[smem:$0x3FAD] =	sst s0;
	s0 =	simm.s32 @!p2 $0x0  }
0x16: {  	s3 =	sld [smem:$0x3FDB];
	s0 =	simm.s32 @p2 $0x1  }
0x17: {  	s4 =	simm.s32 $0x1BF5;
	[smem:$0x3FAF] =	sst s0  }
0x18: {  	s0 =	sld [smem:$0x3F92];
	_ =	swait.ge [sflag:s4], $0x0  }
0x19: {  	s7 =	sld [smem:$0x3F93]  }
0x1a: {  	s8 =	sadd.s32 $0xFFFFE003, lr  }
0x1b: {  	s9 =	sadd.s32 $0xFFFFFEF7, lr;
	s5 =	simm.s32 $0xFFFFFFFF;
	p2 =	slt.u32 s8, $0xFFFFF086  }
0x1c: {  	p1 =	slt.u32 s9, $0xF7A;
	s5 =	simm.s32 @!p2 $0x0  }
0x1d: {  	s5 =	simm.s32 @p1 $0x1;
	p0 =	seq.s32 s7, s2  }
0x1e: {  	s7 =	smul.u32 @!p0 $0xF7A, s2;
	p2 =	seq.s32 @!p0 s5, $0x0  }
0x1f: {  	s9 =	smul.u32 $0xF7A, s1;
	s8 =	simm.s32 @!p0 $0x1BF5;
	p2 =	por !p2, p0  }
0x20: {  	[sflag:s8] =	ssyncset.s32 @!p0 $0xFFFFF086;
	s6 =	sadd.s32 @!p0 s3, s7;
	s7 =	simm.s32 @!p0 $0x108  }
0x21: {  	s3 =	sadd.s32 s3, s9;
	s6 =	sadd.s32 @!p0 $0x88, s6;
	s7 =	simm.s32 @p2 $0x1082  }
0x22: {  	[simem:s7], [sflag:s8] =	dma.local @!p0 [hbm:s6], $0xF7A  }
0x23: {  	s9 =	sor.u32 $0xD0000000, s2;
	s6 =	simm.s32 $0x108;
	_ =	swait.ge @!p0 [sflag:s8], $0x0  }
0x24: {  	s3 =	sadd.s32 $0x88, s3;
	s6 =	simm.s32 @!p1 $0x1082;
	[sflag:s4] =	ssyncset.s32 $0xFFFFF086  }
0x25: {  	[simem:s6], [sflag:s4] =	dma.local [hbm:s3], $0xF7A  }
0x26: {  	[smem:$0x3F93] =	sst s1;
	(tag) =	ssettag s2;
	_ =	strace s9  }
0x27: {  	s1 =	sld [smem:$0x3FA3]  }
0x28: {  	s2 =	sld [smem:$0x3FA4]  }
0x29: {  	s4 =	sld [smem:$0x3FA6]  }
0x2a: {  	p0 =	seq.s32 s5, $0x0;
	s5 =	sld [smem:$0x3FA7]  }
0x2b: {  	s6 =	sld [smem:$0x3FA8]  }
0x2c: {  	s7 =	sld [smem:$0x3FA9]  }
0x2d: {  	s3 =	simm.s32 $0x108;
	s8 =	sld [smem:$0x3FAA]  }
0x2e: {  	s3 =	simm.s32 @!p0 $0x1082;
	s9 =	sld [smem:$0x3FAB]  }
0x2f: {  	lr =	sadd.s32 s0, s3;
	s0 =	sld [smem:$0x3FA2]  }
0x30: {  	s3 =	sld [smem:$0x3FA5]  }
0x31: {  	[smem:$0x3FAE] =	sst s10  }
0x32: {  	s10 =	sld [smem:$0x3FAC];
	_ =	sdelay $0x3  }
0x33: {  	p0 =	seq.s32 s10, $0x1;
	s10 =	sld [smem:$0x3FAE];
	_ =	sdelay $0x3  }
0x34: {  	[smem:$0x3FAE] =	sst s10  }
0x35: {  	s10 =	sld [smem:$0x3FAD];
	_ =	sdelay $0x3  }
0x36: {  	p1 =	seq.s32 s10, $0x1;
	s10 =	sld [smem:$0x3FAE];
	_ =	sdelay $0x3  }
0x37: {  	[smem:$0x3FAE] =	sst s10  }
0x38: {  	s10 =	sld [smem:$0x3FAF]  }
0x39: {  	_ = 	snop;
	(pc) =	sbr.ind lr, $3  }
0x3a: {  	_ = 	snop  }
0x3b: {  	_ = 	snop  }
0x3c: {  	p2 =	seq.s32 s10, $0x1;
	s10 =	sld [smem:$0x3FAE]  }
0x3d: {  	_ =	shalt  }
0x3e: {  	_ =	shalt  }
0x3f: {  	_ =	shalt  }
0x40: {  	_ =	shalt  }
0x41: {  	_ =	shalt  }
0x42: {  	_ =	shalt  }
0x43: {  	_ =	shalt  }
0x44: {  	_ =	shalt  }
0x45: {  	_ =	shalt  }
0x46: {  	_ =	shalt  }
0x47: {  	_ =	shalt  }
0x48: {  	_ =	shalt  }
0x49: {  	_ =	shalt  }
0x4a: {  	_ =	shalt  }
0x4b: {  	_ =	shalt  }
0x4c: {  	_ =	shalt  }
0x4d: {  	_ =	shalt  }
0x4e: {  	_ =	shalt  }
0x4f: {  	_ =	shalt  }
0x50: {  	_ =	shalt  }
0x51: {  	_ =	shalt  }
0x52: {  	_ =	shalt  }
0x53: {  	_ =	shalt  }
0x54: {  	_ =	shalt  }
0x55: {  	_ =	shalt  }
0x56: {  	_ =	shalt  }
0x57: {  	_ =	shalt  }
0x58: {  	_ =	shalt  }
0x59: {  	_ =	shalt  }
0x5a: {  	_ =	shalt  }
0x5b: {  	_ =	shalt  }
0x5c: {  	_ =	shalt  }
0x5d: {  	_ =	shalt  }
0x5e: {  	_ =	shalt  }
0x5f: {  	_ =	shalt  }
0x60: {  	_ =	shalt  }
0x61: {  	_ =	shalt  }
0x62: {  	_ =	shalt  }
0x63: {  	_ =	shalt  }
0x64: {  	_ =	shalt  }
0x65: {  	_ =	shalt  }
0x66: {  	_ =	shalt  }
0x67: {  	_ =	shalt  }
0x68: {  	_ =	shalt  }
0x69: {  	_ =	shalt  }
0x6a: {  	_ =	shalt  }
0x6b: {  	_ =	shalt  }
0x6c: {  	_ =	shalt  }
0x6d: {  	_ =	shalt  }
0x6e: {  	_ =	shalt  }
0x6f: {  	_ =	shalt  }
0x70: {  	_ =	shalt  }
0x71: {  	_ =	shalt  }
0x72: {  	_ =	shalt  }
0x73: {  	_ =	shalt  }
0x74: {  	_ =	shalt  }
0x75: {  	_ =	shalt  }
0x76: {  	_ =	shalt  }
0x77: {  	_ =	shalt  }
0x78: {  	_ =	shalt  }
0x79: {  	_ =	shalt  }
0x7a: {  	_ =	shalt  }
0x7b: {  	_ =	shalt  }
0x7c: {  	_ =	shalt  }
0x7d: {  	_ =	shalt  }
0x7e: {  	_ =	shalt  }
0x7f: {  	_ =	shalt  }
0x80: {  	_ =	shalt  }
0x81: {  	_ =	shalt  }
0x82: {  	_ =	shalt  }
0x83: {  	_ =	shalt  }
0x84: {  	_ =	shalt  }
0x85: {  	_ =	shalt  }
0x86: {  	_ =	shalt  }
0x87: {  	_ =	shalt  }
.Lfunc_end0:
.L_simem_size_0:
called_computation_lowered:
.L_overlay_start_0:
0x88: {  	s2 =	sld [smem:$0x3FD9]  }
0x89: {  	s3 =	sld [smem:$0x3FFE];
	_ =	sdelay $0x1  }
0x8a: {  	s1 =	srdreg.scid  }
0x8b: {  	s0 =	sand.u32 $0x1, s1  }
0x8c: {  	s16 =	sshll.u32 s0, $0xA;
	s2 =	sadd.s32 s3, s2  }
0x8d: {  	s2 =	sadd.s32 s2, s16  }
0x8e: {  	[smem:$0x3FBA] =	sst s2  }
0x8f: {  	_ = 	snop  }
0x90: {  	(tm) =	ssettm $0x1  }
0x91: {  	s17 =	sld [smem:$0x3FFB];
	_ =	sdelay $0x3  }
0x92: {  	_ =	strace s17  }
0x93: {  	s2 =	sld [smem:$0x3FFC];
	_ =	sdelay $0x3  }
0x94: {  	_ =	strace s2  }
0x95: {  	s2 =	sld [smem:$0x3FFD];
	_ =	sdelay $0x3  }
0x96: {  	_ =	strace s2  }
0x97: {  	_ =	strace $0x8FFFFFFF  }
0x98: {  	s18 =	sld [smem:$0x3FDB];
	_ =	sdelay $0x1  }
0x99: {  	s19 =	simm.s32 $_scs_section_size  }
0x9a: {  	s4 =	simm.s32 $_size__tile_overlayer_lowered;
	s5 =	simm.s32 $_tile_overlayer_lowered  }
0x9b: {  	s22 =	simm.s32 $0x1BFF;
	s21 =	sshll.u32 s5, $0x1;
	s2 =	sadd.s32 s19, s18  }
0x9c: {  	s6 =	simm.s32 $0x0;
	s20 =	sshll.u32 s4, $0x1;
	s4 =	sadd.s32 s21, s2  }
0x9d: {  	[timem:s6], [sflag:s22] =	dma.local [hbm:s4], s20  }
0x9e: {  	_ =	swait.ge [sflag:s22], s20  }
0x9f: {  	s3 =	ssub.s32 $0x0, s20;
	[sflag:s22] =	ssyncset.done $0x0  }
0xa0: {  	[sflag:s22] =	ssyncadd.s32 s3;
	_ =	sdelay $0x1  }
0xa1: {  	s23 =	simm.s32 $0x1B8B  }
0xa2: {  	_ =	swait.ge [sflag:s23], $0x1  }
0xa3: {  	[sflag:s23] =	ssyncset.done $0x0  }
0xa4: {  	s25 =	simm.s32 $0x1B8E;
	s24 =	sld [smem:$0x3FFE];
	[sflag:s23] =	ssyncadd.s32 $0xFFFFFFFF  }
0xa5: {  	s26 =	simm.s32 $execute0_lowered;
	[smem:$0x3FD2] =	sst s25  }
0xa6: {  	s4 =	sshll.u32 s26, $0x1;
	_ =	strace $0x80000046;
	[dreg:$0x1] =	wrdreg $0xFFFFFFFF  }
0xa7: {  	s28 =	simm.s32 $_size_execute0_lowered;
	s2 =	sadd.s32 s2, s4;
	[dreg:$0x0] =	wrdreg $0x0  }
0xa8: {  	s4 =	sshll.u32 s28, $0x1;
	[dreg:$0x2] =	wrdreg s2  }
0xa9: {  	[dreg:$0x3] =	wrdreg s4  }
0xaa: {  	[dreg:$0x4] =	wrdreg $0xC0  }
0xab: {  	_ =	task [dreg:s6], $0x5FFFF  }
0xac: {  	[dreg:$0x1] =	wrdreg $0xFFFFFFFF  }
0xad: {  	[dreg:$0x0] =	wrdreg $0x60  }
0xae: {  	[dreg:$0x2] =	wrdreg s24  }
0xaf: {  	[dreg:$0x3] =	wrdreg $0x41000  }
0xb0: {  	[dreg:$0x4] =	wrdreg $0x9  }
0xb1: {  	_ =	task.clear_ibuf [dreg:s6], $0x5FFFF;
	_ =	strace $0x90000046  }
0xb2: {  	s29 =	simm.s32 $0x9;
	_ =	strace $0x80000048  }
0xb3: {  	_ =	swait.ge [sflag:s29], $0x1  }
0xb4: {  	[sflag:s29] =	ssyncadd.s32 $0xFFFFFFFF  }
0xb5: {  	_ =	strace $0x90000048  }
0xb6: {  	_ =	sfence  }
0xb7: {  	s30 =	sld [smem:$0x0];
	_ =	sdelay $0x2  }
0xb8: {  	s31 =	sshll.u32 s1, $0xD;
	s1 =	sshrl.u32 s1, $0x2  }
0xb9: {  	s3 =	sand.u32 $0x4000, s31;
	s1 =	sadd.s32 s1, s30  }
0xba: {  	s0 =	sor.u32 s3, s0;
	s1 =	sshll.u32 s1, $0x11  }
0xbb: {  	s0 =	sor.u32 s1, s0  }
0xbc: {  	s0 =	sadd.s32 $0x8F2B, s0  }
0xbd: {  	[sflag:s0] =	ssyncadd.remote.s32 $0x1  }
0xbe: {  	_ =	sfence.sel $0xFFFF  }
0xbf: {  	[dreg:$0x0] =	wrdreg $0xFFFFFFFF;
	(pc) =	sbr.abs _section_cstart, $3  }
0xc0: {  	[dreg:$0x1] =	wrdreg $0xFFFFFFFF  }
0xc1: {  	_ =	task.clear_ibuf [dreg:s6], $0x2FFFF;
	_ =	strace $0x9FFFFFFF  }
0xc2: {  	(tm) =	ssettm $0x7FFFFFFF  }
0xc3: {  	_ =	shalt  }
tec
execute0_lowered:
.L_overlay_start_1:
0x0: {  	(tag) =	ssettag $0x1  }
0x1: {  	s4 =	rddreg [dreg:$0x0]  }
0x2: {  	s2 =	rddreg [dreg:$0x1]  }
0x3: {  	s0 =	rddreg [dreg:$0x2];
	s3 =	simm.s32 $0x0;
	s1 =	stileid.u32  }
0x4: {  	s5 =	srdreg.scid;
	s12 =	simm.s32 $0x80;
	s6 =	smul.u32 $0x500, s1  }
0x5: {  	s13 =	simm.s32 $0x100;
	s14 =	simm.s32 $0x1;
	s28 =	smul.u32 $0x50000, s1  }
0x6: {  	[smem:$0x7FF] =	sst s3;
	s5 =	sand.u32 $0x1, s5;
	s15 =	smul.u32 $0x2800, s1  }
0x7: {  	s31 =	sshll.u32 s1, $0x6;
	s7 =	smul.u32 $0x28000, s5;
	s5 =	ssub.s32 $0x2, s5  }
0x8: {  	_ =	strace $0x80000047;
	s8 =	sadd.s32 s6, s4;
	s29 =	sshrl.u32 s5, $0x1  }
0x9: {  	s30 =	sshrl.u32 s28, $0x2;
	s6 =	sor.u32 $0x1C02, s31;
	s9 =	sadd.s32 s7, s4  }
0xa: {  	s10 =	ssub.s32 s5, s29;
	s11 =	sadd.s32 s30, s2;
	s7 =	sadd.s32 $0x4E00, s8  }
0xb: {  	s8 =	sadd.s32 $0x9E00, s8;
	s4 =	sadd.s32 $0xEE00, s9;
	s16 =	sadd.s32 $0x5EE00, s9  }
0xc: {  	s9 =	smax.u32 s10, $0x1;
	s10 =	sshrl.u32 s11, $0x3;
	s11 =	simm.s32 $0x2  }
0xd: {  	s5 =	sadd.s32 s15, s4;
	s15 =	sadd.s32 s15, s16;
	s16 =	simm.s32 $0x0  }
.LBB2_1:
0xe: {  	[spmem:s10], [sflag:s6] =	dma.local [hbm:s5], $0x2800  }
0xf: {  	_ =	swait.ge [sflag:s11], $0x2800  }
0x10: {  	[sflag:s11] =	ssyncset.done $0x0  }
0x11: {  	[sflag:s11] =	ssyncadd.s32 $0xFFFFD800  }
0x12: {  	s17 =	sadd.s32 $0x0, s7;
	[bflag:$0x0] =	sbarrier.arrive $0xFFFF  }
0x13: {  	[tilespmem:s3], [sflag:$0x2] =	stream.linear.gather [hbm4b:s17+s3], $0x80, $0x38;
	[tilespmem:$0x18100] =	vst v63  }
0x14: {  	_ =	swait.ge [sflag:s11], $0x80  }
0x15: {  	[sflag:s11] =	ssyncset.done $0x0  }
0x16: {  	s31 =	sadd.s32 $0x0, s8;
	[sflag:s11] =	ssyncadd.s32 $0xFFFFFF80  }
0x17: {  	[tilespmem:s12], [sflag:$0x2] =	stream.linear.gather [hbm4b:s31+s3], $0x80, $0x38;
	[tilespmem:$0x18100] =	vst v63  }
0x18: {  	_ =	swait.ge [sflag:s11], $0x80  }
0x19: {  	[sflag:s11] =	ssyncset.done $0x0  }
0x1a: {  	[sflag:s11] =	ssyncadd.s32 $0xFFFFFF80  }
0x1b: {  	[tilespmem:s13], [sflag:$0x1] =	stream.indirect.gather [hbm4b:s4+s12], $0x80, s3, s12, $0xb8;
	[tilespmem:$0x18100] =	vst v63  }
0x1c: {  	_ =	swait.ge [sflag:s14], $0x4000  }
0x1d: {  	[sflag:s14] =	ssyncset.done $0x0  }
0x1e: {  	[sflag:s14] =	ssyncadd.s32 $0xFFFFC000  }
0x1f: {  	[spmem:s2] =	stream.indirect.scatter.add.f32 [tilespmem:s13], [sflag:$0x2], $0x80, s12, s12, $0xb8;
	[tilespmem:$0x18100] =	vst v63  }
0x20: {  	_ =	swait.ge [sflag:s11], $0x4000  }
0x21: {  	s18 =	simm.s32 $0x20;
	s17 =	simm.s32 $0x10;
	[sflag:s11] =	ssyncset.done $0x0  }
.LBB2_2:
0x22: {  	s19 =	sadd.s32 s17, s7  }
0x23: {  	[sflag:s11] =	ssyncadd.s32 $0xFFFFC000;
	s20 =	smov.u32 s18;
	s21 =	sadd.s32 $0x10, s18  }
0x24: {  	[tilespmem:s3], [sflag:$0x2] =	stream.linear.gather [hbm4b:s19+s3], $0x80, $0x38;
	[tilespmem:$0x18100] =	vst v63  }
0x25: {  	p0 =	sne.s32 s18, $0x4E0;
	_ =	swait.ge [sflag:s11], $0x80  }
0x26: {  	[sflag:s11] =	ssyncset.done $0x0  }
0x27: {  	s18 =	sadd.s32 s17, s8;
	s17 =	smov.u32 s20;
	[sflag:s11] =	ssyncadd.s32 $0xFFFFFF80  }
0x28: {  	[tilespmem:s12], [sflag:$0x2] =	stream.linear.gather [hbm4b:s18+s3], $0x80, $0x38;
	[tilespmem:$0x18100] =	vst v63  }
0x29: {  	_ =	swait.ge [sflag:s11], $0x80  }
0x2a: {  	[sflag:s11] =	ssyncset.done $0x0  }
0x2b: {  	[sflag:s11] =	ssyncadd.s32 $0xFFFFFF80  }
0x2c: {  	[tilespmem:s13], [sflag:$0x1] =	stream.indirect.gather [hbm4b:s4+s12], $0x80, s3, s12, $0xb8;
	[tilespmem:$0x18100] =	vst v63  }
0x2d: {  	_ =	swait.ge [sflag:s14], $0x4000  }
.Ltmp0:
0x2e: {  	[sflag:s14] =	ssyncset.done $0x0;
	(pc) =	sbr.rel @p0 .LBB2_2-.Ltmp0, $4  }
0x2f: {  	[sflag:s14] =	ssyncadd.s32 $0xFFFFC000  }
0x30: {  	[spmem:s2] =	stream.indirect.scatter.add.f32 [tilespmem:s13], [sflag:$0x2], $0x80, s12, s12, $0xb8;
	[tilespmem:$0x18100] =	vst v63  }
0x31: {  	_ =	swait.ge [sflag:s11], $0x4000  }
0x32: {  	s18 =	smov.u32 s21;
	[sflag:s11] =	ssyncset.done $0x0  }
0x33: {  	s18 =	sadd.s32 s17, s7;
	[sflag:s11] =	ssyncadd.s32 $0xFFFFC000  }
0x34: {  	[tilespmem:s3], [sflag:$0x2] =	stream.linear.gather [hbm4b:s18+s3], $0x80, $0x38;
	[tilespmem:$0x18100] =	vst v63  }
0x35: {  	_ =	swait.ge [sflag:s11], $0x80  }
0x36: {  	[sflag:s11] =	ssyncset.done $0x0  }
0x37: {  	s31 =	sadd.s32 s17, s8;
	[sflag:s11] =	ssyncadd.s32 $0xFFFFFF80  }
0x38: {  	[tilespmem:s12], [sflag:$0x2] =	stream.linear.gather [hbm4b:s31+s3], $0x80, $0x38;
	[tilespmem:$0x18100] =	vst v63  }
0x39: {  	_ =	swait.ge [sflag:s11], $0x80  }
0x3a: {  	[sflag:s11] =	ssyncset.done $0x0  }
0x3b: {  	[sflag:s11] =	ssyncadd.s32 $0xFFFFFF80  }
0x3c: {  	[tilespmem:s13], [sflag:$0x1] =	stream.indirect.gather [hbm4b:s4+s12], $0x80, s3, s12, $0xb8;
	[tilespmem:$0x18100] =	vst v63  }
0x3d: {  	_ =	swait.ge [sflag:s14], $0x4000  }
0x3e: {  	[sflag:s14] =	ssyncset.done $0x0  }
0x3f: {  	[sflag:s14] =	ssyncadd.s32 $0xFFFFC000  }
0x40: {  	[spmem:s2] =	stream.indirect.scatter.add.f32 [tilespmem:s13], [sflag:$0x2], $0x80, s12, s12, $0xb8;
	[tilespmem:$0x18100] =	vst v63  }
0x41: {  	_ =	swait.ge [sflag:s11], $0x4000  }
0x42: {  	s16 =	sadd.s32 $0x1, s16;
	[sflag:s11] =	ssyncset.done $0x0  }
0x43: {  	p0 =	sne.s32 s16, s9;
	[sflag:s11] =	ssyncadd.s32 $0xFFFFC000  }
.Ltmp1:
0x44: {  	[bflag:$0x0] =	sbarrier.arrive $0xFFFF;
	(pc) =	sbr.rel @p0 .LBB2_1-.Ltmp1, $4  }
0x45: {  	[hbm:s15], [sflag:s6] =	dma.local [spmem:s10], $0x2800  }
0x46: {  	_ =	swait.ge [sflag:s11], $0x2800  }
0x47: {  	[sflag:s11] =	ssyncset.done $0x0  }
0x48: {  	[sflag:s11] =	ssyncadd.s32 $0xFFFFD800  }
0x49: {  	_ =	sfence.sel $0x180000  }
0x4a: {  	[bflag:$0x0] =	sbarrier.arrive $0xFFFF  }
0x4b: {  	p0 =	sne.s32 s1, $0x0;
	_ =	strace $0x90000047  }
0x4c: {  	s0 =	sadd.s32 @!p0 $0x100000, s0;
	[bflag:$0x2] =	sbarrier.arrive $0xFFFF  }
0x4d: {  	[sflag:s0] =	ssyncadd.tile.s32 @!p0 $0x1;
	_ =	shalt  }
.Lfunc_end2:
_tile_overlayer_lowered:
.L_overlay_start_2:
0x4e: {  	(tag) =	ssettag $0x2  }
0x4f: {  	s0 =	rddreg [dreg:$0x0];
	s2 =	stileid.u32  }
0x50: {  	s1 =	rddreg [dreg:$0x1];
	p0 =	sne.s32 s2, $0x0  }
0x51: {  	s3 =	rddreg [dreg:$0x2];
	[bflag:$0x3] =	sbarrier.arrive $0xFFFF;
	s2 =	simm.s32 @!p0 $0x1C02  }
0x52: {  	[timem:s3], [sflag:s2] =	dma.local @!p0 [hbm:s0], s1  }
0x53: {  	s0 =	simm.s32 @!p0 $0x2  }
0x54: {  	_ =	swait.ge @!p0 [sflag:s0], s1  }
0x55: {  	s1 =	ssub.s32 @!p0 $0x0, s1;
	[sflag:s0] =	ssyncset.done @!p0 $0x0  }
0x56: {  	[sflag:s0] =	ssyncadd.s32 @!p0 s1  }
0x57: {  	[bflag:$0x3] =	sbarrier.arrive $0xFFFF  }
0x58: {  	_ =	shalt  }

// kernel: kernel.16.cloned.1.call-start
scs
__scs_entry_jumppad:
0x0: {  	(pc) =	sbr.rel $0x88, $3  }
0x1: {  	(tag) =	ssettag $0x0;
	lr =	simm.s32 $0x1  }
0x2: {  	[smem:$0x3F93] =	sst lr;
	_ =	strace $0xD0000000  }
0x3: {  	_ = 	snop  }
0x4: {  	_ = 	snop  }
0x5: {  	_ = 	snop  }
0x6: {  	_ = 	snop  }
0x7: {  	_ = 	snop  }
__scs_overlays_trampoline_lowered:
0x8: {  	[smem:$0x3FA2] =	sst s0  }
0x9: {  	[smem:$0x3FA3] =	sst s1  }
0xa: {  	[smem:$0x3FA4] =	sst s2  }
0xb: {  	[smem:$0x3FA5] =	sst s3  }
0xc: {  	[smem:$0x3FA6] =	sst s4  }
0xd: {  	[smem:$0x3FA7] =	sst s5  }
0xe: {  	[smem:$0x3FA8] =	sst s6  }
0xf: {  	[smem:$0x3FA9] =	sst s7  }
0x10: {  	[smem:$0x3FAA] =	sst s8  }
0x11: {  	[smem:$0x3FAB] =	sst s9;
	s0 =	simm.s32 @!p0 $0x0  }
0x12: {  	s1 =	sld [smem:$0x3F91];
	s0 =	simm.s32 @p0 $0x1  }
0x13: {  	[smem:$0x3FAC] =	sst s0;
	s0 =	simm.s32 @!p1 $0x0  }
0x14: {  	s2 =	sld [smem:$0x3F90];
	s0 =	simm.s32 @p1 $0x1  }
0x15: {  	[smem:$0x3FAD] =	sst s0;
	s0 =	simm.s32 @!p2 $0x0  }
0x16: {  	s3 =	sld [smem:$0x3FDB];
	s0 =	simm.s32 @p2 $0x1  }
0x17: {  	s4 =	simm.s32 $0x1BF5;
	[smem:$0x3FAF] =	sst s0  }
0x18: {  	s0 =	sld [smem:$0x3F92];
	_ =	swait.ge [sflag:s4], $0x0  }
0x19: {  	s7 =	sld [smem:$0x3F93]  }
0x1a: {  	s8 =	sadd.s32 $0xFFFFE003, lr  }
0x1b: {  	s9 =	sadd.s32 $0xFFFFFEF7, lr;
	s5 =	simm.s32 $0xFFFFFFFF;
	p2 =	slt.u32 s8, $0xFFFFF086  }
0x1c: {  	p1 =	slt.u32 s9, $0xF7A;
	s5 =	simm.s32 @!p2 $0x0  }
0x1d: {  	s5 =	simm.s32 @p1 $0x1;
	p0 =	seq.s32 s7, s2  }
0x1e: {  	s7 =	smul.u32 @!p0 $0xF7A, s2;
	p2 =	seq.s32 @!p0 s5, $0x0  }
0x1f: {  	s9 =	smul.u32 $0xF7A, s1;
	s8 =	simm.s32 @!p0 $0x1BF5;
	p2 =	por !p2, p0  }
0x20: {  	[sflag:s8] =	ssyncset.s32 @!p0 $0xFFFFF086;
	s6 =	sadd.s32 @!p0 s3, s7;
	s7 =	simm.s32 @!p0 $0x108  }
0x21: {  	s3 =	sadd.s32 s3, s9;
	s6 =	sadd.s32 @!p0 $0x88, s6;
	s7 =	simm.s32 @p2 $0x1082  }
0x22: {  	[simem:s7], [sflag:s8] =	dma.local @!p0 [hbm:s6], $0xF7A  }
0x23: {  	s9 =	sor.u32 $0xD0000000, s2;
	s6 =	simm.s32 $0x108;
	_ =	swait.ge @!p0 [sflag:s8], $0x0  }
0x24: {  	s3 =	sadd.s32 $0x88, s3;
	s6 =	simm.s32 @!p1 $0x1082;
	[sflag:s4] =	ssyncset.s32 $0xFFFFF086  }
0x25: {  	[simem:s6], [sflag:s4] =	dma.local [hbm:s3], $0xF7A  }
0x26: {  	[smem:$0x3F93] =	sst s1;
	(tag) =	ssettag s2;
	_ =	strace s9  }
0x27: {  	s1 =	sld [smem:$0x3FA3]  }
0x28: {  	s2 =	sld [smem:$0x3FA4]  }
0x29: {  	s4 =	sld [smem:$0x3FA6]  }
0x2a: {  	p0 =	seq.s32 s5, $0x0;
	s5 =	sld [smem:$0x3FA7]  }
0x2b: {  	s6 =	sld [smem:$0x3FA8]  }
0x2c: {  	s7 =	sld [smem:$0x3FA9]  }
0x2d: {  	s3 =	simm.s32 $0x108;
	s8 =	sld [smem:$0x3FAA]  }
0x2e: {  	s3 =	simm.s32 @!p0 $0x1082;
	s9 =	sld [smem:$0x3FAB]  }
0x2f: {  	lr =	sadd.s32 s0, s3;
	s0 =	sld [smem:$0x3FA2]  }
0x30: {  	s3 =	sld [smem:$0x3FA5]  }
0x31: {  	[smem:$0x3FAE] =	sst s10  }
0x32: {  	s10 =	sld [smem:$0x3FAC];
	_ =	sdelay $0x3  }
0x33: {  	p0 =	seq.s32 s10, $0x1;
	s10 =	sld [smem:$0x3FAE];
	_ =	sdelay $0x3  }
0x34: {  	[smem:$0x3FAE] =	sst s10  }
0x35: {  	s10 =	sld [smem:$0x3FAD];
	_ =	sdelay $0x3  }
0x36: {  	p1 =	seq.s32 s10, $0x1;
	s10 =	sld [smem:$0x3FAE];
	_ =	sdelay $0x3  }
0x37: {  	[smem:$0x3FAE] =	sst s10  }
0x38: {  	s10 =	sld [smem:$0x3FAF]  }
0x39: {  	_ = 	snop;
	(pc) =	sbr.ind lr, $3  }
0x3a: {  	_ = 	snop  }
0x3b: {  	_ = 	snop  }
0x3c: {  	p2 =	seq.s32 s10, $0x1;
	s10 =	sld [smem:$0x3FAE]  }
0x3d: {  	_ =	shalt  }
0x3e: {  	_ =	shalt  }
0x3f: {  	_ =	shalt  }
0x40: {  	_ =	shalt  }
0x41: {  	_ =	shalt  }
0x42: {  	_ =	shalt  }
0x43: {  	_ =	shalt  }
0x44: {  	_ =	shalt  }
0x45: {  	_ =	shalt  }
0x46: {  	_ =	shalt  }
0x47: {  	_ =	shalt  }
0x48: {  	_ =	shalt  }
0x49: {  	_ =	shalt  }
0x4a: {  	_ =	shalt  }
0x4b: {  	_ =	shalt  }
0x4c: {  	_ =	shalt  }
0x4d: {  	_ =	shalt  }
0x4e: {  	_ =	shalt  }
0x4f: {  	_ =	shalt  }
0x50: {  	_ =	shalt  }
0x51: {  	_ =	shalt  }
0x52: {  	_ =	shalt  }
0x53: {  	_ =	shalt  }
0x54: {  	_ =	shalt  }
0x55: {  	_ =	shalt  }
0x56: {  	_ =	shalt  }
0x57: {  	_ =	shalt  }
0x58: {  	_ =	shalt  }
0x59: {  	_ =	shalt  }
0x5a: {  	_ =	shalt  }
0x5b: {  	_ =	shalt  }
0x5c: {  	_ =	shalt  }
0x5d: {  	_ =	shalt  }
0x5e: {  	_ =	shalt  }
0x5f: {  	_ =	shalt  }
0x60: {  	_ =	shalt  }
0x61: {  	_ =	shalt  }
0x62: {  	_ =	shalt  }
0x63: {  	_ =	shalt  }
0x64: {  	_ =	shalt  }
0x65: {  	_ =	shalt  }
0x66: {  	_ =	shalt  }
0x67: {  	_ =	shalt  }
0x68: {  	_ =	shalt  }
0x69: {  	_ =	shalt  }
0x6a: {  	_ =	shalt  }
0x6b: {  	_ =	shalt  }
0x6c: {  	_ =	shalt  }
0x6d: {  	_ =	shalt  }
0x6e: {  	_ =	shalt  }
0x6f: {  	_ =	shalt  }
0x70: {  	_ =	shalt  }
0x71: {  	_ =	shalt  }
0x72: {  	_ =	shalt  }
0x73: {  	_ =	shalt  }
0x74: {  	_ =	shalt  }
0x75: {  	_ =	shalt  }
0x76: {  	_ =	shalt  }
0x77: {  	_ =	shalt  }
0x78: {  	_ =	shalt  }
0x79: {  	_ =	shalt  }
0x7a: {  	_ =	shalt  }
0x7b: {  	_ =	shalt  }
0x7c: {  	_ =	shalt  }
0x7d: {  	_ =	shalt  }
0x7e: {  	_ =	shalt  }
0x7f: {  	_ =	shalt  }
0x80: {  	_ =	shalt  }
0x81: {  	_ =	shalt  }
0x82: {  	_ =	shalt  }
0x83: {  	_ =	shalt  }
0x84: {  	_ =	shalt  }
0x85: {  	_ =	shalt  }
0x86: {  	_ =	shalt  }
0x87: {  	_ =	shalt  }
.Lfunc_end0:
.L_simem_size_0:
called_computation.1_lowered:
.L_overlay_start_0:
0x88: {  	s2 =	sld [smem:$0x3FD9]  }
0x89: {  	s3 =	sld [smem:$0x3FFE];
	_ =	sdelay $0x1  }
0x8a: {  	s1 =	srdreg.scid  }
0x8b: {  	s0 =	sand.u32 $0x1, s1  }
0x8c: {  	s16 =	sshll.u32 s0, $0xA;
	s2 =	sadd.s32 s3, s2  }
0x8d: {  	s2 =	sadd.s32 s2, s16  }
0x8e: {  	[smem:$0x3FBA] =	sst s2  }
0x8f: {  	_ = 	snop  }
0x90: {  	(tm) =	ssettm $0x1  }
0x91: {  	s17 =	sld [smem:$0x3FFB];
	_ =	sdelay $0x3  }
0x92: {  	_ =	strace s17  }
0x93: {  	s2 =	sld [smem:$0x3FFC];
	_ =	sdelay $0x3  }
0x94: {  	_ =	strace s2  }
0x95: {  	s2 =	sld [smem:$0x3FFD];
	_ =	sdelay $0x3  }
0x96: {  	_ =	strace s2  }
0x97: {  	_ =	strace $0x8FFFFFFF  }
0x98: {  	s18 =	sld [smem:$0x3FDB];
	_ =	sdelay $0x1  }
0x99: {  	s19 =	simm.s32 $_scs_section_size  }
0x9a: {  	s4 =	simm.s32 $_size__tile_overlayer_lowered;
	s5 =	simm.s32 $_tile_overlayer_lowered  }
0x9b: {  	s22 =	simm.s32 $0x1BFF;
	s21 =	sshll.u32 s5, $0x1;
	s2 =	sadd.s32 s19, s18  }
0x9c: {  	s6 =	simm.s32 $0x0;
	s20 =	sshll.u32 s4, $0x1;
	s4 =	sadd.s32 s21, s2  }
0x9d: {  	[timem:s6], [sflag:s22] =	dma.local [hbm:s4], s20  }
0x9e: {  	_ =	swait.ge [sflag:s22], s20  }
0x9f: {  	s3 =	ssub.s32 $0x0, s20;
	[sflag:s22] =	ssyncset.done $0x0  }
0xa0: {  	[sflag:s22] =	ssyncadd.s32 s3;
	_ =	sdelay $0x1  }
0xa1: {  	s23 =	simm.s32 $0x1B8B  }
0xa2: {  	_ =	swait.ge [sflag:s23], $0x1  }
0xa3: {  	[sflag:s23] =	ssyncset.done $0x0  }
0xa4: {  	s25 =	simm.s32 $0x1B8E;
	s24 =	sld [smem:$0x3FFE];
	[sflag:s23] =	ssyncadd.s32 $0xFFFFFFFF  }
0xa5: {  	s26 =	simm.s32 $execute0_lowered;
	[smem:$0x3FD2] =	sst s25  }
0xa6: {  	s4 =	sshll.u32 s26, $0x1;
	_ =	strace $0x80000049;
	[dreg:$0x1] =	wrdreg $0xFFFFFFFF  }
0xa7: {  	s28 =	simm.s32 $_size_execute0_lowered;
	s2 =	sadd.s32 s2, s4;
	[dreg:$0x0] =	wrdreg $0x0  }
0xa8: {  	s4 =	sshll.u32 s28, $0x1;
	[dreg:$0x2] =	wrdreg s2  }
0xa9: {  	[dreg:$0x3] =	wrdreg s4  }
0xaa: {  	[dreg:$0x4] =	wrdreg $0xC0  }
0xab: {  	_ =	task [dreg:s6], $0x5FFFF  }
0xac: {  	[dreg:$0x1] =	wrdreg $0xFFFFFFFF  }
0xad: {  	[dreg:$0x0] =	wrdreg $0x60  }
0xae: {  	[dreg:$0x2] =	wrdreg s24  }
0xaf: {  	[dreg:$0x3] =	wrdreg $0x41000  }
0xb0: {  	[dreg:$0x4] =	wrdreg $0x9  }
0xb1: {  	_ =	task.clear_ibuf [dreg:s6], $0x5FFFF;
	_ =	strace $0x90000049  }
0xb2: {  	s29 =	simm.s32 $0x9;
	_ =	strace $0x8000004B  }
0xb3: {  	_ =	swait.ge [sflag:s29], $0x1  }
0xb4: {  	[sflag:s29] =	ssyncadd.s32 $0xFFFFFFFF  }
0xb5: {  	_ =	strace $0x9000004B  }
0xb6: {  	_ =	sfence  }
0xb7: {  	s30 =	sld [smem:$0x0];
	_ =	sdelay $0x2  }
0xb8: {  	s31 =	sshll.u32 s1, $0xD;
	s1 =	sshrl.u32 s1, $0x2  }
0xb9: {  	s3 =	sand.u32 $0x4000, s31;
	s1 =	sadd.s32 s1, s30  }
0xba: {  	s0 =	sor.u32 s3, s0;
	s1 =	sshll.u32 s1, $0x11  }
0xbb: {  	s0 =	sor.u32 s1, s0  }
0xbc: {  	s0 =	sadd.s32 $0x8F2B, s0  }
0xbd: {  	[sflag:s0] =	ssyncadd.remote.s32 $0x1  }
0xbe: {  	_ =	sfence.sel $0xFFFF  }
0xbf: {  	[dreg:$0x0] =	wrdreg $0xFFFFFFFF;
	(pc) =	sbr.abs _section_cstart, $3  }
0xc0: {  	[dreg:$0x1] =	wrdreg $0xFFFFFFFF  }
0xc1: {  	_ =	task.clear_ibuf [dreg:s6], $0x2FFFF;
	_ =	strace $0x9FFFFFFF  }
0xc2: {  	(tm) =	ssettm $0x7FFFFFFF  }
0xc3: {  	_ =	shalt  }
tec
execute0_lowered:
.L_overlay_start_1:
0x0: {  	(tag) =	ssettag $0x1  }
0x1: {  	s4 =	rddreg [dreg:$0x0]  }
0x2: {  	s2 =	rddreg [dreg:$0x1]  }
0x3: {  	s0 =	rddreg [dreg:$0x2];
	s3 =	simm.s32 $0x0;
	s1 =	stileid.u32  }
0x4: {  	s5 =	srdreg.scid;
	s12 =	simm.s32 $0x80;
	s6 =	smul.u32 $0x500, s1  }
0x5: {  	s13 =	simm.s32 $0x100;
	s14 =	simm.s32 $0x1;
	s28 =	smul.u32 $0x50000, s1  }
0x6: {  	[smem:$0x7FF] =	sst s3;
	s5 =	sand.u32 $0x1, s5;
	s15 =	smul.u32 $0x2800, s1  }
0x7: {  	s31 =	sshll.u32 s1, $0x6;
	s7 =	smul.u32 $0x28000, s5;
	s5 =	ssub.s32 $0x2, s5  }
0x8: {  	_ =	strace $0x8000004A;
	s8 =	sadd.s32 s6, s4;
	s29 =	sshrl.u32 s5, $0x1  }
0x9: {  	s30 =	sshrl.u32 s28, $0x2;
	s6 =	sor.u32 $0x1C02, s31;
	s9 =	sadd.s32 s7, s4  }
0xa: {  	s10 =	ssub.s32 s5, s29;
	s11 =	sadd.s32 s30, s2;
	s7 =	sadd.s32 $0x4E00, s8  }
0xb: {  	s8 =	sadd.s32 $0x9E00, s8;
	s4 =	sadd.s32 $0xEE00, s9;
	s16 =	sadd.s32 $0x5EE00, s9  }
0xc: {  	s9 =	smax.u32 s10, $0x1;
	s10 =	sshrl.u32 s11, $0x3;
	s11 =	simm.s32 $0x2  }
0xd: {  	s5 =	sadd.s32 s15, s4;
	s15 =	sadd.s32 s15, s16;
	s16 =	simm.s32 $0x0  }
.LBB2_1:
0xe: {  	[spmem:s10], [sflag:s6] =	dma.local [hbm:s5], $0x2800  }
0xf: {  	_ =	swait.ge [sflag:s11], $0x2800  }
0x10: {  	[sflag:s11] =	ssyncset.done $0x0  }
0x11: {  	[sflag:s11] =	ssyncadd.s32 $0xFFFFD800  }
0x12: {  	s17 =	sadd.s32 $0x0, s7;
	[bflag:$0x0] =	sbarrier.arrive $0xFFFF  }
0x13: {  	[tilespmem:s3], [sflag:$0x2] =	stream.linear.gather [hbm4b:s17+s3], $0x80, $0x38;
	[tilespmem:$0x18100] =	vst v63  }
0x14: {  	_ =	swait.ge [sflag:s11], $0x80  }
0x15: {  	[sflag:s11] =	ssyncset.done $0x0  }
0x16: {  	s31 =	sadd.s32 $0x0, s8;
	[sflag:s11] =	ssyncadd.s32 $0xFFFFFF80  }
0x17: {  	[tilespmem:s12], [sflag:$0x2] =	stream.linear.gather [hbm4b:s31+s3], $0x80, $0x38;
	[tilespmem:$0x18100] =	vst v63  }
0x18: {  	_ =	swait.ge [sflag:s11], $0x80  }
0x19: {  	[sflag:s11] =	ssyncset.done $0x0  }
0x1a: {  	[sflag:s11] =	ssyncadd.s32 $0xFFFFFF80  }
0x1b: {  	[tilespmem:s13], [sflag:$0x1] =	stream.indirect.gather [hbm4b:s4+s12], $0x80, s3, s12, $0xb8;
	[tilespmem:$0x18100] =	vst v63  }
0x1c: {  	_ =	swait.ge [sflag:s14], $0x4000  }
0x1d: {  	[sflag:s14] =	ssyncset.done $0x0  }
0x1e: {  	[sflag:s14] =	ssyncadd.s32 $0xFFFFC000  }
0x1f: {  	[spmem:s2] =	stream.indirect.scatter.add.f32 [tilespmem:s13], [sflag:$0x2], $0x80, s12, s12, $0xb8;
	[tilespmem:$0x18100] =	vst v63  }
0x20: {  	_ =	swait.ge [sflag:s11], $0x4000  }
0x21: {  	s18 =	simm.s32 $0x20;
	s17 =	simm.s32 $0x10;
	[sflag:s11] =	ssyncset.done $0x0  }
.LBB2_2:
0x22: {  	s19 =	sadd.s32 s17, s7  }
0x23: {  	[sflag:s11] =	ssyncadd.s32 $0xFFFFC000;
	s20 =	smov.u32 s18;
	s21 =	sadd.s32 $0x10, s18  }
0x24: {  	[tilespmem:s3], [sflag:$0x2] =	stream.linear.gather [hbm4b:s19+s3], $0x80, $0x38;
	[tilespmem:$0x18100] =	vst v63  }
0x25: {  	p0 =	sne.s32 s18, $0x4E0;
	_ =	swait.ge [sflag:s11], $0x80  }
0x26: {  	[sflag:s11] =	ssyncset.done $0x0  }
0x27: {  	s18 =	sadd.s32 s17, s8;
	s17 =	smov.u32 s20;
	[sflag:s11] =	ssyncadd.s32 $0xFFFFFF80  }
0x28: {  	[tilespmem:s12], [sflag:$0x2] =	stream.linear.gather [hbm4b:s18+s3], $0x80, $0x38;
	[tilespmem:$0x18100] =	vst v63  }
0x29: {  	_ =	swait.ge [sflag:s11], $0x80  }
0x2a: {  	[sflag:s11] =	ssyncset.done $0x0  }
0x2b: {  	[sflag:s11] =	ssyncadd.s32 $0xFFFFFF80  }
0x2c: {  	[tilespmem:s13], [sflag:$0x1] =	stream.indirect.gather [hbm4b:s4+s12], $0x80, s3, s12, $0xb8;
	[tilespmem:$0x18100] =	vst v63  }
0x2d: {  	_ =	swait.ge [sflag:s14], $0x4000  }
.Ltmp0:
0x2e: {  	[sflag:s14] =	ssyncset.done $0x0;
	(pc) =	sbr.rel @p0 .LBB2_2-.Ltmp0, $4  }
0x2f: {  	[sflag:s14] =	ssyncadd.s32 $0xFFFFC000  }
0x30: {  	[spmem:s2] =	stream.indirect.scatter.add.f32 [tilespmem:s13], [sflag:$0x2], $0x80, s12, s12, $0xb8;
	[tilespmem:$0x18100] =	vst v63  }
0x31: {  	_ =	swait.ge [sflag:s11], $0x4000  }
0x32: {  	s18 =	smov.u32 s21;
	[sflag:s11] =	ssyncset.done $0x0  }
0x33: {  	s18 =	sadd.s32 s17, s7;
	[sflag:s11] =	ssyncadd.s32 $0xFFFFC000  }
0x34: {  	[tilespmem:s3], [sflag:$0x2] =	stream.linear.gather [hbm4b:s18+s3], $0x80, $0x38;
	[tilespmem:$0x18100] =	vst v63  }
0x35: {  	_ =	swait.ge [sflag:s11], $0x80  }
0x36: {  	[sflag:s11] =	ssyncset.done $0x0  }
0x37: {  	s31 =	sadd.s32 s17, s8;
	[sflag:s11] =	ssyncadd.s32 $0xFFFFFF80  }
0x38: {  	[tilespmem:s12], [sflag:$0x2] =	stream.linear.gather [hbm4b:s31+s3], $0x80, $0x38;
	[tilespmem:$0x18100] =	vst v63  }
0x39: {  	_ =	swait.ge [sflag:s11], $0x80  }
0x3a: {  	[sflag:s11] =	ssyncset.done $0x0  }
0x3b: {  	[sflag:s11] =	ssyncadd.s32 $0xFFFFFF80  }
0x3c: {  	[tilespmem:s13], [sflag:$0x1] =	stream.indirect.gather [hbm4b:s4+s12], $0x80, s3, s12, $0xb8;
	[tilespmem:$0x18100] =	vst v63  }
0x3d: {  	_ =	swait.ge [sflag:s14], $0x4000  }
0x3e: {  	[sflag:s14] =	ssyncset.done $0x0  }
0x3f: {  	[sflag:s14] =	ssyncadd.s32 $0xFFFFC000  }
0x40: {  	[spmem:s2] =	stream.indirect.scatter.add.f32 [tilespmem:s13], [sflag:$0x2], $0x80, s12, s12, $0xb8;
	[tilespmem:$0x18100] =	vst v63  }
0x41: {  	_ =	swait.ge [sflag:s11], $0x4000  }
0x42: {  	s16 =	sadd.s32 $0x1, s16;
	[sflag:s11] =	ssyncset.done $0x0  }
0x43: {  	p0 =	sne.s32 s16, s9;
	[sflag:s11] =	ssyncadd.s32 $0xFFFFC000  }
.Ltmp1:
0x44: {  	[bflag:$0x0] =	sbarrier.arrive $0xFFFF;
	(pc) =	sbr.rel @p0 .LBB2_1-.Ltmp1, $4  }
0x45: {  	[hbm:s15], [sflag:s6] =	dma.local [spmem:s10], $0x2800  }
0x46: {  	_ =	swait.ge [sflag:s11], $0x2800  }
0x47: {  	[sflag:s11] =	ssyncset.done $0x0  }
0x48: {  	[sflag:s11] =	ssyncadd.s32 $0xFFFFD800  }
0x49: {  	_ =	sfence.sel $0x180000  }
0x4a: {  	[bflag:$0x0] =	sbarrier.arrive $0xFFFF  }
0x4b: {  	p0 =	sne.s32 s1, $0x0;
	_ =	strace $0x9000004A  }
0x4c: {  	s0 =	sadd.s32 @!p0 $0x100000, s0;
	[bflag:$0x2] =	sbarrier.arrive $0xFFFF  }
0x4d: {  	[sflag:s0] =	ssyncadd.tile.s32 @!p0 $0x1;
	_ =	shalt  }
.Lfunc_end2:
_tile_overlayer_lowered:
.L_overlay_start_2:
0x4e: {  	(tag) =	ssettag $0x2  }
0x4f: {  	s0 =	rddreg [dreg:$0x0];
	s2 =	stileid.u32  }
0x50: {  	s1 =	rddreg [dreg:$0x1];
	p0 =	sne.s32 s2, $0x0  }
0x51: {  	s3 =	rddreg [dreg:$0x2];
	[bflag:$0x3] =	sbarrier.arrive $0xFFFF;
	s2 =	simm.s32 @!p0 $0x1C02  }
0x52: {  	[timem:s3], [sflag:s2] =	dma.local @!p0 [hbm:s0], s1  }
0x53: {  	s0 =	simm.s32 @!p0 $0x2  }
0x54: {  	_ =	swait.ge @!p0 [sflag:s0], s1  }
0x55: {  	s1 =	ssub.s32 @!p0 $0x0, s1;
	[sflag:s0] =	ssyncset.done @!p0 $0x0  }
0x56: {  	[sflag:s0] =	ssyncadd.s32 @!p0 s1  }
0x57: {  	[bflag:$0x3] =	sbarrier.arrive $0xFFFF  }
0x58: {  	_ =	shalt  }

// kernel: kernel.19.cloned.1.call-start
scs
__scs_entry_jumppad:
0x0: {  	(pc) =	sbr.rel $0x88, $3  }
0x1: {  	(tag) =	ssettag $0x0;
	lr =	simm.s32 $0x1  }
0x2: {  	[smem:$0x3F93] =	sst lr;
	_ =	strace $0xD0000000  }
0x3: {  	_ = 	snop  }
0x4: {  	_ = 	snop  }
0x5: {  	_ = 	snop  }
0x6: {  	_ = 	snop  }
0x7: {  	_ = 	snop  }
__scs_overlays_trampoline_lowered:
0x8: {  	[smem:$0x3FA2] =	sst s0  }
0x9: {  	[smem:$0x3FA3] =	sst s1  }
0xa: {  	[smem:$0x3FA4] =	sst s2  }
0xb: {  	[smem:$0x3FA5] =	sst s3  }
0xc: {  	[smem:$0x3FA6] =	sst s4  }
0xd: {  	[smem:$0x3FA7] =	sst s5  }
0xe: {  	[smem:$0x3FA8] =	sst s6  }
0xf: {  	[smem:$0x3FA9] =	sst s7  }
0x10: {  	[smem:$0x3FAA] =	sst s8  }
0x11: {  	[smem:$0x3FAB] =	sst s9;
	s0 =	simm.s32 @!p0 $0x0  }
0x12: {  	s1 =	sld [smem:$0x3F91];
	s0 =	simm.s32 @p0 $0x1  }
0x13: {  	[smem:$0x3FAC] =	sst s0;
	s0 =	simm.s32 @!p1 $0x0  }
0x14: {  	s2 =	sld [smem:$0x3F90];
	s0 =	simm.s32 @p1 $0x1  }
0x15: {  	[smem:$0x3FAD] =	sst s0;
	s0 =	simm.s32 @!p2 $0x0  }
0x16: {  	s3 =	sld [smem:$0x3FDB];
	s0 =	simm.s32 @p2 $0x1  }
0x17: {  	s4 =	simm.s32 $0x1BF5;
	[smem:$0x3FAF] =	sst s0  }
0x18: {  	s0 =	sld [smem:$0x3F92];
	_ =	swait.ge [sflag:s4], $0x0  }
0x19: {  	s7 =	sld [smem:$0x3F93]  }
0x1a: {  	s8 =	sadd.s32 $0xFFFFE003, lr  }
0x1b: {  	s9 =	sadd.s32 $0xFFFFFEF7, lr;
	s5 =	simm.s32 $0xFFFFFFFF;
	p2 =	slt.u32 s8, $0xFFFFF086  }
0x1c: {  	p1 =	slt.u32 s9, $0xF7A;
	s5 =	simm.s32 @!p2 $0x0  }
0x1d: {  	s5 =	simm.s32 @p1 $0x1;
	p0 =	seq.s32 s7, s2  }
0x1e: {  	s7 =	smul.u32 @!p0 $0xF7A, s2;
	p2 =	seq.s32 @!p0 s5, $0x0  }
0x1f: {  	s9 =	smul.u32 $0xF7A, s1;
	s8 =	simm.s32 @!p0 $0x1BF5;
	p2 =	por !p2, p0  }
0x20: {  	[sflag:s8] =	ssyncset.s32 @!p0 $0xFFFFF086;
	s6 =	sadd.s32 @!p0 s3, s7;
	s7 =	simm.s32 @!p0 $0x108  }
0x21: {  	s3 =	sadd.s32 s3, s9;
	s6 =	sadd.s32 @!p0 $0x88, s6;
	s7 =	simm.s32 @p2 $0x1082  }
0x22: {  	[simem:s7], [sflag:s8] =	dma.local @!p0 [hbm:s6], $0xF7A  }
0x23: {  	s9 =	sor.u32 $0xD0000000, s2;
	s6 =	simm.s32 $0x108;
	_ =	swait.ge @!p0 [sflag:s8], $0x0  }
0x24: {  	s3 =	sadd.s32 $0x88, s3;
	s6 =	simm.s32 @!p1 $0x1082;
	[sflag:s4] =	ssyncset.s32 $0xFFFFF086  }
0x25: {  	[simem:s6], [sflag:s4] =	dma.local [hbm:s3], $0xF7A  }
0x26: {  	[smem:$0x3F93] =	sst s1;
	(tag) =	ssettag s2;
	_ =	strace s9  }
0x27: {  	s1 =	sld [smem:$0x3FA3]  }
0x28: {  	s2 =	sld [smem:$0x3FA4]  }
0x29: {  	s4 =	sld [smem:$0x3FA6]  }
0x2a: {  	p0 =	seq.s32 s5, $0x0;
	s5 =	sld [smem:$0x3FA7]  }
0x2b: {  	s6 =	sld [smem:$0x3FA8]  }
0x2c: {  	s7 =	sld [smem:$0x3FA9]  }
0x2d: {  	s3 =	simm.s32 $0x108;
	s8 =	sld [smem:$0x3FAA]  }
0x2e: {  	s3 =	simm.s32 @!p0 $0x1082;
	s9 =	sld [smem:$0x3FAB]  }
0x2f: {  	lr =	sadd.s32 s0, s3;
	s0 =	sld [smem:$0x3FA2]  }
0x30: {  	s3 =	sld [smem:$0x3FA5]  }
0x31: {  	[smem:$0x3FAE] =	sst s10  }
0x32: {  	s10 =	sld [smem:$0x3FAC];
	_ =	sdelay $0x3  }
0x33: {  	p0 =	seq.s32 s10, $0x1;
	s10 =	sld [smem:$0x3FAE];
	_ =	sdelay $0x3  }
0x34: {  	[smem:$0x3FAE] =	sst s10  }
0x35: {  	s10 =	sld [smem:$0x3FAD];
	_ =	sdelay $0x3  }
0x36: {  	p1 =	seq.s32 s10, $0x1;
	s10 =	sld [smem:$0x3FAE];
	_ =	sdelay $0x3  }
0x37: {  	[smem:$0x3FAE] =	sst s10  }
0x38: {  	s10 =	sld [smem:$0x3FAF]  }
0x39: {  	_ = 	snop;
	(pc) =	sbr.ind lr, $3  }
0x3a: {  	_ = 	snop  }
0x3b: {  	_ = 	snop  }
0x3c: {  	p2 =	seq.s32 s10, $0x1;
	s10 =	sld [smem:$0x3FAE]  }
0x3d: {  	_ =	shalt  }
0x3e: {  	_ =	shalt  }
0x3f: {  	_ =	shalt  }
0x40: {  	_ =	shalt  }
0x41: {  	_ =	shalt  }
0x42: {  	_ =	shalt  }
0x43: {  	_ =	shalt  }
0x44: {  	_ =	shalt  }
0x45: {  	_ =	shalt  }
0x46: {  	_ =	shalt  }
0x47: {  	_ =	shalt  }
0x48: {  	_ =	shalt  }
0x49: {  	_ =	shalt  }
0x4a: {  	_ =	shalt  }
0x4b: {  	_ =	shalt  }
0x4c: {  	_ =	shalt  }
0x4d: {  	_ =	shalt  }
0x4e: {  	_ =	shalt  }
0x4f: {  	_ =	shalt  }
0x50: {  	_ =	shalt  }
0x51: {  	_ =	shalt  }
0x52: {  	_ =	shalt  }
0x53: {  	_ =	shalt  }
0x54: {  	_ =	shalt  }
0x55: {  	_ =	shalt  }
0x56: {  	_ =	shalt  }
0x57: {  	_ =	shalt  }
0x58: {  	_ =	shalt  }
0x59: {  	_ =	shalt  }
0x5a: {  	_ =	shalt  }
0x5b: {  	_ =	shalt  }
0x5c: {  	_ =	shalt  }
0x5d: {  	_ =	shalt  }
0x5e: {  	_ =	shalt  }
0x5f: {  	_ =	shalt  }
0x60: {  	_ =	shalt  }
0x61: {  	_ =	shalt  }
0x62: {  	_ =	shalt  }
0x63: {  	_ =	shalt  }
0x64: {  	_ =	shalt  }
0x65: {  	_ =	shalt  }
0x66: {  	_ =	shalt  }
0x67: {  	_ =	shalt  }
0x68: {  	_ =	shalt  }
0x69: {  	_ =	shalt  }
0x6a: {  	_ =	shalt  }
0x6b: {  	_ =	shalt  }
0x6c: {  	_ =	shalt  }
0x6d: {  	_ =	shalt  }
0x6e: {  	_ =	shalt  }
0x6f: {  	_ =	shalt  }
0x70: {  	_ =	shalt  }
0x71: {  	_ =	shalt  }
0x72: {  	_ =	shalt  }
0x73: {  	_ =	shalt  }
0x74: {  	_ =	shalt  }
0x75: {  	_ =	shalt  }
0x76: {  	_ =	shalt  }
0x77: {  	_ =	shalt  }
0x78: {  	_ =	shalt  }
0x79: {  	_ =	shalt  }
0x7a: {  	_ =	shalt  }
0x7b: {  	_ =	shalt  }
0x7c: {  	_ =	shalt  }
0x7d: {  	_ =	shalt  }
0x7e: {  	_ =	shalt  }
0x7f: {  	_ =	shalt  }
0x80: {  	_ =	shalt  }
0x81: {  	_ =	shalt  }
0x82: {  	_ =	shalt  }
0x83: {  	_ =	shalt  }
0x84: {  	_ =	shalt  }
0x85: {  	_ =	shalt  }
0x86: {  	_ =	shalt  }
0x87: {  	_ =	shalt  }
.Lfunc_end0:
.L_simem_size_0:
called_computation.2_lowered:
.L_overlay_start_0:
0x88: {  	s2 =	sld [smem:$0x3FD9]  }
0x89: {  	s3 =	sld [smem:$0x3FFE];
	_ =	sdelay $0x1  }
0x8a: {  	s1 =	srdreg.scid  }
0x8b: {  	s0 =	sand.u32 $0x1, s1  }
0x8c: {  	s16 =	sshll.u32 s0, $0xA;
	s2 =	sadd.s32 s3, s2  }
0x8d: {  	s2 =	sadd.s32 s2, s16  }
0x8e: {  	[smem:$0x3FBA] =	sst s2  }
0x8f: {  	_ = 	snop  }
0x90: {  	(tm) =	ssettm $0x1  }
0x91: {  	s17 =	sld [smem:$0x3FFB];
	_ =	sdelay $0x3  }
0x92: {  	_ =	strace s17  }
0x93: {  	s2 =	sld [smem:$0x3FFC];
	_ =	sdelay $0x3  }
0x94: {  	_ =	strace s2  }
0x95: {  	s2 =	sld [smem:$0x3FFD];
	_ =	sdelay $0x3  }
0x96: {  	_ =	strace s2  }
0x97: {  	_ =	strace $0x8FFFFFFF  }
0x98: {  	s18 =	sld [smem:$0x3FDB];
	_ =	sdelay $0x1  }
0x99: {  	s19 =	simm.s32 $_scs_section_size  }
0x9a: {  	s4 =	simm.s32 $_size__tile_overlayer_lowered;
	s5 =	simm.s32 $_tile_overlayer_lowered  }
0x9b: {  	s22 =	simm.s32 $0x1BFF;
	s21 =	sshll.u32 s5, $0x1;
	s2 =	sadd.s32 s19, s18  }
0x9c: {  	s6 =	simm.s32 $0x0;
	s20 =	sshll.u32 s4, $0x1;
	s4 =	sadd.s32 s21, s2  }
0x9d: {  	[timem:s6], [sflag:s22] =	dma.local [hbm:s4], s20  }
0x9e: {  	_ =	swait.ge [sflag:s22], s20  }
0x9f: {  	s3 =	ssub.s32 $0x0, s20;
	[sflag:s22] =	ssyncset.done $0x0  }
0xa0: {  	[sflag:s22] =	ssyncadd.s32 s3;
	_ =	sdelay $0x1  }
0xa1: {  	s23 =	simm.s32 $0x1B8B  }
0xa2: {  	_ =	swait.ge [sflag:s23], $0x1  }
0xa3: {  	[sflag:s23] =	ssyncset.done $0x0  }
0xa4: {  	s25 =	simm.s32 $0x1B8E;
	s24 =	sld [smem:$0x3FFE];
	[sflag:s23] =	ssyncadd.s32 $0xFFFFFFFF  }
0xa5: {  	s26 =	simm.s32 $execute0_lowered;
	[smem:$0x3FD2] =	sst s25  }
0xa6: {  	s4 =	sshll.u32 s26, $0x1;
	_ =	strace $0x8000004C;
	[dreg:$0x1] =	wrdreg $0xFFFFFFFF  }
0xa7: {  	s28 =	simm.s32 $_size_execute0_lowered;
	s2 =	sadd.s32 s2, s4;
	[dreg:$0x0] =	wrdreg $0x0  }
0xa8: {  	s4 =	sshll.u32 s28, $0x1;
	[dreg:$0x2] =	wrdreg s2  }
0xa9: {  	[dreg:$0x3] =	wrdreg s4  }
0xaa: {  	[dreg:$0x4] =	wrdreg $0xC0  }
0xab: {  	_ =	task [dreg:s6], $0x5FFFF  }
0xac: {  	[dreg:$0x1] =	wrdreg $0xFFFFFFFF  }
0xad: {  	[dreg:$0x0] =	wrdreg $0x60  }
0xae: {  	[dreg:$0x2] =	wrdreg s24  }
0xaf: {  	[dreg:$0x3] =	wrdreg $0x41000  }
0xb0: {  	[dreg:$0x4] =	wrdreg $0x9  }
0xb1: {  	_ =	task.clear_ibuf [dreg:s6], $0x5FFFF;
	_ =	strace $0x9000004C  }
0xb2: {  	s29 =	simm.s32 $0x9;
	_ =	strace $0x8000004E  }
0xb3: {  	_ =	swait.ge [sflag:s29], $0x1  }
0xb4: {  	[sflag:s29] =	ssyncadd.s32 $0xFFFFFFFF  }
0xb5: {  	_ =	strace $0x9000004E  }
0xb6: {  	_ =	sfence  }
0xb7: {  	s30 =	sld [smem:$0x0];
	_ =	sdelay $0x2  }
0xb8: {  	s31 =	sshll.u32 s1, $0xD;
	s1 =	sshrl.u32 s1, $0x2  }
0xb9: {  	s3 =	sand.u32 $0x4000, s31;
	s1 =	sadd.s32 s1, s30  }
0xba: {  	s0 =	sor.u32 s3, s0;
	s1 =	sshll.u32 s1, $0x11  }
0xbb: {  	s0 =	sor.u32 s1, s0  }
0xbc: {  	s0 =	sadd.s32 $0x8F2B, s0  }
0xbd: {  	[sflag:s0] =	ssyncadd.remote.s32 $0x1  }
0xbe: {  	_ =	sfence.sel $0xFFFF  }
0xbf: {  	[dreg:$0x0] =	wrdreg $0xFFFFFFFF;
	(pc) =	sbr.abs _section_cstart, $3  }
0xc0: {  	[dreg:$0x1] =	wrdreg $0xFFFFFFFF  }
0xc1: {  	_ =	task.clear_ibuf [dreg:s6], $0x2FFFF;
	_ =	strace $0x9FFFFFFF  }
0xc2: {  	(tm) =	ssettm $0x7FFFFFFF  }
0xc3: {  	_ =	shalt  }
tec
execute0_lowered:
.L_overlay_start_1:
0x0: {  	(tag) =	ssettag $0x1  }
0x1: {  	s4 =	rddreg [dreg:$0x0]  }
0x2: {  	s2 =	rddreg [dreg:$0x1]  }
0x3: {  	s0 =	rddreg [dreg:$0x2];
	s3 =	simm.s32 $0x0;
	s1 =	stileid.u32  }
0x4: {  	s5 =	srdreg.scid;
	s12 =	simm.s32 $0x80;
	s6 =	smul.u32 $0x500, s1  }
0x5: {  	s13 =	simm.s32 $0x100;
	s14 =	simm.s32 $0x1;
	s28 =	smul.u32 $0x50000, s1  }
0x6: {  	[smem:$0x7FF] =	sst s3;
	s5 =	sand.u32 $0x1, s5;
	s15 =	smul.u32 $0x2800, s1  }
0x7: {  	s31 =	sshll.u32 s1, $0x6;
	s7 =	smul.u32 $0x28000, s5;
	s5 =	ssub.s32 $0x2, s5  }
0x8: {  	_ =	strace $0x8000004D;
	s8 =	sadd.s32 s6, s4;
	s29 =	sshrl.u32 s5, $0x1  }
0x9: {  	s30 =	sshrl.u32 s28, $0x2;
	s6 =	sor.u32 $0x1C02, s31;
	s9 =	sadd.s32 s7, s4  }
0xa: {  	s10 =	ssub.s32 s5, s29;
	s11 =	sadd.s32 s30, s2;
	s7 =	sadd.s32 $0x4E00, s8  }
0xb: {  	s8 =	sadd.s32 $0x9E00, s8;
	s4 =	sadd.s32 $0xEE00, s9;
	s16 =	sadd.s32 $0x5EE00, s9  }
0xc: {  	s9 =	smax.u32 s10, $0x1;
	s10 =	sshrl.u32 s11, $0x3;
	s11 =	simm.s32 $0x2  }
0xd: {  	s5 =	sadd.s32 s15, s4;
	s15 =	sadd.s32 s15, s16;
	s16 =	simm.s32 $0x0  }
.LBB2_1:
0xe: {  	[spmem:s10], [sflag:s6] =	dma.local [hbm:s5], $0x2800  }
0xf: {  	_ =	swait.ge [sflag:s11], $0x2800  }
0x10: {  	[sflag:s11] =	ssyncset.done $0x0  }
0x11: {  	[sflag:s11] =	ssyncadd.s32 $0xFFFFD800  }
0x12: {  	s17 =	sadd.s32 $0x0, s7;
	[bflag:$0x0] =	sbarrier.arrive $0xFFFF  }
0x13: {  	[tilespmem:s3], [sflag:$0x2] =	stream.linear.gather [hbm4b:s17+s3], $0x80, $0x38;
	[tilespmem:$0x18100] =	vst v63  }
0x14: {  	_ =	swait.ge [sflag:s11], $0x80  }
0x15: {  	[sflag:s11] =	ssyncset.done $0x0  }
0x16: {  	s31 =	sadd.s32 $0x0, s8;
	[sflag:s11] =	ssyncadd.s32 $0xFFFFFF80  }
0x17: {  	[tilespmem:s12], [sflag:$0x2] =	stream.linear.gather [hbm4b:s31+s3], $0x80, $0x38;
	[tilespmem:$0x18100] =	vst v63  }
0x18: {  	_ =	swait.ge [sflag:s11], $0x80  }
0x19: {  	[sflag:s11] =	ssyncset.done $0x0  }
0x1a: {  	[sflag:s11] =	ssyncadd.s32 $0xFFFFFF80  }
0x1b: {  	[tilespmem:s13], [sflag:$0x1] =	stream.indirect.gather [hbm4b:s4+s12], $0x80, s3, s12, $0xb8;
	[tilespmem:$0x18100] =	vst v63  }
0x1c: {  	_ =	swait.ge [sflag:s14], $0x4000  }
0x1d: {  	[sflag:s14] =	ssyncset.done $0x0  }
0x1e: {  	[sflag:s14] =	ssyncadd.s32 $0xFFFFC000  }
0x1f: {  	[spmem:s2] =	stream.indirect.scatter.add.f32 [tilespmem:s13], [sflag:$0x2], $0x80, s12, s12, $0xb8;
	[tilespmem:$0x18100] =	vst v63  }
0x20: {  	_ =	swait.ge [sflag:s11], $0x4000  }
0x21: {  	s18 =	simm.s32 $0x20;
	s17 =	simm.s32 $0x10;
	[sflag:s11] =	ssyncset.done $0x0  }
.LBB2_2:
0x22: {  	s19 =	sadd.s32 s17, s7  }
0x23: {  	[sflag:s11] =	ssyncadd.s32 $0xFFFFC000;
	s20 =	smov.u32 s18;
	s21 =	sadd.s32 $0x10, s18  }
0x24: {  	[tilespmem:s3], [sflag:$0x2] =	stream.linear.gather [hbm4b:s19+s3], $0x80, $0x38;
	[tilespmem:$0x18100] =	vst v63  }
0x25: {  	p0 =	sne.s32 s18, $0x4E0;
	_ =	swait.ge [sflag:s11], $0x80  }
0x26: {  	[sflag:s11] =	ssyncset.done $0x0  }
0x27: {  	s18 =	sadd.s32 s17, s8;
	s17 =	smov.u32 s20;
	[sflag:s11] =	ssyncadd.s32 $0xFFFFFF80  }
0x28: {  	[tilespmem:s12], [sflag:$0x2] =	stream.linear.gather [hbm4b:s18+s3], $0x80, $0x38;
	[tilespmem:$0x18100] =	vst v63  }
0x29: {  	_ =	swait.ge [sflag:s11], $0x80  }
0x2a: {  	[sflag:s11] =	ssyncset.done $0x0  }
0x2b: {  	[sflag:s11] =	ssyncadd.s32 $0xFFFFFF80  }
0x2c: {  	[tilespmem:s13], [sflag:$0x1] =	stream.indirect.gather [hbm4b:s4+s12], $0x80, s3, s12, $0xb8;
	[tilespmem:$0x18100] =	vst v63  }
0x2d: {  	_ =	swait.ge [sflag:s14], $0x4000  }
.Ltmp0:
0x2e: {  	[sflag:s14] =	ssyncset.done $0x0;
	(pc) =	sbr.rel @p0 .LBB2_2-.Ltmp0, $4  }
0x2f: {  	[sflag:s14] =	ssyncadd.s32 $0xFFFFC000  }
0x30: {  	[spmem:s2] =	stream.indirect.scatter.add.f32 [tilespmem:s13], [sflag:$0x2], $0x80, s12, s12, $0xb8;
	[tilespmem:$0x18100] =	vst v63  }
0x31: {  	_ =	swait.ge [sflag:s11], $0x4000  }
0x32: {  	s18 =	smov.u32 s21;
	[sflag:s11] =	ssyncset.done $0x0  }
0x33: {  	s18 =	sadd.s32 s17, s7;
	[sflag:s11] =	ssyncadd.s32 $0xFFFFC000  }
0x34: {  	[tilespmem:s3], [sflag:$0x2] =	stream.linear.gather [hbm4b:s18+s3], $0x80, $0x38;
	[tilespmem:$0x18100] =	vst v63  }
0x35: {  	_ =	swait.ge [sflag:s11], $0x80  }
0x36: {  	[sflag:s11] =	ssyncset.done $0x0  }
0x37: {  	s31 =	sadd.s32 s17, s8;
	[sflag:s11] =	ssyncadd.s32 $0xFFFFFF80  }
0x38: {  	[tilespmem:s12], [sflag:$0x2] =	stream.linear.gather [hbm4b:s31+s3], $0x80, $0x38;
	[tilespmem:$0x18100] =	vst v63  }
0x39: {  	_ =	swait.ge [sflag:s11], $0x80  }
0x3a: {  	[sflag:s11] =	ssyncset.done $0x0  }
0x3b: {  	[sflag:s11] =	ssyncadd.s32 $0xFFFFFF80  }
0x3c: {  	[tilespmem:s13], [sflag:$0x1] =	stream.indirect.gather [hbm4b:s4+s12], $0x80, s3, s12, $0xb8;
	[tilespmem:$0x18100] =	vst v63  }
0x3d: {  	_ =	swait.ge [sflag:s14], $0x4000  }
0x3e: {  	[sflag:s14] =	ssyncset.done $0x0  }
0x3f: {  	[sflag:s14] =	ssyncadd.s32 $0xFFFFC000  }
0x40: {  	[spmem:s2] =	stream.indirect.scatter.add.f32 [tilespmem:s13], [sflag:$0x2], $0x80, s12, s12, $0xb8;
	[tilespmem:$0x18100] =	vst v63  }
0x41: {  	_ =	swait.ge [sflag:s11], $0x4000  }
0x42: {  	s16 =	sadd.s32 $0x1, s16;
	[sflag:s11] =	ssyncset.done $0x0  }
0x43: {  	p0 =	sne.s32 s16, s9;
	[sflag:s11] =	ssyncadd.s32 $0xFFFFC000  }
.Ltmp1:
0x44: {  	[bflag:$0x0] =	sbarrier.arrive $0xFFFF;
	(pc) =	sbr.rel @p0 .LBB2_1-.Ltmp1, $4  }
0x45: {  	[hbm:s15], [sflag:s6] =	dma.local [spmem:s10], $0x2800  }
0x46: {  	_ =	swait.ge [sflag:s11], $0x2800  }
0x47: {  	[sflag:s11] =	ssyncset.done $0x0  }
0x48: {  	[sflag:s11] =	ssyncadd.s32 $0xFFFFD800  }
0x49: {  	_ =	sfence.sel $0x180000  }
0x4a: {  	[bflag:$0x0] =	sbarrier.arrive $0xFFFF  }
0x4b: {  	p0 =	sne.s32 s1, $0x0;
	_ =	strace $0x9000004D  }
0x4c: {  	s0 =	sadd.s32 @!p0 $0x100000, s0;
	[bflag:$0x2] =	sbarrier.arrive $0xFFFF  }
0x4d: {  	[sflag:s0] =	ssyncadd.tile.s32 @!p0 $0x1;
	_ =	shalt  }
.Lfunc_end2:
_tile_overlayer_lowered:
.L_overlay_start_2:
0x4e: {  	(tag) =	ssettag $0x2  }
0x4f: {  	s0 =	rddreg [dreg:$0x0];
	s2 =	stileid.u32  }
0x50: {  	s1 =	rddreg [dreg:$0x1];
	p0 =	sne.s32 s2, $0x0  }
0x51: {  	s3 =	rddreg [dreg:$0x2];
	[bflag:$0x3] =	sbarrier.arrive $0xFFFF;
	s2 =	simm.s32 @!p0 $0x1C02  }
0x52: {  	[timem:s3], [sflag:s2] =	dma.local @!p0 [hbm:s0], s1  }
0x53: {  	s0 =	simm.s32 @!p0 $0x2  }
0x54: {  	_ =	swait.ge @!p0 [sflag:s0], s1  }
0x55: {  	s1 =	ssub.s32 @!p0 $0x0, s1;
	[sflag:s0] =	ssyncset.done @!p0 $0x0  }
0x56: {  	[sflag:s0] =	ssyncadd.s32 @!p0 s1  }
0x57: {  	[bflag:$0x3] =	sbarrier.arrive $0xFFFF  }
0x58: {  	_ =	shalt  }

// kernel: kernel.22.cloned.1.call-start
scs
__scs_entry_jumppad:
0x0: {  	(pc) =	sbr.rel $0x88, $3  }
0x1: {  	(tag) =	ssettag $0x0;
	lr =	simm.s32 $0x1  }
0x2: {  	[smem:$0x3F93] =	sst lr;
	_ =	strace $0xD0000000  }
0x3: {  	_ = 	snop  }
0x4: {  	_ = 	snop  }
0x5: {  	_ = 	snop  }
0x6: {  	_ = 	snop  }
0x7: {  	_ = 	snop  }
__scs_overlays_trampoline_lowered:
0x8: {  	[smem:$0x3FA2] =	sst s0  }
0x9: {  	[smem:$0x3FA3] =	sst s1  }
0xa: {  	[smem:$0x3FA4] =	sst s2  }
0xb: {  	[smem:$0x3FA5] =	sst s3  }
0xc: {  	[smem:$0x3FA6] =	sst s4  }
0xd: {  	[smem:$0x3FA7] =	sst s5  }
0xe: {  	[smem:$0x3FA8] =	sst s6  }
0xf: {  	[smem:$0x3FA9] =	sst s7  }
0x10: {  	[smem:$0x3FAA] =	sst s8  }
0x11: {  	[smem:$0x3FAB] =	sst s9;
	s0 =	simm.s32 @!p0 $0x0  }
0x12: {  	s1 =	sld [smem:$0x3F91];
	s0 =	simm.s32 @p0 $0x1  }
0x13: {  	[smem:$0x3FAC] =	sst s0;
	s0 =	simm.s32 @!p1 $0x0  }
0x14: {  	s2 =	sld [smem:$0x3F90];
	s0 =	simm.s32 @p1 $0x1  }
0x15: {  	[smem:$0x3FAD] =	sst s0;
	s0 =	simm.s32 @!p2 $0x0  }
0x16: {  	s3 =	sld [smem:$0x3FDB];
	s0 =	simm.s32 @p2 $0x1  }
0x17: {  	s4 =	simm.s32 $0x1BF5;
	[smem:$0x3FAF] =	sst s0  }
0x18: {  	s0 =	sld [smem:$0x3F92];
	_ =	swait.ge [sflag:s4], $0x0  }
0x19: {  	s7 =	sld [smem:$0x3F93]  }
0x1a: {  	s8 =	sadd.s32 $0xFFFFE003, lr  }
0x1b: {  	s9 =	sadd.s32 $0xFFFFFEF7, lr;
	s5 =	simm.s32 $0xFFFFFFFF;
	p2 =	slt.u32 s8, $0xFFFFF086  }
0x1c: {  	p1 =	slt.u32 s9, $0xF7A;
	s5 =	simm.s32 @!p2 $0x0  }
0x1d: {  	s5 =	simm.s32 @p1 $0x1;
	p0 =	seq.s32 s7, s2  }
0x1e: {  	s7 =	smul.u32 @!p0 $0xF7A, s2;
	p2 =	seq.s32 @!p0 s5, $0x0  }
0x1f: {  	s9 =	smul.u32 $0xF7A, s1;
	s8 =	simm.s32 @!p0 $0x1BF5;
	p2 =	por !p2, p0  }
0x20: {  	[sflag:s8] =	ssyncset.s32 @!p0 $0xFFFFF086;
	s6 =	sadd.s32 @!p0 s3, s7;
	s7 =	simm.s32 @!p0 $0x108  }
0x21: {  	s3 =	sadd.s32 s3, s9;
	s6 =	sadd.s32 @!p0 $0x88, s6;
	s7 =	simm.s32 @p2 $0x1082  }
0x22: {  	[simem:s7], [sflag:s8] =	dma.local @!p0 [hbm:s6], $0xF7A  }
0x23: {  	s9 =	sor.u32 $0xD0000000, s2;
	s6 =	simm.s32 $0x108;
	_ =	swait.ge @!p0 [sflag:s8], $0x0  }
0x24: {  	s3 =	sadd.s32 $0x88, s3;
	s6 =	simm.s32 @!p1 $0x1082;
	[sflag:s4] =	ssyncset.s32 $0xFFFFF086  }
0x25: {  	[simem:s6], [sflag:s4] =	dma.local [hbm:s3], $0xF7A  }
0x26: {  	[smem:$0x3F93] =	sst s1;
	(tag) =	ssettag s2;
	_ =	strace s9  }
0x27: {  	s1 =	sld [smem:$0x3FA3]  }
0x28: {  	s2 =	sld [smem:$0x3FA4]  }
0x29: {  	s4 =	sld [smem:$0x3FA6]  }
0x2a: {  	p0 =	seq.s32 s5, $0x0;
	s5 =	sld [smem:$0x3FA7]  }
0x2b: {  	s6 =	sld [smem:$0x3FA8]  }
0x2c: {  	s7 =	sld [smem:$0x3FA9]  }
0x2d: {  	s3 =	simm.s32 $0x108;
	s8 =	sld [smem:$0x3FAA]  }
0x2e: {  	s3 =	simm.s32 @!p0 $0x1082;
	s9 =	sld [smem:$0x3FAB]  }
0x2f: {  	lr =	sadd.s32 s0, s3;
	s0 =	sld [smem:$0x3FA2]  }
0x30: {  	s3 =	sld [smem:$0x3FA5]  }
0x31: {  	[smem:$0x3FAE] =	sst s10  }
0x32: {  	s10 =	sld [smem:$0x3FAC];
	_ =	sdelay $0x3  }
0x33: {  	p0 =	seq.s32 s10, $0x1;
	s10 =	sld [smem:$0x3FAE];
	_ =	sdelay $0x3  }
0x34: {  	[smem:$0x3FAE] =	sst s10  }
0x35: {  	s10 =	sld [smem:$0x3FAD];
	_ =	sdelay $0x3  }
0x36: {  	p1 =	seq.s32 s10, $0x1;
	s10 =	sld [smem:$0x3FAE];
	_ =	sdelay $0x3  }
0x37: {  	[smem:$0x3FAE] =	sst s10  }
0x38: {  	s10 =	sld [smem:$0x3FAF]  }
0x39: {  	_ = 	snop;
	(pc) =	sbr.ind lr, $3  }
0x3a: {  	_ = 	snop  }
0x3b: {  	_ = 	snop  }
0x3c: {  	p2 =	seq.s32 s10, $0x1;
	s10 =	sld [smem:$0x3FAE]  }
0x3d: {  	_ =	shalt  }
0x3e: {  	_ =	shalt  }
0x3f: {  	_ =	shalt  }
0x40: {  	_ =	shalt  }
0x41: {  	_ =	shalt  }
0x42: {  	_ =	shalt  }
0x43: {  	_ =	shalt  }
0x44: {  	_ =	shalt  }
0x45: {  	_ =	shalt  }
0x46: {  	_ =	shalt  }
0x47: {  	_ =	shalt  }
0x48: {  	_ =	shalt  }
0x49: {  	_ =	shalt  }
0x4a: {  	_ =	shalt  }
0x4b: {  	_ =	shalt  }
0x4c: {  	_ =	shalt  }
0x4d: {  	_ =	shalt  }
0x4e: {  	_ =	shalt  }
0x4f: {  	_ =	shalt  }
0x50: {  	_ =	shalt  }
0x51: {  	_ =	shalt  }
0x52: {  	_ =	shalt  }
0x53: {  	_ =	shalt  }
0x54: {  	_ =	shalt  }
0x55: {  	_ =	shalt  }
0x56: {  	_ =	shalt  }
0x57: {  	_ =	shalt  }
0x58: {  	_ =	shalt  }
0x59: {  	_ =	shalt  }
0x5a: {  	_ =	shalt  }
0x5b: {  	_ =	shalt  }
0x5c: {  	_ =	shalt  }
0x5d: {  	_ =	shalt  }
0x5e: {  	_ =	shalt  }
0x5f: {  	_ =	shalt  }
0x60: {  	_ =	shalt  }
0x61: {  	_ =	shalt  }
0x62: {  	_ =	shalt  }
0x63: {  	_ =	shalt  }
0x64: {  	_ =	shalt  }
0x65: {  	_ =	shalt  }
0x66: {  	_ =	shalt  }
0x67: {  	_ =	shalt  }
0x68: {  	_ =	shalt  }
0x69: {  	_ =	shalt  }
0x6a: {  	_ =	shalt  }
0x6b: {  	_ =	shalt  }
0x6c: {  	_ =	shalt  }
0x6d: {  	_ =	shalt  }
0x6e: {  	_ =	shalt  }
0x6f: {  	_ =	shalt  }
0x70: {  	_ =	shalt  }
0x71: {  	_ =	shalt  }
0x72: {  	_ =	shalt  }
0x73: {  	_ =	shalt  }
0x74: {  	_ =	shalt  }
0x75: {  	_ =	shalt  }
0x76: {  	_ =	shalt  }
0x77: {  	_ =	shalt  }
0x78: {  	_ =	shalt  }
0x79: {  	_ =	shalt  }
0x7a: {  	_ =	shalt  }
0x7b: {  	_ =	shalt  }
0x7c: {  	_ =	shalt  }
0x7d: {  	_ =	shalt  }
0x7e: {  	_ =	shalt  }
0x7f: {  	_ =	shalt  }
0x80: {  	_ =	shalt  }
0x81: {  	_ =	shalt  }
0x82: {  	_ =	shalt  }
0x83: {  	_ =	shalt  }
0x84: {  	_ =	shalt  }
0x85: {  	_ =	shalt  }
0x86: {  	_ =	shalt  }
0x87: {  	_ =	shalt  }
.Lfunc_end0:
.L_simem_size_0:
called_computation.3_lowered:
.L_overlay_start_0:
0x88: {  	s2 =	sld [smem:$0x3FD9]  }
0x89: {  	s3 =	sld [smem:$0x3FFE];
	_ =	sdelay $0x1  }
0x8a: {  	s1 =	srdreg.scid  }
0x8b: {  	s0 =	sand.u32 $0x1, s1  }
0x8c: {  	s16 =	sshll.u32 s0, $0xA;
	s2 =	sadd.s32 s3, s2  }
0x8d: {  	s2 =	sadd.s32 s2, s16  }
0x8e: {  	[smem:$0x3FBA] =	sst s2  }
0x8f: {  	_ = 	snop  }
0x90: {  	(tm) =	ssettm $0x1  }
0x91: {  	s17 =	sld [smem:$0x3FFB];
	_ =	sdelay $0x3  }
0x92: {  	_ =	strace s17  }
0x93: {  	s2 =	sld [smem:$0x3FFC];
	_ =	sdelay $0x3  }
0x94: {  	_ =	strace s2  }
0x95: {  	s2 =	sld [smem:$0x3FFD];
	_ =	sdelay $0x3  }
0x96: {  	_ =	strace s2  }
0x97: {  	_ =	strace $0x8FFFFFFF  }
0x98: {  	s18 =	sld [smem:$0x3FDB];
	_ =	sdelay $0x1  }
0x99: {  	s19 =	simm.s32 $_scs_section_size  }
0x9a: {  	s4 =	simm.s32 $_size__tile_overlayer_lowered;
	s5 =	simm.s32 $_tile_overlayer_lowered  }
0x9b: {  	s22 =	simm.s32 $0x1BFF;
	s21 =	sshll.u32 s5, $0x1;
	s2 =	sadd.s32 s19, s18  }
0x9c: {  	s6 =	simm.s32 $0x0;
	s20 =	sshll.u32 s4, $0x1;
	s4 =	sadd.s32 s21, s2  }
0x9d: {  	[timem:s6], [sflag:s22] =	dma.local [hbm:s4], s20  }
0x9e: {  	_ =	swait.ge [sflag:s22], s20  }
0x9f: {  	s3 =	ssub.s32 $0x0, s20;
	[sflag:s22] =	ssyncset.done $0x0  }
0xa0: {  	[sflag:s22] =	ssyncadd.s32 s3;
	_ =	sdelay $0x1  }
0xa1: {  	s23 =	simm.s32 $0x1B8B  }
0xa2: {  	_ =	swait.ge [sflag:s23], $0x1  }
0xa3: {  	[sflag:s23] =	ssyncset.done $0x0  }
0xa4: {  	s25 =	simm.s32 $0x1B8E;
	s24 =	sld [smem:$0x3FFE];
	[sflag:s23] =	ssyncadd.s32 $0xFFFFFFFF  }
0xa5: {  	s26 =	simm.s32 $execute0_lowered;
	[smem:$0x3FD2] =	sst s25  }
0xa6: {  	s4 =	sshll.u32 s26, $0x1;
	_ =	strace $0x8000004F;
	[dreg:$0x1] =	wrdreg $0xFFFFFFFF  }
0xa7: {  	s28 =	simm.s32 $_size_execute0_lowered;
	s2 =	sadd.s32 s2, s4;
	[dreg:$0x0] =	wrdreg $0x0  }
0xa8: {  	s4 =	sshll.u32 s28, $0x1;
	[dreg:$0x2] =	wrdreg s2  }
0xa9: {  	[dreg:$0x3] =	wrdreg s4  }
0xaa: {  	[dreg:$0x4] =	wrdreg $0xC0  }
0xab: {  	_ =	task [dreg:s6], $0x5FFFF  }
0xac: {  	[dreg:$0x1] =	wrdreg $0xFFFFFFFF  }
0xad: {  	[dreg:$0x0] =	wrdreg $0x60  }
0xae: {  	[dreg:$0x2] =	wrdreg s24  }
0xaf: {  	[dreg:$0x3] =	wrdreg $0x41000  }
0xb0: {  	[dreg:$0x4] =	wrdreg $0x9  }
0xb1: {  	_ =	task.clear_ibuf [dreg:s6], $0x5FFFF;
	_ =	strace $0x9000004F  }
0xb2: {  	s29 =	simm.s32 $0x9;
	_ =	strace $0x80000051  }
0xb3: {  	_ =	swait.ge [sflag:s29], $0x1  }
0xb4: {  	[sflag:s29] =	ssyncadd.s32 $0xFFFFFFFF  }
0xb5: {  	_ =	strace $0x90000051  }
0xb6: {  	_ =	sfence  }
0xb7: {  	s30 =	sld [smem:$0x0];
	_ =	sdelay $0x2  }
0xb8: {  	s31 =	sshll.u32 s1, $0xD;
	s1 =	sshrl.u32 s1, $0x2  }
0xb9: {  	s3 =	sand.u32 $0x4000, s31;
	s1 =	sadd.s32 s1, s30  }
0xba: {  	s0 =	sor.u32 s3, s0;
	s1 =	sshll.u32 s1, $0x11  }
0xbb: {  	s0 =	sor.u32 s1, s0  }
0xbc: {  	s0 =	sadd.s32 $0x8F2B, s0  }
0xbd: {  	[sflag:s0] =	ssyncadd.remote.s32 $0x1  }
0xbe: {  	_ =	sfence.sel $0xFFFF  }
0xbf: {  	[dreg:$0x0] =	wrdreg $0xFFFFFFFF;
	(pc) =	sbr.abs _section_cstart, $3  }
0xc0: {  	[dreg:$0x1] =	wrdreg $0xFFFFFFFF  }
0xc1: {  	_ =	task.clear_ibuf [dreg:s6], $0x2FFFF;
	_ =	strace $0x9FFFFFFF  }
0xc2: {  	(tm) =	ssettm $0x7FFFFFFF  }
0xc3: {  	_ =	shalt  }
tec
execute0_lowered:
.L_overlay_start_1:
0x0: {  	(tag) =	ssettag $0x1  }
0x1: {  	s4 =	rddreg [dreg:$0x0]  }
0x2: {  	s2 =	rddreg [dreg:$0x1]  }
0x3: {  	s0 =	rddreg [dreg:$0x2];
	s3 =	simm.s32 $0x0;
	s1 =	stileid.u32  }
0x4: {  	s5 =	srdreg.scid;
	s12 =	simm.s32 $0x80;
	s6 =	smul.u32 $0x500, s1  }
0x5: {  	s13 =	simm.s32 $0x100;
	s14 =	simm.s32 $0x1;
	s28 =	smul.u32 $0x50000, s1  }
0x6: {  	[smem:$0x7FF] =	sst s3;
	s5 =	sand.u32 $0x1, s5;
	s15 =	smul.u32 $0x2800, s1  }
0x7: {  	s31 =	sshll.u32 s1, $0x6;
	s7 =	smul.u32 $0x28000, s5;
	s5 =	ssub.s32 $0x2, s5  }
0x8: {  	_ =	strace $0x80000050;
	s8 =	sadd.s32 s6, s4;
	s29 =	sshrl.u32 s5, $0x1  }
0x9: {  	s30 =	sshrl.u32 s28, $0x2;
	s6 =	sor.u32 $0x1C02, s31;
	s9 =	sadd.s32 s7, s4  }
0xa: {  	s10 =	ssub.s32 s5, s29;
	s11 =	sadd.s32 s30, s2;
	s7 =	sadd.s32 $0x4E00, s8  }
0xb: {  	s8 =	sadd.s32 $0x9E00, s8;
	s4 =	sadd.s32 $0xEE00, s9;
	s16 =	sadd.s32 $0x5EE00, s9  }
0xc: {  	s9 =	smax.u32 s10, $0x1;
	s10 =	sshrl.u32 s11, $0x3;
	s11 =	simm.s32 $0x2  }
0xd: {  	s5 =	sadd.s32 s15, s4;
	s15 =	sadd.s32 s15, s16;
	s16 =	simm.s32 $0x0  }
.LBB2_1:
0xe: {  	[spmem:s10], [sflag:s6] =	dma.local [hbm:s5], $0x2800  }
0xf: {  	_ =	swait.ge [sflag:s11], $0x2800  }
0x10: {  	[sflag:s11] =	ssyncset.done $0x0  }
0x11: {  	[sflag:s11] =	ssyncadd.s32 $0xFFFFD800  }
0x12: {  	s17 =	sadd.s32 $0x0, s7;
	[bflag:$0x0] =	sbarrier.arrive $0xFFFF  }
0x13: {  	[tilespmem:s3], [sflag:$0x2] =	stream.linear.gather [hbm4b:s17+s3], $0x80, $0x38;
	[tilespmem:$0x18100] =	vst v63  }
0x14: {  	_ =	swait.ge [sflag:s11], $0x80  }
0x15: {  	[sflag:s11] =	ssyncset.done $0x0  }
0x16: {  	s31 =	sadd.s32 $0x0, s8;
	[sflag:s11] =	ssyncadd.s32 $0xFFFFFF80  }
0x17: {  	[tilespmem:s12], [sflag:$0x2] =	stream.linear.gather [hbm4b:s31+s3], $0x80, $0x38;
	[tilespmem:$0x18100] =	vst v63  }
0x18: {  	_ =	swait.ge [sflag:s11], $0x80  }
0x19: {  	[sflag:s11] =	ssyncset.done $0x0  }
0x1a: {  	[sflag:s11] =	ssyncadd.s32 $0xFFFFFF80  }
0x1b: {  	[tilespmem:s13], [sflag:$0x1] =	stream.indirect.gather [hbm4b:s4+s12], $0x80, s3, s12, $0xb8;
	[tilespmem:$0x18100] =	vst v63  }
0x1c: {  	_ =	swait.ge [sflag:s14], $0x4000  }
0x1d: {  	[sflag:s14] =	ssyncset.done $0x0  }
0x1e: {  	[sflag:s14] =	ssyncadd.s32 $0xFFFFC000  }
0x1f: {  	[spmem:s2] =	stream.indirect.scatter.add.f32 [tilespmem:s13], [sflag:$0x2], $0x80, s12, s12, $0xb8;
	[tilespmem:$0x18100] =	vst v63  }
0x20: {  	_ =	swait.ge [sflag:s11], $0x4000  }
0x21: {  	s18 =	simm.s32 $0x20;
	s17 =	simm.s32 $0x10;
	[sflag:s11] =	ssyncset.done $0x0  }
.LBB2_2:
0x22: {  	s19 =	sadd.s32 s17, s7  }
0x23: {  	[sflag:s11] =	ssyncadd.s32 $0xFFFFC000;
	s20 =	smov.u32 s18;
	s21 =	sadd.s32 $0x10, s18  }
0x24: {  	[tilespmem:s3], [sflag:$0x2] =	stream.linear.gather [hbm4b:s19+s3], $0x80, $0x38;
	[tilespmem:$0x18100] =	vst v63  }
0x25: {  	p0 =	sne.s32 s18, $0x4E0;
	_ =	swait.ge [sflag:s11], $0x80  }
0x26: {  	[sflag:s11] =	ssyncset.done $0x0  }
0x27: {  	s18 =	sadd.s32 s17, s8;
	s17 =	smov.u32 s20;
	[sflag:s11] =	ssyncadd.s32 $0xFFFFFF80  }
0x28: {  	[tilespmem:s12], [sflag:$0x2] =	stream.linear.gather [hbm4b:s18+s3], $0x80, $0x38;
	[tilespmem:$0x18100] =	vst v63  }
0x29: {  	_ =	swait.ge [sflag:s11], $0x80  }
0x2a: {  	[sflag:s11] =	ssyncset.done $0x0  }
0x2b: {  	[sflag:s11] =	ssyncadd.s32 $0xFFFFFF80  }
0x2c: {  	[tilespmem:s13], [sflag:$0x1] =	stream.indirect.gather [hbm4b:s4+s12], $0x80, s3, s12, $0xb8;
	[tilespmem:$0x18100] =	vst v63  }
0x2d: {  	_ =	swait.ge [sflag:s14], $0x4000  }
.Ltmp0:
0x2e: {  	[sflag:s14] =	ssyncset.done $0x0;
	(pc) =	sbr.rel @p0 .LBB2_2-.Ltmp0, $4  }
0x2f: {  	[sflag:s14] =	ssyncadd.s32 $0xFFFFC000  }
0x30: {  	[spmem:s2] =	stream.indirect.scatter.add.f32 [tilespmem:s13], [sflag:$0x2], $0x80, s12, s12, $0xb8;
	[tilespmem:$0x18100] =	vst v63  }
0x31: {  	_ =	swait.ge [sflag:s11], $0x4000  }
0x32: {  	s18 =	smov.u32 s21;
	[sflag:s11] =	ssyncset.done $0x0  }
0x33: {  	s18 =	sadd.s32 s17, s7;
	[sflag:s11] =	ssyncadd.s32 $0xFFFFC000  }
0x34: {  	[tilespmem:s3], [sflag:$0x2] =	stream.linear.gather [hbm4b:s18+s3], $0x80, $0x38;
	[tilespmem:$0x18100] =	vst v63  }
0x35: {  	_ =	swait.ge [sflag:s11], $0x80  }
0x36: {  	[sflag:s11] =	ssyncset.done $0x0  }
0x37: {  	s31 =	sadd.s32 s17, s8;
	[sflag:s11] =	ssyncadd.s32 $0xFFFFFF80  }
0x38: {  	[tilespmem:s12], [sflag:$0x2] =	stream.linear.gather [hbm4b:s31+s3], $0x80, $0x38;
	[tilespmem:$0x18100] =	vst v63  }
0x39: {  	_ =	swait.ge [sflag:s11], $0x80  }
0x3a: {  	[sflag:s11] =	ssyncset.done $0x0  }
0x3b: {  	[sflag:s11] =	ssyncadd.s32 $0xFFFFFF80  }
0x3c: {  	[tilespmem:s13], [sflag:$0x1] =	stream.indirect.gather [hbm4b:s4+s12], $0x80, s3, s12, $0xb8;
	[tilespmem:$0x18100] =	vst v63  }
0x3d: {  	_ =	swait.ge [sflag:s14], $0x4000  }
0x3e: {  	[sflag:s14] =	ssyncset.done $0x0  }
0x3f: {  	[sflag:s14] =	ssyncadd.s32 $0xFFFFC000  }
0x40: {  	[spmem:s2] =	stream.indirect.scatter.add.f32 [tilespmem:s13], [sflag:$0x2], $0x80, s12, s12, $0xb8;
	[tilespmem:$0x18100] =	vst v63  }
0x41: {  	_ =	swait.ge [sflag:s11], $0x4000  }
0x42: {  	s16 =	sadd.s32 $0x1, s16;
	[sflag:s11] =	ssyncset.done $0x0  }
0x43: {  	p0 =	sne.s32 s16, s9;
	[sflag:s11] =	ssyncadd.s32 $0xFFFFC000  }
.Ltmp1:
0x44: {  	[bflag:$0x0] =	sbarrier.arrive $0xFFFF;
	(pc) =	sbr.rel @p0 .LBB2_1-.Ltmp1, $4  }
0x45: {  	[hbm:s15], [sflag:s6] =	dma.local [spmem:s10], $0x2800  }
0x46: {  	_ =	swait.ge [sflag:s11], $0x2800  }
0x47: {  	[sflag:s11] =	ssyncset.done $0x0  }
0x48: {  	[sflag:s11] =	ssyncadd.s32 $0xFFFFD800  }
0x49: {  	_ =	sfence.sel $0x180000  }
0x4a: {  	[bflag:$0x0] =	sbarrier.arrive $0xFFFF  }
0x4b: {  	p0 =	sne.s32 s1, $0x0;
	_ =	strace $0x90000050  }
0x4c: {  	s0 =	sadd.s32 @!p0 $0x100000, s0;
	[bflag:$0x2] =	sbarrier.arrive $0xFFFF  }
0x4d: {  	[sflag:s0] =	ssyncadd.tile.s32 @!p0 $0x1;
	_ =	shalt  }
.Lfunc_end2:
_tile_overlayer_lowered:
.L_overlay_start_2:
0x4e: {  	(tag) =	ssettag $0x2  }
0x4f: {  	s0 =	rddreg [dreg:$0x0];
	s2 =	stileid.u32  }
0x50: {  	s1 =	rddreg [dreg:$0x1];
	p0 =	sne.s32 s2, $0x0  }
0x51: {  	s3 =	rddreg [dreg:$0x2];
	[bflag:$0x3] =	sbarrier.arrive $0xFFFF;
	s2 =	simm.s32 @!p0 $0x1C02  }
0x52: {  	[timem:s3], [sflag:s2] =	dma.local @!p0 [hbm:s0], s1  }
0x53: {  	s0 =	simm.s32 @!p0 $0x2  }
0x54: {  	_ =	swait.ge @!p0 [sflag:s0], s1  }
0x55: {  	s1 =	ssub.s32 @!p0 $0x0, s1;
	[sflag:s0] =	ssyncset.done @!p0 $0x0  }
0x56: {  	[sflag:s0] =	ssyncadd.s32 @!p0 s1  }
0x57: {  	[bflag:$0x3] =	sbarrier.arrive $0xFFFF  }
0x58: {  	_ =	shalt  }

// kernel: kernel.25.cloned.1.call-start
scs
__scs_entry_jumppad:
0x0: {  	(pc) =	sbr.rel $0x88, $3  }
0x1: {  	(tag) =	ssettag $0x0;
	lr =	simm.s32 $0x1  }
0x2: {  	[smem:$0x3F93] =	sst lr;
	_ =	strace $0xD0000000  }
0x3: {  	_ = 	snop  }
0x4: {  	_ = 	snop  }
0x5: {  	_ = 	snop  }
0x6: {  	_ = 	snop  }
0x7: {  	_ = 	snop  }
__scs_overlays_trampoline_lowered:
0x8: {  	[smem:$0x3FA2] =	sst s0  }
0x9: {  	[smem:$0x3FA3] =	sst s1  }
0xa: {  	[smem:$0x3FA4] =	sst s2  }
0xb: {  	[smem:$0x3FA5] =	sst s3  }
0xc: {  	[smem:$0x3FA6] =	sst s4  }
0xd: {  	[smem:$0x3FA7] =	sst s5  }
0xe: {  	[smem:$0x3FA8] =	sst s6  }
0xf: {  	[smem:$0x3FA9] =	sst s7  }
0x10: {  	[smem:$0x3FAA] =	sst s8  }
0x11: {  	[smem:$0x3FAB] =	sst s9;
	s0 =	simm.s32 @!p0 $0x0  }
0x12: {  	s1 =	sld [smem:$0x3F91];
	s0 =	simm.s32 @p0 $0x1  }
0x13: {  	[smem:$0x3FAC] =	sst s0;
	s0 =	simm.s32 @!p1 $0x0  }
0x14: {  	s2 =	sld [smem:$0x3F90];
	s0 =	simm.s32 @p1 $0x1  }
0x15: {  	[smem:$0x3FAD] =	sst s0;
	s0 =	simm.s32 @!p2 $0x0  }
0x16: {  	s3 =	sld [smem:$0x3FDB];
	s0 =	simm.s32 @p2 $0x1  }
0x17: {  	s4 =	simm.s32 $0x1BF5;
	[smem:$0x3FAF] =	sst s0  }
0x18: {  	s0 =	sld [smem:$0x3F92];
	_ =	swait.ge [sflag:s4], $0x0  }
0x19: {  	s7 =	sld [smem:$0x3F93]  }
0x1a: {  	s8 =	sadd.s32 $0xFFFFE003, lr  }
0x1b: {  	s9 =	sadd.s32 $0xFFFFFEF7, lr;
	s5 =	simm.s32 $0xFFFFFFFF;
	p2 =	slt.u32 s8, $0xFFFFF086  }
0x1c: {  	p1 =	slt.u32 s9, $0xF7A;
	s5 =	simm.s32 @!p2 $0x0  }
0x1d: {  	s5 =	simm.s32 @p1 $0x1;
	p0 =	seq.s32 s7, s2  }
0x1e: {  	s7 =	smul.u32 @!p0 $0xF7A, s2;
	p2 =	seq.s32 @!p0 s5, $0x0  }
0x1f: {  	s9 =	smul.u32 $0xF7A, s1;
	s8 =	simm.s32 @!p0 $0x1BF5;
	p2 =	por !p2, p0  }
0x20: {  	[sflag:s8] =	ssyncset.s32 @!p0 $0xFFFFF086;
	s6 =	sadd.s32 @!p0 s3, s7;
	s7 =	simm.s32 @!p0 $0x108  }
0x21: {  	s3 =	sadd.s32 s3, s9;
	s6 =	sadd.s32 @!p0 $0x88, s6;
	s7 =	simm.s32 @p2 $0x1082  }
0x22: {  	[simem:s7], [sflag:s8] =	dma.local @!p0 [hbm:s6], $0xF7A  }
0x23: {  	s9 =	sor.u32 $0xD0000000, s2;
	s6 =	simm.s32 $0x108;
	_ =	swait.ge @!p0 [sflag:s8], $0x0  }
0x24: {  	s3 =	sadd.s32 $0x88, s3;
	s6 =	simm.s32 @!p1 $0x1082;
	[sflag:s4] =	ssyncset.s32 $0xFFFFF086  }
0x25: {  	[simem:s6], [sflag:s4] =	dma.local [hbm:s3], $0xF7A  }
0x26: {  	[smem:$0x3F93] =	sst s1;
	(tag) =	ssettag s2;
	_ =	strace s9  }
0x27: {  	s1 =	sld [smem:$0x3FA3]  }
0x28: {  	s2 =	sld [smem:$0x3FA4]  }
0x29: {  	s4 =	sld [smem:$0x3FA6]  }
0x2a: {  	p0 =	seq.s32 s5, $0x0;
	s5 =	sld [smem:$0x3FA7]  }
0x2b: {  	s6 =	sld [smem:$0x3FA8]  }
0x2c: {  	s7 =	sld [smem:$0x3FA9]  }
0x2d: {  	s3 =	simm.s32 $0x108;
	s8 =	sld [smem:$0x3FAA]  }
0x2e: {  	s3 =	simm.s32 @!p0 $0x1082;
	s9 =	sld [smem:$0x3FAB]  }
0x2f: {  	lr =	sadd.s32 s0, s3;
	s0 =	sld [smem:$0x3FA2]  }
0x30: {  	s3 =	sld [smem:$0x3FA5]  }
0x31: {  	[smem:$0x3FAE] =	sst s10  }
0x32: {  	s10 =	sld [smem:$0x3FAC];
	_ =	sdelay $0x3  }
0x33: {  	p0 =	seq.s32 s10, $0x1;
	s10 =	sld [smem:$0x3FAE];
	_ =	sdelay $0x3  }
0x34: {  	[smem:$0x3FAE] =	sst s10  }
0x35: {  	s10 =	sld [smem:$0x3FAD];
	_ =	sdelay $0x3  }
0x36: {  	p1 =	seq.s32 s10, $0x1;
	s10 =	sld [smem:$0x3FAE];
	_ =	sdelay $0x3  }
0x37: {  	[smem:$0x3FAE] =	sst s10  }
0x38: {  	s10 =	sld [smem:$0x3FAF]  }
0x39: {  	_ = 	snop;
	(pc) =	sbr.ind lr, $3  }
0x3a: {  	_ = 	snop  }
0x3b: {  	_ = 	snop  }
0x3c: {  	p2 =	seq.s32 s10, $0x1;
	s10 =	sld [smem:$0x3FAE]  }
0x3d: {  	_ =	shalt  }
0x3e: {  	_ =	shalt  }
0x3f: {  	_ =	shalt  }
0x40: {  	_ =	shalt  }
0x41: {  	_ =	shalt  }
0x42: {  	_ =	shalt  }
0x43: {  	_ =	shalt  }
0x44: {  	_ =	shalt  }
0x45: {  	_ =	shalt  }
0x46: {  	_ =	shalt  }
0x47: {  	_ =	shalt  }
0x48: {  	_ =	shalt  }
0x49: {  	_ =	shalt  }
0x4a: {  	_ =	shalt  }
0x4b: {  	_ =	shalt  }
0x4c: {  	_ =	shalt  }
0x4d: {  	_ =	shalt  }
0x4e: {  	_ =	shalt  }
0x4f: {  	_ =	shalt  }
0x50: {  	_ =	shalt  }
0x51: {  	_ =	shalt  }
0x52: {  	_ =	shalt  }
0x53: {  	_ =	shalt  }
0x54: {  	_ =	shalt  }
0x55: {  	_ =	shalt  }
0x56: {  	_ =	shalt  }
0x57: {  	_ =	shalt  }
0x58: {  	_ =	shalt  }
0x59: {  	_ =	shalt  }
0x5a: {  	_ =	shalt  }
0x5b: {  	_ =	shalt  }
0x5c: {  	_ =	shalt  }
0x5d: {  	_ =	shalt  }
0x5e: {  	_ =	shalt  }
0x5f: {  	_ =	shalt  }
0x60: {  	_ =	shalt  }
0x61: {  	_ =	shalt  }
0x62: {  	_ =	shalt  }
0x63: {  	_ =	shalt  }
0x64: {  	_ =	shalt  }
0x65: {  	_ =	shalt  }
0x66: {  	_ =	shalt  }
0x67: {  	_ =	shalt  }
0x68: {  	_ =	shalt  }
0x69: {  	_ =	shalt  }
0x6a: {  	_ =	shalt  }
0x6b: {  	_ =	shalt  }
0x6c: {  	_ =	shalt  }
0x6d: {  	_ =	shalt  }
0x6e: {  	_ =	shalt  }
0x6f: {  	_ =	shalt  }
0x70: {  	_ =	shalt  }
0x71: {  	_ =	shalt  }
0x72: {  	_ =	shalt  }
0x73: {  	_ =	shalt  }
0x74: {  	_ =	shalt  }
0x75: {  	_ =	shalt  }
0x76: {  	_ =	shalt  }
0x77: {  	_ =	shalt  }
0x78: {  	_ =	shalt  }
0x79: {  	_ =	shalt  }
0x7a: {  	_ =	shalt  }
0x7b: {  	_ =	shalt  }
0x7c: {  	_ =	shalt  }
0x7d: {  	_ =	shalt  }
0x7e: {  	_ =	shalt  }
0x7f: {  	_ =	shalt  }
0x80: {  	_ =	shalt  }
0x81: {  	_ =	shalt  }
0x82: {  	_ =	shalt  }
0x83: {  	_ =	shalt  }
0x84: {  	_ =	shalt  }
0x85: {  	_ =	shalt  }
0x86: {  	_ =	shalt  }
0x87: {  	_ =	shalt  }
.Lfunc_end0:
.L_simem_size_0:
called_computation.4_lowered:
.L_overlay_start_0:
0x88: {  	s2 =	sld [smem:$0x3FD9]  }
0x89: {  	s3 =	sld [smem:$0x3FFE];
	_ =	sdelay $0x1  }
0x8a: {  	s1 =	srdreg.scid  }
0x8b: {  	s0 =	sand.u32 $0x1, s1  }
0x8c: {  	s16 =	sshll.u32 s0, $0xA;
	s2 =	sadd.s32 s3, s2  }
0x8d: {  	s2 =	sadd.s32 s2, s16  }
0x8e: {  	[smem:$0x3FBA] =	sst s2  }
0x8f: {  	_ = 	snop  }
0x90: {  	(tm) =	ssettm $0x1  }
0x91: {  	s17 =	sld [smem:$0x3FFB];
	_ =	sdelay $0x3  }
0x92: {  	_ =	strace s17  }
0x93: {  	s2 =	sld [smem:$0x3FFC];
	_ =	sdelay $0x3  }
0x94: {  	_ =	strace s2  }
0x95: {  	s2 =	sld [smem:$0x3FFD];
	_ =	sdelay $0x3  }
0x96: {  	_ =	strace s2  }
0x97: {  	_ =	strace $0x8FFFFFFF  }
0x98: {  	s18 =	sld [smem:$0x3FDB];
	_ =	sdelay $0x1  }
0x99: {  	s19 =	simm.s32 $_scs_section_size  }
0x9a: {  	s4 =	simm.s32 $_size__tile_overlayer_lowered;
	s5 =	simm.s32 $_tile_overlayer_lowered  }
0x9b: {  	s22 =	simm.s32 $0x1BFF;
	s21 =	sshll.u32 s5, $0x1;
	s2 =	sadd.s32 s19, s18  }
0x9c: {  	s6 =	simm.s32 $0x0;
	s20 =	sshll.u32 s4, $0x1;
	s4 =	sadd.s32 s21, s2  }
0x9d: {  	[timem:s6], [sflag:s22] =	dma.local [hbm:s4], s20  }
0x9e: {  	_ =	swait.ge [sflag:s22], s20  }
0x9f: {  	s3 =	ssub.s32 $0x0, s20;
	[sflag:s22] =	ssyncset.done $0x0  }
0xa0: {  	[sflag:s22] =	ssyncadd.s32 s3;
	_ =	sdelay $0x1  }
0xa1: {  	s23 =	simm.s32 $0x1B8B  }
0xa2: {  	_ =	swait.ge [sflag:s23], $0x1  }
0xa3: {  	[sflag:s23] =	ssyncset.done $0x0  }
0xa4: {  	s25 =	simm.s32 $0x1B8E;
	s24 =	sld [smem:$0x3FFE];
	[sflag:s23] =	ssyncadd.s32 $0xFFFFFFFF  }
0xa5: {  	s26 =	simm.s32 $execute0_lowered;
	[smem:$0x3FD2] =	sst s25  }
0xa6: {  	s4 =	sshll.u32 s26, $0x1;
	_ =	strace $0x80000052;
	[dreg:$0x1] =	wrdreg $0xFFFFFFFF  }
0xa7: {  	s28 =	simm.s32 $_size_execute0_lowered;
	s2 =	sadd.s32 s2, s4;
	[dreg:$0x0] =	wrdreg $0x0  }
0xa8: {  	s4 =	sshll.u32 s28, $0x1;
	[dreg:$0x2] =	wrdreg s2  }
0xa9: {  	[dreg:$0x3] =	wrdreg s4  }
0xaa: {  	[dreg:$0x4] =	wrdreg $0xC0  }
0xab: {  	_ =	task [dreg:s6], $0x5FFFF  }
0xac: {  	[dreg:$0x1] =	wrdreg $0xFFFFFFFF  }
0xad: {  	[dreg:$0x0] =	wrdreg $0x60  }
0xae: {  	[dreg:$0x2] =	wrdreg s24  }
0xaf: {  	[dreg:$0x3] =	wrdreg $0x41000  }
0xb0: {  	[dreg:$0x4] =	wrdreg $0x9  }
0xb1: {  	_ =	task.clear_ibuf [dreg:s6], $0x5FFFF;
	_ =	strace $0x90000052  }
0xb2: {  	s29 =	simm.s32 $0x9;
	_ =	strace $0x80000054  }
0xb3: {  	_ =	swait.ge [sflag:s29], $0x1  }
0xb4: {  	[sflag:s29] =	ssyncadd.s32 $0xFFFFFFFF  }
0xb5: {  	_ =	strace $0x90000054  }
0xb6: {  	_ =	sfence  }
0xb7: {  	s30 =	sld [smem:$0x0];
	_ =	sdelay $0x2  }
0xb8: {  	s31 =	sshll.u32 s1, $0xD;
	s1 =	sshrl.u32 s1, $0x2  }
0xb9: {  	s3 =	sand.u32 $0x4000, s31;
	s1 =	sadd.s32 s1, s30  }
0xba: {  	s0 =	sor.u32 s3, s0;
	s1 =	sshll.u32 s1, $0x11  }
0xbb: {  	s0 =	sor.u32 s1, s0  }
0xbc: {  	s0 =	sadd.s32 $0x8F2B, s0  }
0xbd: {  	[sflag:s0] =	ssyncadd.remote.s32 $0x1  }
0xbe: {  	_ =	sfence.sel $0xFFFF  }
0xbf: {  	[dreg:$0x0] =	wrdreg $0xFFFFFFFF;
	(pc) =	sbr.abs _section_cstart, $3  }
0xc0: {  	[dreg:$0x1] =	wrdreg $0xFFFFFFFF  }
0xc1: {  	_ =	task.clear_ibuf [dreg:s6], $0x2FFFF;
	_ =	strace $0x9FFFFFFF  }
0xc2: {  	(tm) =	ssettm $0x7FFFFFFF  }
0xc3: {  	_ =	shalt  }
tec
execute0_lowered:
.L_overlay_start_1:
0x0: {  	(tag) =	ssettag $0x1  }
0x1: {  	s4 =	rddreg [dreg:$0x0]  }
0x2: {  	s2 =	rddreg [dreg:$0x1]  }
0x3: {  	s0 =	rddreg [dreg:$0x2];
	s3 =	simm.s32 $0x0;
	s1 =	stileid.u32  }
0x4: {  	s5 =	srdreg.scid;
	s12 =	simm.s32 $0x80;
	s6 =	smul.u32 $0x500, s1  }
0x5: {  	s13 =	simm.s32 $0x100;
	s14 =	simm.s32 $0x1;
	s28 =	smul.u32 $0x50000, s1  }
0x6: {  	[smem:$0x7FF] =	sst s3;
	s5 =	sand.u32 $0x1, s5;
	s15 =	smul.u32 $0x2800, s1  }
0x7: {  	s31 =	sshll.u32 s1, $0x6;
	s7 =	smul.u32 $0x28000, s5;
	s5 =	ssub.s32 $0x2, s5  }
0x8: {  	_ =	strace $0x80000053;
	s8 =	sadd.s32 s6, s4;
	s29 =	sshrl.u32 s5, $0x1  }
0x9: {  	s30 =	sshrl.u32 s28, $0x2;
	s6 =	sor.u32 $0x1C02, s31;
	s9 =	sadd.s32 s7, s4  }
0xa: {  	s10 =	ssub.s32 s5, s29;
	s11 =	sadd.s32 s30, s2;
	s7 =	sadd.s32 $0x4E00, s8  }
0xb: {  	s8 =	sadd.s32 $0x9E00, s8;
	s4 =	sadd.s32 $0xEE00, s9;
	s16 =	sadd.s32 $0x5EE00, s9  }
0xc: {  	s9 =	smax.u32 s10, $0x1;
	s10 =	sshrl.u32 s11, $0x3;
	s11 =	simm.s32 $0x2  }
0xd: {  	s5 =	sadd.s32 s15, s4;
	s15 =	sadd.s32 s15, s16;
	s16 =	simm.s32 $0x0  }
.LBB2_1:
0xe: {  	[spmem:s10], [sflag:s6] =	dma.local [hbm:s5], $0x2800  }
0xf: {  	_ =	swait.ge [sflag:s11], $0x2800  }
0x10: {  	[sflag:s11] =	ssyncset.done $0x0  }
0x11: {  	[sflag:s11] =	ssyncadd.s32 $0xFFFFD800  }
0x12: {  	s17 =	sadd.s32 $0x0, s7;
	[bflag:$0x0] =	sbarrier.arrive $0xFFFF  }
0x13: {  	[tilespmem:s3], [sflag:$0x2] =	stream.linear.gather [hbm4b:s17+s3], $0x80, $0x38;
	[tilespmem:$0x18100] =	vst v63  }
0x14: {  	_ =	swait.ge [sflag:s11], $0x80  }
0x15: {  	[sflag:s11] =	ssyncset.done $0x0  }
0x16: {  	s31 =	sadd.s32 $0x0, s8;
	[sflag:s11] =	ssyncadd.s32 $0xFFFFFF80  }
0x17: {  	[tilespmem:s12], [sflag:$0x2] =	stream.linear.gather [hbm4b:s31+s3], $0x80, $0x38;
	[tilespmem:$0x18100] =	vst v63  }
0x18: {  	_ =	swait.ge [sflag:s11], $0x80  }
0x19: {  	[sflag:s11] =	ssyncset.done $0x0  }
0x1a: {  	[sflag:s11] =	ssyncadd.s32 $0xFFFFFF80  }
0x1b: {  	[tilespmem:s13], [sflag:$0x1] =	stream.indirect.gather [hbm4b:s4+s12], $0x80, s3, s12, $0xb8;
	[tilespmem:$0x18100] =	vst v63  }
0x1c: {  	_ =	swait.ge [sflag:s14], $0x4000  }
0x1d: {  	[sflag:s14] =	ssyncset.done $0x0  }
0x1e: {  	[sflag:s14] =	ssyncadd.s32 $0xFFFFC000  }
0x1f: {  	[spmem:s2] =	stream.indirect.scatter.add.f32 [tilespmem:s13], [sflag:$0x2], $0x80, s12, s12, $0xb8;
	[tilespmem:$0x18100] =	vst v63  }
0x20: {  	_ =	swait.ge [sflag:s11], $0x4000  }
0x21: {  	s18 =	simm.s32 $0x20;
	s17 =	simm.s32 $0x10;
	[sflag:s11] =	ssyncset.done $0x0  }
.LBB2_2:
0x22: {  	s19 =	sadd.s32 s17, s7  }
0x23: {  	[sflag:s11] =	ssyncadd.s32 $0xFFFFC000;
	s20 =	smov.u32 s18;
	s21 =	sadd.s32 $0x10, s18  }
0x24: {  	[tilespmem:s3], [sflag:$0x2] =	stream.linear.gather [hbm4b:s19+s3], $0x80, $0x38;
	[tilespmem:$0x18100] =	vst v63  }
0x25: {  	p0 =	sne.s32 s18, $0x4E0;
	_ =	swait.ge [sflag:s11], $0x80  }
0x26: {  	[sflag:s11] =	ssyncset.done $0x0  }
0x27: {  	s18 =	sadd.s32 s17, s8;
	s17 =	smov.u32 s20;
	[sflag:s11] =	ssyncadd.s32 $0xFFFFFF80  }
0x28: {  	[tilespmem:s12], [sflag:$0x2] =	stream.linear.gather [hbm4b:s18+s3], $0x80, $0x38;
	[tilespmem:$0x18100] =	vst v63  }
0x29: {  	_ =	swait.ge [sflag:s11], $0x80  }
0x2a: {  	[sflag:s11] =	ssyncset.done $0x0  }
0x2b: {  	[sflag:s11] =	ssyncadd.s32 $0xFFFFFF80  }
0x2c: {  	[tilespmem:s13], [sflag:$0x1] =	stream.indirect.gather [hbm4b:s4+s12], $0x80, s3, s12, $0xb8;
	[tilespmem:$0x18100] =	vst v63  }
0x2d: {  	_ =	swait.ge [sflag:s14], $0x4000  }
.Ltmp0:
0x2e: {  	[sflag:s14] =	ssyncset.done $0x0;
	(pc) =	sbr.rel @p0 .LBB2_2-.Ltmp0, $4  }
0x2f: {  	[sflag:s14] =	ssyncadd.s32 $0xFFFFC000  }
0x30: {  	[spmem:s2] =	stream.indirect.scatter.add.f32 [tilespmem:s13], [sflag:$0x2], $0x80, s12, s12, $0xb8;
	[tilespmem:$0x18100] =	vst v63  }
0x31: {  	_ =	swait.ge [sflag:s11], $0x4000  }
0x32: {  	s18 =	smov.u32 s21;
	[sflag:s11] =	ssyncset.done $0x0  }
0x33: {  	s18 =	sadd.s32 s17, s7;
	[sflag:s11] =	ssyncadd.s32 $0xFFFFC000  }
0x34: {  	[tilespmem:s3], [sflag:$0x2] =	stream.linear.gather [hbm4b:s18+s3], $0x80, $0x38;
	[tilespmem:$0x18100] =	vst v63  }
0x35: {  	_ =	swait.ge [sflag:s11], $0x80  }
0x36: {  	[sflag:s11] =	ssyncset.done $0x0  }
0x37: {  	s31 =	sadd.s32 s17, s8;
	[sflag:s11] =	ssyncadd.s32 $0xFFFFFF80  }
0x38: {  	[tilespmem:s12], [sflag:$0x2] =	stream.linear.gather [hbm4b:s31+s3], $0x80, $0x38;
	[tilespmem:$0x18100] =	vst v63  }
0x39: {  	_ =	swait.ge [sflag:s11], $0x80  }
0x3a: {  	[sflag:s11] =	ssyncset.done $0x0  }
0x3b: {  	[sflag:s11] =	ssyncadd.s32 $0xFFFFFF80  }
0x3c: {  	[tilespmem:s13], [sflag:$0x1] =	stream.indirect.gather [hbm4b:s4+s12], $0x80, s3, s12, $0xb8;
	[tilespmem:$0x18100] =	vst v63  }
0x3d: {  	_ =	swait.ge [sflag:s14], $0x4000  }
0x3e: {  	[sflag:s14] =	ssyncset.done $0x0  }
0x3f: {  	[sflag:s14] =	ssyncadd.s32 $0xFFFFC000  }
0x40: {  	[spmem:s2] =	stream.indirect.scatter.add.f32 [tilespmem:s13], [sflag:$0x2], $0x80, s12, s12, $0xb8;
	[tilespmem:$0x18100] =	vst v63  }
0x41: {  	_ =	swait.ge [sflag:s11], $0x4000  }
0x42: {  	s16 =	sadd.s32 $0x1, s16;
	[sflag:s11] =	ssyncset.done $0x0  }
0x43: {  	p0 =	sne.s32 s16, s9;
	[sflag:s11] =	ssyncadd.s32 $0xFFFFC000  }
.Ltmp1:
0x44: {  	[bflag:$0x0] =	sbarrier.arrive $0xFFFF;
	(pc) =	sbr.rel @p0 .LBB2_1-.Ltmp1, $4  }
0x45: {  	[hbm:s15], [sflag:s6] =	dma.local [spmem:s10], $0x2800  }
0x46: {  	_ =	swait.ge [sflag:s11], $0x2800  }
0x47: {  	[sflag:s11] =	ssyncset.done $0x0  }
0x48: {  	[sflag:s11] =	ssyncadd.s32 $0xFFFFD800  }
0x49: {  	_ =	sfence.sel $0x180000  }
0x4a: {  	[bflag:$0x0] =	sbarrier.arrive $0xFFFF  }
0x4b: {  	p0 =	sne.s32 s1, $0x0;
	_ =	strace $0x90000053  }
0x4c: {  	s0 =	sadd.s32 @!p0 $0x100000, s0;
	[bflag:$0x2] =	sbarrier.arrive $0xFFFF  }
0x4d: {  	[sflag:s0] =	ssyncadd.tile.s32 @!p0 $0x1;
	_ =	shalt  }
.Lfunc_end2:
_tile_overlayer_lowered:
.L_overlay_start_2:
0x4e: {  	(tag) =	ssettag $0x2  }
0x4f: {  	s0 =	rddreg [dreg:$0x0];
	s2 =	stileid.u32  }
0x50: {  	s1 =	rddreg [dreg:$0x1];
	p0 =	sne.s32 s2, $0x0  }
0x51: {  	s3 =	rddreg [dreg:$0x2];
	[bflag:$0x3] =	sbarrier.arrive $0xFFFF;
	s2 =	simm.s32 @!p0 $0x1C02  }
0x52: {  	[timem:s3], [sflag:s2] =	dma.local @!p0 [hbm:s0], s1  }
0x53: {  	s0 =	simm.s32 @!p0 $0x2  }
0x54: {  	_ =	swait.ge @!p0 [sflag:s0], s1  }
0x55: {  	s1 =	ssub.s32 @!p0 $0x0, s1;
	[sflag:s0] =	ssyncset.done @!p0 $0x0  }
0x56: {  	[sflag:s0] =	ssyncadd.s32 @!p0 s1  }
0x57: {  	[bflag:$0x3] =	sbarrier.arrive $0xFFFF  }
0x58: {  	_ =	shalt  }

</sc_bundles>
